<compile_context>
chip_gen: v7x
topology: tpu7x:2x2x1
jax: 0.10.2.dev20260603
libtpu: 0.0.44.dev20260713+nightly
codegen_flags: <defaults>
</compile_context>

<pallas_src>
import functools

import jax
import jax.numpy as jnp
from jax import lax
from jax.experimental import pallas as pl
from jax.experimental.pallas import tpu as pltpu
from jax.experimental.pallas import tpu_sc as plsc

N = 10000
D = 128
E = 320000

NC = 2
NS = 16
LANES = 16
CHUNK = 128
NCHUNK = 80
EPT = CHUNK * NCHUNK
EPAD = NC * NS * EPT

NPAD = 10240
RPT = NPAD // NS

MPAD = 10112
MRPT = MPAD // NS

_SC_MESH = plsc.VectorSubcoreMesh(core_axis_name="c", subcore_axis_name="s")


@functools.partial(
    pl.kernel,
    out_type=jax.ShapeDtypeStruct((NC, NPAD), jnp.float32),
    mesh=_SC_MESH,
    scratch_types=[
        pltpu.VMEM((NCHUNK, CHUNK), jnp.int32),
        pltpu.VMEM((NPAD,), jnp.float32),
        pltpu.VMEM((NS, RPT), jnp.float32),
        pltpu.VMEM((RPT,), jnp.float32),
        pltpu.VMEM_SHARED((NS, NPAD), jnp.float32),
    ],
    compiler_params=pltpu.CompilerParams(needs_layout_passes=False),
)
def _deg_kernel(col_hbm, out_hbm, col_v, hist_v, red_v, out_v, hists_sh):
    c = lax.axis_index("c")
    s = lax.axis_index("s")

    def _zfill(i, carry):
        hist_v[pl.ds(i * LANES, LANES)] = jnp.zeros((LANES,), jnp.float32)
        return carry

    lax.fori_loop(0, NPAD // LANES, _zfill, 0)

    pltpu.sync_copy(col_hbm.at[c, s], col_v)

    def _vreg(i, carry):
        j = i // (CHUNK // LANES)
        k = i % (CHUNK // LANES)
        idx = col_v[j, pl.ds(k * LANES, LANES)]
        counts, last = plsc.scan_count(idx)
        plsc.addupdate_scatter(hist_v, [idx], counts.astype(jnp.float32),
                               mask=last)
        return carry

    lax.fori_loop(0, EPT // LANES, _vreg, 0)

    pltpu.sync_copy(hist_v, hists_sh.at[s])
    plsc.subcore_barrier()
    pltpu.sync_copy(hists_sh.at[:, pl.ds(s * RPT, RPT)], red_v)

    def _red(v, carry):
        acc = jnp.zeros((LANES,), jnp.float32)
        for t in range(NS):
            acc = acc + red_v[t, pl.ds(v * LANES, LANES)]
        out_v[pl.ds(v * LANES, LANES)] = acc
        return carry

    lax.fori_loop(0, RPT // LANES, _red, 0)
    pltpu.sync_copy(out_v, out_hbm.at[c, pl.ds(s * RPT, RPT)])


MCHUNK = 128
MTOT = EPAD // (NS * MCHUNK)
MK0 = MTOT // NC
HBLK = 64
GSPLIT = 1


@functools.partial(
    pl.kernel,
    out_type=jax.ShapeDtypeStruct((NC, MPAD, D), jnp.float32),
    mesh=_SC_MESH,
    scratch_types=[
        pltpu.VMEM((HBLK, MCHUNK), jnp.int32),
        pltpu.VMEM((HBLK, MCHUNK), jnp.int32),
        pltpu.VMEM((2, MCHUNK, D), jnp.float32),
        pltpu.VMEM_SHARED((MPAD, D), jnp.float32),
        pltpu.SemaphoreType.DMA((2, GSPLIT)),
    ],
)
def _msg_kernel(y_hbm, row_hbm, col_hbm, out_hbm,
                row_v, col_v, rows_v, acc_sh, sem):
    c = lax.axis_index("c")
    s = lax.axis_index("s")

    def _zfill(i, carry):
        for jj in range(D // LANES):
            rows_v[0, i, pl.ds(jj * LANES, LANES)] = jnp.zeros((LANES,),
                                                               jnp.float32)
        return carry

    lax.fori_loop(0, MCHUNK, _zfill, 0)
    for k in range(MRPT // MCHUNK):
        pltpu.sync_copy(rows_v.at[0],
                        acc_sh.at[pl.ds(s * MRPT + k * MCHUNK, MCHUNK)])
    _ztail = MRPT % MCHUNK
    if _ztail:
        pltpu.sync_copy(rows_v.at[0, pl.ds(0, _ztail)],
                        acc_sh.at[pl.ds(s * MRPT + MRPT - _ztail, _ztail)])
    plsc.subcore_barrier()

    GS = MCHUNK // GSPLIT

    def _gather(j, b):
        for g in range(GSPLIT):
            pltpu.async_copy(y_hbm.at[row_v.at[j, pl.ds(g * GS, GS)]],
                             rows_v.at[b, pl.ds(g * GS, GS)], sem.at[b, g])

    def _gather_wait(j, b):
        for g in range(GSPLIT):
            pltpu.make_async_copy(y_hbm.at[row_v.at[j, pl.ds(g * GS, GS)]],
                                  rows_v.at[b, pl.ds(g * GS, GS)],
                                  sem.at[b, g]).wait()

    def _block(base, nch):
        pltpu.sync_copy(row_hbm.at[s, pl.ds(base, nch)], row_v.at[pl.ds(0, nch)])
        pltpu.sync_copy(col_hbm.at[s, pl.ds(base, nch)], col_v.at[pl.ds(0, nch)])
        _gather(0, 0)

        def _chunk(j, carry):
            b = lax.rem(j, 2)

            @pl.when(j + 1 < nch)
            def _():
                _gather(j + 1, 1 - b)

            _gather_wait(j, b)
            pltpu.sync_copy(rows_v.at[b], acc_sh.at[col_v.at[j]], add=True)
            return carry

        lax.fori_loop(0, nch, _chunk, 0)

    for bs in range(MK0 // HBLK):
        _block(c * MK0 + bs * HBLK, HBLK)
    _btail = MK0 % HBLK
    if _btail:
        _block(c * MK0 + MK0 - _btail, _btail)

    plsc.subcore_barrier()

    pltpu.sync_copy(acc_sh.at[pl.ds(s * MRPT, MRPT)],
                    out_hbm.at[c, pl.ds(s * MRPT, MRPT)])


BN = 2048
GRID = NPAD // BN


def _tcmm_body(x_ref, w_ref, xw_ref):
    xw_ref[...] = jnp.dot(x_ref[...], w_ref[...],
                          preferred_element_type=jnp.float32)


def _tc1_body(xw_ref, degp_ref, y_ref, dinv_ref):
    deg = degp_ref[0] + degp_ref[1] + 2.0
    dinv = lax.rsqrt(deg).reshape(BN, 1)
    y_ref[...] = xw_ref[...] * dinv
    dinv_ref[...] = dinv


def _tc2_body(acc_ref, y_ref, dinv_ref, b_ref, w_ref, y2_ref):
    dinv = dinv_ref[...]
    h = (acc_ref[0] + acc_ref[1] + 2.0 * y_ref[...]) * dinv + b_ref[...]
    h = jnp.maximum(h, 0.0)
    y2_ref[...] = jnp.dot(h, w_ref[...], preferred_element_type=jnp.float32) * dinv


def _tc3_body(acc_ref, y2_ref, dinv_ref, b_ref, out_ref):
    h = (acc_ref[0] + acc_ref[1] + 2.0 * y2_ref[...]) * dinv_ref[...] + b_ref[...]
    out_ref[...] = jnp.maximum(h, 0.0)


_tcmm = pl.pallas_call(
    _tcmm_body,
    grid=(GRID,),
    in_specs=[
        pl.BlockSpec((BN, D), lambda i: (i, 0)),
        pl.BlockSpec((D, D), lambda i: (0, 0)),
    ],
    out_specs=pl.BlockSpec((BN, D), lambda i: (i, 0)),
    out_shape=jax.ShapeDtypeStruct((N, D), jnp.float32),
)

_tc1 = pl.pallas_call(
    _tc1_body,
    grid=(GRID,),
    in_specs=[
        pl.BlockSpec((BN, D), lambda i: (i, 0)),
        pl.BlockSpec((NC, BN), lambda i: (0, i)),
    ],
    out_specs=(pl.BlockSpec((BN, D), lambda i: (i, 0)),
               pl.BlockSpec((BN, 1), lambda i: (i, 0))),
    out_shape=(jax.ShapeDtypeStruct((N, D), jnp.float32),
               jax.ShapeDtypeStruct((N, 1), jnp.float32)),
)

_tc2 = pl.pallas_call(
    _tc2_body,
    grid=(GRID,),
    in_specs=[
        pl.BlockSpec((NC, BN, D), lambda i: (0, i, 0)),
        pl.BlockSpec((BN, D), lambda i: (i, 0)),
        pl.BlockSpec((BN, 1), lambda i: (i, 0)),
        pl.BlockSpec((1, D), lambda i: (0, 0)),
        pl.BlockSpec((D, D), lambda i: (0, 0)),
    ],
    out_specs=pl.BlockSpec((BN, D), lambda i: (i, 0)),
    out_shape=jax.ShapeDtypeStruct((N, D), jnp.float32),
)

_tc3 = pl.pallas_call(
    _tc3_body,
    grid=(GRID,),
    in_specs=[
        pl.BlockSpec((NC, BN, D), lambda i: (0, i, 0)),
        pl.BlockSpec((BN, D), lambda i: (i, 0)),
        pl.BlockSpec((BN, 1), lambda i: (i, 0)),
        pl.BlockSpec((1, D), lambda i: (0, 0)),
    ],
    out_specs=pl.BlockSpec((BN, D), lambda i: (i, 0)),
    out_shape=jax.ShapeDtypeStruct((N, D), jnp.float32),
)


def kernel(x, edge_index, W1, b1, W2, b2):
    pad = EPAD - E
    pidx = jnp.arange(pad, dtype=jnp.int32)
    row_flat = jnp.concatenate([edge_index[0], pidx % MCHUNK])
    col_flat = jnp.concatenate([edge_index[1], N + pidx % (MPAD - N)])
    row_m = row_flat.reshape(NS, MTOT, MCHUNK)
    col_m = col_flat.reshape(NS, MTOT, MCHUNK)
    col_d = col_flat.reshape(NC, NS, NCHUNK, CHUNK)
    b1r = b1.reshape(1, D)
    b2r = b2.reshape(1, D)

    degp = _deg_kernel(col_d)
    xw1 = _tcmm(x, W1)
    y1, dinv = _tc1(xw1, degp)
    acc1 = _msg_kernel(y1, row_m, col_m)
    y2 = _tc2(acc1, y1, dinv, b1r, W2)
    acc2 = _msg_kernel(y2, row_m, col_m)
    return _tc3(acc2, y2, dinv, b2r)

# --- scband reference (transcript-rebuilt; emitter-appended) ---
"""Pipeline reference for scband-gnn-if-33827162423530 (READ-ONLY COPY).

The authoritative reference and input builder live on the scoring server;
editing this copy changes nothing except your own understanding.
"""

import jax, jax.numpy as jnp
import numpy as np

N = 10000
E = 320000
D = 128


def setup_inputs(seed: int = 0) -> dict:
    key = jax.random.key(seed)
    k1, k2, k3, k4, k5, k6 = jax.random.split(key, 6)
    x = jax.random.normal(k1, (N, D), dtype=jnp.float32)
    edge_index = jax.random.randint(k2, (2, E), 0, N, dtype=jnp.int32)
    s = 1.0 / np.sqrt(D)
    W1 = jax.random.normal(k3, (D, D), dtype=jnp.float32) * s
    b1 = jnp.zeros((D,), dtype=jnp.float32)
    W2 = jax.random.normal(k4, (D, D), dtype=jnp.float32) * s
    b2 = jnp.zeros((D,), dtype=jnp.float32)
    return {"x": x, "edge_index": edge_index, "W1": W1, "b1": b1, "W2": W2, "b2": b2}


def _gcn_layer(x, edge_index, W, b, n_nodes):
    # GCNConv with improved=True: A_hat = A + 2I, symmetric normalization
    row = edge_index[0]
    col = edge_index[1]
    loop = jnp.arange(n_nodes, dtype=row.dtype)
    row_full = jnp.concatenate([row, loop])
    col_full = jnp.concatenate([col, loop])
    ew = jnp.concatenate([
        jnp.ones((row.shape[0],), dtype=jnp.float32),
        2.0 * jnp.ones((n_nodes,), dtype=jnp.float32),
    ])
    deg = jax.ops.segment_sum(ew, col_full, num_segments=n_nodes)
    dinv = jnp.where(deg > 0, 1.0 / jnp.sqrt(deg), 0.0)
    norm = dinv[row_full] * dinv[col_full] * ew
    xw = x @ W
    msgs = xw[row_full] * norm[:, None]
    out = jax.ops.segment_sum(msgs, col_full, num_segments=n_nodes)
    return out + b


def reference(x, edge_index, W1, b1, W2, b2):
    # layer 1 -> relu -> (dropout identity in eval) -> layer 2 -> relu
    h = _gcn_layer(x, edge_index, W1, b1, N)
    h = jax.nn.relu(h)
    h = _gcn_layer(h, edge_index, W2, b2, N)
    h = jax.nn.relu(h)
    return h

if __name__ == "__main__":
    import jax
    _d = setup_inputs()
    print(jax.jit(kernel)(*tuple(_d.values())))

</pallas_src>

<mosaic_0001>
#map = affine_map<(d0, d1) -> (0, 0, 0, 0)>
#map1 = affine_map<(d0, d1) -> (0, 0)>
module attributes {stable_mosaic.version = 14 : i64} {
  func.func @_deg_kernel(%arg0: i32, %arg1: i32, %arg2: memref<2x16x80x128xi32, #tpu.memory_space<hbm>>, %arg3: memref<2x10240xf32, #tpu.memory_space<hbm>>, %arg4: memref<80x128xi32, #tpu.memory_space<vmem>>, %arg5: memref<10240xf32, #tpu.memory_space<vmem>>, %arg6: memref<16x640xf32, #tpu.memory_space<vmem>>, %arg7: memref<640xf32, #tpu.memory_space<vmem>>, %arg8: memref<16x10240xf32, #tpu.memory_space<vmem_shared>>) attributes {dimension_semantics = [#tpu.dimension_semantics<core_parallel>, #tpu.dimension_semantics<subcore_parallel>], iteration_bounds = array<i64: 2, 16>, scalar_prefetch = 0 : i64, scratch_operands = 5 : i64, tpu.core_type = #tpu.core_type<sc_vector_subcore>, window_params = [{transform_indices = #map}, {transform_indices = #map1}]} {
    %scan3A = arith.constant 0 : i32
    %scan3A_0 = arith.constant 0 : i32
    %scan3A_1 = arith.constant 640 : i32
    %scan3A_2 = arith.addi %scan3A_0, %scan3A_1 : i32
    %scan3A_3 = arith.constant 1 : i32
    scf.for %scan3A_20 = %scan3A_0 to %scan3A_2 step %scan3A_3  : i32 {
      %broadcast_in_dim3A = arith.constant 0.000000e+00 : f32
      %broadcast_in_dim3A_21 = vector.broadcast %broadcast_in_dim3A : f32 to vector<16xf32>
      %mul3A_22 = arith.constant 16 : i32
      %mul3A_23 = arith.muli %scan3A_20, %mul3A_22 : i32
      %swap3A = arith.index_cast %mul3A_23 : i32 to index
      %swap3A_24 = tpu.vector_load %arg5[%swap3A] {strides = array<i32>} : memref<10240xf32, #tpu.memory_space<vmem>>, vector<16xf32>,
      tpu.vector_store %arg5[%swap3A], %broadcast_in_dim3A_21 {strides = array<i32>} : memref<10240xf32, #tpu.memory_space<vmem>>, vector<16xf32>,
    }
    %scan3A_4 = arith.constant 640 : i32
    "tpu.region"() ({
      %run_scoped3A = tpu.sem_alloc : memref<!tpu.dma_semaphore, #tpu.memory_space<semaphore_mem>>
      %dma_start3A = arith.constant 0 : i32
      %dma_start3A_20 = arith.constant 0 : i32
      %dma_start3A_21 = tpu.memref_slice %arg2[%arg0, %arg1, %dma_start3A, %dma_start3A_20] : memref<2x16x80x128xi32, #tpu.memory_space<hbm>> -> memref<1x1x80x128xi32, #tpu.memory_space<hbm>>
      %dma_start3A_22 = tpu.memref_squeeze %dma_start3A_21 : memref<1x1x80x128xi32, #tpu.memory_space<hbm>> -> memref<80x128xi32, #tpu.memory_space<hbm>>
      %dma_start3A_23 = arith.constant 0 : i32
      %dma_start3A_24 = arith.constant 0 : i32
      %dma_start3A_25 = tpu.memref_slice %arg2[%arg0, %arg1, %dma_start3A_23, %dma_start3A_24] : memref<2x16x80x128xi32, #tpu.memory_space<hbm>> -> memref<1x1x80x128xi32, #tpu.memory_space<hbm>>
      %dma_start3A_26 = tpu.memref_squeeze %dma_start3A_25 : memref<1x1x80x128xi32, #tpu.memory_space<hbm>> -> memref<80x128xi32, #tpu.memory_space<hbm>>
      tpu.enqueue_dma source(%dma_start3A_26 : memref<80x128xi32, #tpu.memory_space<hbm>>) target(%arg4 : memref<80x128xi32, #tpu.memory_space<vmem>>) target_semaphore(%run_scoped3A : memref<!tpu.dma_semaphore, #tpu.memory_space<semaphore_mem>>)
      %dma_wait3A = arith.constant 0 : i32
      %dma_wait3A_27 = arith.constant 0 : i32
      %dma_wait3A_28 = tpu.memref_slice %arg2[%arg0, %arg1, %dma_wait3A, %dma_wait3A_27] : memref<2x16x80x128xi32, #tpu.memory_space<hbm>> -> memref<1x1x80x128xi32, #tpu.memory_space<hbm>>
      %dma_wait3A_29 = tpu.memref_squeeze %dma_wait3A_28 : memref<1x1x80x128xi32, #tpu.memory_space<hbm>> -> memref<80x128xi32, #tpu.memory_space<hbm>>
      %dma_wait3A_30 = arith.constant 0 : i32
      %dma_wait3A_31 = arith.constant 0 : i32
      %dma_wait3A_32 = tpu.memref_slice %arg2[%arg0, %arg1, %dma_wait3A_30, %dma_wait3A_31] : memref<2x16x80x128xi32, #tpu.memory_space<hbm>> -> memref<1x1x80x128xi32, #tpu.memory_space<hbm>>
      %dma_wait3A_33 = tpu.memref_squeeze %dma_wait3A_32 : memref<1x1x80x128xi32, #tpu.memory_space<hbm>> -> memref<80x128xi32, #tpu.memory_space<hbm>>
      tpu.wait_dma2 semaphore(%run_scoped3A : memref<!tpu.dma_semaphore, #tpu.memory_space<semaphore_mem>>) src(%dma_wait3A_33 : memref<80x128xi32, #tpu.memory_space<hbm>>) dst(%arg4 : memref<80x128xi32, #tpu.memory_space<vmem>>)
      tpu.yield
    }) : () -> ()
    %scan3A_5 = arith.constant 0 : i32
    %scan3A_6 = arith.constant 0 : i32
    %scan3A_7 = arith.constant 640 : i32
    %scan3A_8 = arith.addi %scan3A_6, %scan3A_7 : i32
    %scan3A_9 = arith.constant 1 : i32
    scf.for %scan3A_20 = %scan3A_6 to %scan3A_8 step %scan3A_9  : i32 {
      %jit3A = arith.constant 8 : i32
      %div3A = arith.divsi %scan3A_20, %jit3A : i32
      %sign3A = arith.constant 0 : i32
      %sign3A_21 = arith.cmpi sgt, %scan3A_20, %sign3A : i32
      %sign3A_22 = arith.extui %sign3A_21 : i1 to i32
      %sign3A_23 = arith.constant 0 : i32
      %sign3A_24 = arith.cmpi slt, %scan3A_20, %sign3A_23 : i32
      %sign3A_25 = arith.extui %sign3A_24 : i1 to i32
      %sign3A_26 = arith.subi %sign3A_22, %sign3A_25 : i32
      %sign3A_27 = arith.constant 0 : i32
      %sign3A_28 = arith.cmpi sgt, %jit3A, %sign3A_27 : i32
      %sign3A_29 = arith.extui %sign3A_28 : i1 to i32
      %sign3A_30 = arith.constant 0 : i32
      %sign3A_31 = arith.cmpi slt, %jit3A, %sign3A_30 : i32
      %sign3A_32 = arith.extui %sign3A_31 : i1 to i32
      %sign3A_33 = arith.subi %sign3A_29, %sign3A_32 : i32
      %ne3A = arith.cmpi ne, %sign3A_26, %sign3A_33 : i32
      %rem3A = arith.remsi %scan3A_20, %jit3A : i32
      %ne3A_34 = arith.constant 0 : i32
      %ne3A_35 = arith.cmpi ne, %rem3A, %ne3A_34 : i32
      %and3A = arith.andi %ne3A, %ne3A_35 : i1
      %sub3A = arith.constant 1 : i32
      %sub3A_36 = arith.subi %div3A, %sub3A : i32
      %select_n3A = arith.select %and3A, %sub3A_36, %div3A : i32
      %jit3A_37 = arith.constant 8 : i32
      %eq3A = arith.constant 0 : i32
      %eq3A_38 = arith.cmpi eq, %jit3A_37, %eq3A : i32
      %jit3A_39 = arith.constant 1 : i32
      %select_n3A_40 = arith.select %eq3A_38, %jit3A_39, %jit3A_37 : i32
      %rem3A_41 = arith.remsi %scan3A_20, %select_n3A_40 : i32
      %ne3A_42 = arith.constant 0 : i32
      %ne3A_43 = arith.cmpi ne, %rem3A_41, %ne3A_42 : i32
      %lt3A = arith.constant 0 : i32
      %lt3A_44 = arith.cmpi slt, %rem3A_41, %lt3A : i32
      %lt3A_45 = arith.constant 0 : i32
      %lt3A_46 = arith.cmpi slt, %select_n3A_40, %lt3A_45 : i32
      %ne3A_47 = arith.xori %lt3A_44, %lt3A_46 : i1
      %and3A_48 = arith.andi %ne3A_47, %ne3A_43 : i1
      %add3A = arith.addi %rem3A_41, %select_n3A_40 : i32
      %select_n3A_49 = arith.select %and3A_48, %add3A, %rem3A_41 : i32
      %mul3A_50 = arith.constant 16 : i32
      %mul3A_51 = arith.muli %select_n3A_49, %mul3A_50 : i32
      %get3A = arith.index_cast %select_n3A : i32 to index
      %get3A_52 = arith.index_cast %mul3A_51 : i32 to index
      %get3A_53 = tpu.vector_load %arg4[%get3A, %get3A_52] {strides = array<i32>} : memref<80x128xi32, #tpu.memory_space<vmem>>, vector<16xi32>,
      %broadcast_in_dim3A = arith.constant true
      %broadcast_in_dim3A_54 = vector.broadcast %broadcast_in_dim3A : i1 to vector<16xi1>
      %unique3A, %unique3A_55 = tpu.scan_count mask(%broadcast_in_dim3A_54 : vector<16xi1>) value(%get3A_53 : vector<16xi32>) : vector<16xi1>, vector<16xi32>
      %convert_element_type3A = arith.sitofp %unique3A_55 : vector<16xi32> to vector<16xf32>
      tpu.vector_store_idx %arg5[%get3A_53], %convert_element_type3A masked %unique3A {add = true} : memref<10240xf32, #tpu.memory_space<vmem>>[vector<16xi32>], vector<16xf32>, vector<16xi1>
    }
    %scan3A_10 = arith.constant 640 : i32
    "tpu.region"() ({
      %run_scoped3A = tpu.sem_alloc : memref<!tpu.dma_semaphore, #tpu.memory_space<semaphore_mem>>
      %dma_start3A = arith.constant 0 : i32
      %dma_start3A_20 = tpu.memref_slice %arg8[%arg1, %dma_start3A] : memref<16x10240xf32, #tpu.memory_space<vmem_shared>> -> memref<1x10240xf32, #tpu.memory_space<vmem_shared>>
      %dma_start3A_21 = tpu.memref_squeeze %dma_start3A_20 : memref<1x10240xf32, #tpu.memory_space<vmem_shared>> -> memref<10240xf32, #tpu.memory_space<vmem_shared>>
      %dma_start3A_22 = arith.constant 0 : i32
      %dma_start3A_23 = tpu.memref_slice %arg8[%arg1, %dma_start3A_22] : memref<16x10240xf32, #tpu.memory_space<vmem_shared>> -> memref<1x10240xf32, #tpu.memory_space<vmem_shared>>
      %dma_start3A_24 = tpu.memref_squeeze %dma_start3A_23 : memref<1x10240xf32, #tpu.memory_space<vmem_shared>> -> memref<10240xf32, #tpu.memory_space<vmem_shared>>
      tpu.enqueue_dma source(%arg5 : memref<10240xf32, #tpu.memory_space<vmem>>) target(%dma_start3A_24 : memref<10240xf32, #tpu.memory_space<vmem_shared>>) target_semaphore(%run_scoped3A : memref<!tpu.dma_semaphore, #tpu.memory_space<semaphore_mem>>)
      %dma_wait3A = arith.constant 0 : i32
      %dma_wait3A_25 = tpu.memref_slice %arg8[%arg1, %dma_wait3A] : memref<16x10240xf32, #tpu.memory_space<vmem_shared>> -> memref<1x10240xf32, #tpu.memory_space<vmem_shared>>
      %dma_wait3A_26 = tpu.memref_squeeze %dma_wait3A_25 : memref<1x10240xf32, #tpu.memory_space<vmem_shared>> -> memref<10240xf32, #tpu.memory_space<vmem_shared>>
      %dma_wait3A_27 = arith.constant 0 : i32
      %dma_wait3A_28 = tpu.memref_slice %arg8[%arg1, %dma_wait3A_27] : memref<16x10240xf32, #tpu.memory_space<vmem_shared>> -> memref<1x10240xf32, #tpu.memory_space<vmem_shared>>
      %dma_wait3A_29 = tpu.memref_squeeze %dma_wait3A_28 : memref<1x10240xf32, #tpu.memory_space<vmem_shared>> -> memref<10240xf32, #tpu.memory_space<vmem_shared>>
      tpu.wait_dma2 semaphore(%run_scoped3A : memref<!tpu.dma_semaphore, #tpu.memory_space<semaphore_mem>>) src(%arg5 : memref<10240xf32, #tpu.memory_space<vmem>>) dst(%dma_wait3A_29 : memref<10240xf32, #tpu.memory_space<vmem_shared>>)
      tpu.yield
    }) : () -> ()
    %barrier3A = arith.constant 0 : index
    tpu.barrier barrier_id(%barrier3A)
    %mul3A = arith.constant 640 : i32
    %mul3A_11 = arith.muli %arg1, %mul3A : i32
    "tpu.region"() ({
      %run_scoped3A = tpu.sem_alloc : memref<!tpu.dma_semaphore, #tpu.memory_space<semaphore_mem>>
      %dma_start3A = arith.constant 0 : i32
      %dma_start3A_20 = tpu.memref_slice %arg8[%dma_start3A, %mul3A_11] : memref<16x10240xf32, #tpu.memory_space<vmem_shared>> -> memref<16x640xf32, #tpu.memory_space<vmem_shared>>
      %dma_start3A_21 = arith.constant 0 : i32
      %dma_start3A_22 = tpu.memref_slice %arg8[%dma_start3A_21, %mul3A_11] : memref<16x10240xf32, #tpu.memory_space<vmem_shared>> -> memref<16x640xf32, #tpu.memory_space<vmem_shared>>
      tpu.enqueue_dma source(%dma_start3A_22 : memref<16x640xf32, #tpu.memory_space<vmem_shared>>) target(%arg6 : memref<16x640xf32, #tpu.memory_space<vmem>>) target_semaphore(%run_scoped3A : memref<!tpu.dma_semaphore, #tpu.memory_space<semaphore_mem>>)
      %dma_wait3A = arith.constant 0 : i32
      %dma_wait3A_23 = tpu.memref_slice %arg8[%dma_wait3A, %mul3A_11] : memref<16x10240xf32, #tpu.memory_space<vmem_shared>> -> memref<16x640xf32, #tpu.memory_space<vmem_shared>>
      %dma_wait3A_24 = arith.constant 0 : i32
      %dma_wait3A_25 = tpu.memref_slice %arg8[%dma_wait3A_24, %mul3A_11] : memref<16x10240xf32, #tpu.memory_space<vmem_shared>> -> memref<16x640xf32, #tpu.memory_space<vmem_shared>>
      tpu.wait_dma2 semaphore(%run_scoped3A : memref<!tpu.dma_semaphore, #tpu.memory_space<semaphore_mem>>) src(%dma_wait3A_25 : memref<16x640xf32, #tpu.memory_space<vmem_shared>>) dst(%arg6 : memref<16x640xf32, #tpu.memory_space<vmem>>)
      tpu.yield
    }) : () -> ()
    %scan3A_12 = arith.constant 0 : i32
    %scan3A_13 = arith.constant 0 : i32
    %scan3A_14 = arith.constant 40 : i32
    %scan3A_15 = arith.addi %scan3A_13, %scan3A_14 : i32
    %scan3A_16 = arith.constant 1 : i32
    scf.for %scan3A_20 = %scan3A_13 to %scan3A_15 step %scan3A_16  : i32 {
      %broadcast_in_dim3A = arith.constant 0.000000e+00 : f32
      %broadcast_in_dim3A_21 = vector.broadcast %broadcast_in_dim3A : f32 to vector<16xf32>
      %mul3A_22 = arith.constant 16 : i32
      %mul3A_23 = arith.muli %scan3A_20, %mul3A_22 : i32
      %get3A = arith.constant 0 : i32
      %get3A_24 = arith.index_cast %get3A : i32 to index
      %get3A_25 = arith.index_cast %mul3A_23 : i32 to index
      %get3A_26 = tpu.vector_load %arg6[%get3A_24, %get3A_25] {strides = array<i32>} : memref<16x640xf32, #tpu.memory_space<vmem>>, vector<16xf32>,
      %add3A = arith.addf %broadcast_in_dim3A_21, %get3A_26 : vector<16xf32>
      %mul3A_27 = arith.constant 16 : i32
      %mul3A_28 = arith.muli %scan3A_20, %mul3A_27 : i32
      %get3A_29 = arith.constant 1 : i32
      %get3A_30 = arith.index_cast %get3A_29 : i32 to index
      %get3A_31 = arith.index_cast %mul3A_28 : i32 to index
      %get3A_32 = tpu.vector_load %arg6[%get3A_30, %get3A_31] {strides = array<i32>} : memref<16x640xf32, #tpu.memory_space<vmem>>, vector<16xf32>,
      %add3A_33 = arith.addf %add3A, %get3A_32 : vector<16xf32>
      %mul3A_34 = arith.constant 16 : i32
      %mul3A_35 = arith.muli %scan3A_20, %mul3A_34 : i32
      %get3A_36 = arith.constant 2 : i32
      %get3A_37 = arith.index_cast %get3A_36 : i32 to index
      %get3A_38 = arith.index_cast %mul3A_35 : i32 to index
      %get3A_39 = tpu.vector_load %arg6[%get3A_37, %get3A_38] {strides = array<i32>} : memref<16x640xf32, #tpu.memory_space<vmem>>, vector<16xf32>,
      %add3A_40 = arith.addf %add3A_33, %get3A_39 : vector<16xf32>
      %mul3A_41 = arith.constant 16 : i32
      %mul3A_42 = arith.muli %scan3A_20, %mul3A_41 : i32
      %get3A_43 = arith.constant 3 : i32
      %get3A_44 = arith.index_cast %get3A_43 : i32 to index
      %get3A_45 = arith.index_cast %mul3A_42 : i32 to index
      %get3A_46 = tpu.vector_load %arg6[%get3A_44, %get3A_45] {strides = array<i32>} : memref<16x640xf32, #tpu.memory_space<vmem>>, vector<16xf32>,
      %add3A_47 = arith.addf %add3A_40, %get3A_46 : vector<16xf32>
      %mul3A_48 = arith.constant 16 : i32
      %mul3A_49 = arith.muli %scan3A_20, %mul3A_48 : i32
      %get3A_50 = arith.constant 4 : i32
      %get3A_51 = arith.index_cast %get3A_50 : i32 to index
      %get3A_52 = arith.index_cast %mul3A_49 : i32 to index
      %get3A_53 = tpu.vector_load %arg6[%get3A_51, %get3A_52] {strides = array<i32>} : memref<16x640xf32, #tpu.memory_space<vmem>>, vector<16xf32>,
      %add3A_54 = arith.addf %add3A_47, %get3A_53 : vector<16xf32>
      %mul3A_55 = arith.constant 16 : i32
      %mul3A_56 = arith.muli %scan3A_20, %mul3A_55 : i32
      %get3A_57 = arith.constant 5 : i32
      %get3A_58 = arith.index_cast %get3A_57 : i32 to index
      %get3A_59 = arith.index_cast %mul3A_56 : i32 to index
      %get3A_60 = tpu.vector_load %arg6[%get3A_58, %get3A_59] {strides = array<i32>} : memref<16x640xf32, #tpu.memory_space<vmem>>, vector<16xf32>,
      %add3A_61 = arith.addf %add3A_54, %get3A_60 : vector<16xf32>
      %mul3A_62 = arith.constant 16 : i32
      %mul3A_63 = arith.muli %scan3A_20, %mul3A_62 : i32
      %get3A_64 = arith.constant 6 : i32
      %get3A_65 = arith.index_cast %get3A_64 : i32 to index
      %get3A_66 = arith.index_cast %mul3A_63 : i32 to index
      %get3A_67 = tpu.vector_load %arg6[%get3A_65, %get3A_66] {strides = array<i32>} : memref<16x640xf32, #tpu.memory_space<vmem>>, vector<16xf32>,
      %add3A_68 = arith.addf %add3A_61, %get3A_67 : vector<16xf32>
      %mul3A_69 = arith.constant 16 : i32
      %mul3A_70 = arith.muli %scan3A_20, %mul3A_69 : i32
      %get3A_71 = arith.constant 7 : i32
      %get3A_72 = arith.index_cast %get3A_71 : i32 to index
      %get3A_73 = arith.index_cast %mul3A_70 : i32 to index
      %get3A_74 = tpu.vector_load %arg6[%get3A_72, %get3A_73] {strides = array<i32>} : memref<16x640xf32, #tpu.memory_space<vmem>>, vector<16xf32>,
      %add3A_75 = arith.addf %add3A_68, %get3A_74 : vector<16xf32>
      %mul3A_76 = arith.constant 16 : i32
      %mul3A_77 = arith.muli %scan3A_20, %mul3A_76 : i32
      %get3A_78 = arith.constant 8 : i32
      %get3A_79 = arith.index_cast %get3A_78 : i32 to index
      %get3A_80 = arith.index_cast %mul3A_77 : i32 to index
      %get3A_81 = tpu.vector_load %arg6[%get3A_79, %get3A_80] {strides = array<i32>} : memref<16x640xf32, #tpu.memory_space<vmem>>, vector<16xf32>,
      %add3A_82 = arith.addf %add3A_75, %get3A_81 : vector<16xf32>
      %mul3A_83 = arith.constant 16 : i32
      %mul3A_84 = arith.muli %scan3A_20, %mul3A_83 : i32
      %get3A_85 = arith.constant 9 : i32
      %get3A_86 = arith.index_cast %get3A_85 : i32 to index
      %get3A_87 = arith.index_cast %mul3A_84 : i32 to index
      %get3A_88 = tpu.vector_load %arg6[%get3A_86, %get3A_87] {strides = array<i32>} : memref<16x640xf32, #tpu.memory_space<vmem>>, vector<16xf32>,
      %add3A_89 = arith.addf %add3A_82, %get3A_88 : vector<16xf32>
      %mul3A_90 = arith.constant 16 : i32
      %mul3A_91 = arith.muli %scan3A_20, %mul3A_90 : i32
      %get3A_92 = arith.constant 10 : i32
      %get3A_93 = arith.index_cast %get3A_92 : i32 to index
      %get3A_94 = arith.index_cast %mul3A_91 : i32 to index
      %get3A_95 = tpu.vector_load %arg6[%get3A_93, %get3A_94] {strides = array<i32>} : memref<16x640xf32, #tpu.memory_space<vmem>>, vector<16xf32>,
      %add3A_96 = arith.addf %add3A_89, %get3A_95 : vector<16xf32>
      %mul3A_97 = arith.constant 16 : i32
      %mul3A_98 = arith.muli %scan3A_20, %mul3A_97 : i32
      %get3A_99 = arith.constant 11 : i32
      %get3A_100 = arith.index_cast %get3A_99 : i32 to index
      %get3A_101 = arith.index_cast %mul3A_98 : i32 to index
      %get3A_102 = tpu.vector_load %arg6[%get3A_100, %get3A_101] {strides = array<i32>} : memref<16x640xf32, #tpu.memory_space<vmem>>, vector<16xf32>,
      %add3A_103 = arith.addf %add3A_96, %get3A_102 : vector<16xf32>
      %mul3A_104 = arith.constant 16 : i32
      %mul3A_105 = arith.muli %scan3A_20, %mul3A_104 : i32
      %get3A_106 = arith.constant 12 : i32
      %get3A_107 = arith.index_cast %get3A_106 : i32 to index
      %get3A_108 = arith.index_cast %mul3A_105 : i32 to index
      %get3A_109 = tpu.vector_load %arg6[%get3A_107, %get3A_108] {strides = array<i32>} : memref<16x640xf32, #tpu.memory_space<vmem>>, vector<16xf32>,
      %add3A_110 = arith.addf %add3A_103, %get3A_109 : vector<16xf32>
      %mul3A_111 = arith.constant 16 : i32
      %mul3A_112 = arith.muli %scan3A_20, %mul3A_111 : i32
      %get3A_113 = arith.constant 13 : i32
      %get3A_114 = arith.index_cast %get3A_113 : i32 to index
      %get3A_115 = arith.index_cast %mul3A_112 : i32 to index
      %get3A_116 = tpu.vector_load %arg6[%get3A_114, %get3A_115] {strides = array<i32>} : memref<16x640xf32, #tpu.memory_space<vmem>>, vector<16xf32>,
      %add3A_117 = arith.addf %add3A_110, %get3A_116 : vector<16xf32>
      %mul3A_118 = arith.constant 16 : i32
      %mul3A_119 = arith.muli %scan3A_20, %mul3A_118 : i32
      %get3A_120 = arith.constant 14 : i32
      %get3A_121 = arith.index_cast %get3A_120 : i32 to index
      %get3A_122 = arith.index_cast %mul3A_119 : i32 to index
      %get3A_123 = tpu.vector_load %arg6[%get3A_121, %get3A_122] {strides = array<i32>} : memref<16x640xf32, #tpu.memory_space<vmem>>, vector<16xf32>,
      %add3A_124 = arith.addf %add3A_117, %get3A_123 : vector<16xf32>
      %mul3A_125 = arith.constant 16 : i32
      %mul3A_126 = arith.muli %scan3A_20, %mul3A_125 : i32
      %get3A_127 = arith.constant 15 : i32
      %get3A_128 = arith.index_cast %get3A_127 : i32 to index
      %get3A_129 = arith.index_cast %mul3A_126 : i32 to index
      %get3A_130 = tpu.vector_load %arg6[%get3A_128, %get3A_129] {strides = array<i32>} : memref<16x640xf32, #tpu.memory_space<vmem>>, vector<16xf32>,
      %add3A_131 = arith.addf %add3A_124, %get3A_130 : vector<16xf32>
      %mul3A_132 = arith.constant 16 : i32
      %mul3A_133 = arith.muli %scan3A_20, %mul3A_132 : i32
      %swap3A = arith.index_cast %mul3A_133 : i32 to index
      %swap3A_134 = tpu.vector_load %arg7[%swap3A] {strides = array<i32>} : memref<640xf32, #tpu.memory_space<vmem>>, vector<16xf32>,
      tpu.vector_store %arg7[%swap3A], %add3A_131 {strides = array<i32>} : memref<640xf32, #tpu.memory_space<vmem>>, vector<16xf32>,
    }
    %scan3A_17 = arith.constant 40 : i32
    %mul3A_18 = arith.constant 640 : i32
    %mul3A_19 = arith.muli %arg1, %mul3A_18 : i32
    "tpu.region"() ({
      %run_scoped3A = tpu.sem_alloc : memref<!tpu.dma_semaphore, #tpu.memory_space<semaphore_mem>>
      %dma_start3A = tpu.memref_slice %arg3[%arg0, %mul3A_19] : memref<2x10240xf32, #tpu.memory_space<hbm>> -> memref<1x640xf32, #tpu.memory_space<hbm>>
      %dma_start3A_20 = tpu.memref_squeeze %dma_start3A : memref<1x640xf32, #tpu.memory_space<hbm>> -> memref<640xf32, #tpu.memory_space<hbm>>
      %dma_start3A_21 = tpu.memref_slice %arg3[%arg0, %mul3A_19] : memref<2x10240xf32, #tpu.memory_space<hbm>> -> memref<1x640xf32, #tpu.memory_space<hbm>>
      %dma_start3A_22 = tpu.memref_squeeze %dma_start3A_21 : memref<1x640xf32, #tpu.memory_space<hbm>> -> memref<640xf32, #tpu.memory_space<hbm>>
      tpu.enqueue_dma source(%arg7 : memref<640xf32, #tpu.memory_space<vmem>>) target(%dma_start3A_22 : memref<640xf32, #tpu.memory_space<hbm>>) target_semaphore(%run_scoped3A : memref<!tpu.dma_semaphore, #tpu.memory_space<semaphore_mem>>)
      %dma_wait3A = tpu.memref_slice %arg3[%arg0, %mul3A_19] : memref<2x10240xf32, #tpu.memory_space<hbm>> -> memref<1x640xf32, #tpu.memory_space<hbm>>
      %dma_wait3A_23 = tpu.memref_squeeze %dma_wait3A : memref<1x640xf32, #tpu.memory_space<hbm>> -> memref<640xf32, #tpu.memory_space<hbm>>
      %dma_wait3A_24 = tpu.memref_slice %arg3[%arg0, %mul3A_19] : memref<2x10240xf32, #tpu.memory_space<hbm>> -> memref<1x640xf32, #tpu.memory_space<hbm>>
      %dma_wait3A_25 = tpu.memref_squeeze %dma_wait3A_24 : memref<1x640xf32, #tpu.memory_space<hbm>> -> memref<640xf32, #tpu.memory_space<hbm>>
      tpu.wait_dma2 semaphore(%run_scoped3A : memref<!tpu.dma_semaphore, #tpu.memory_space<semaphore_mem>>) src(%arg7 : memref<640xf32, #tpu.memory_space<vmem>>) dst(%dma_wait3A_25 : memref<640xf32, #tpu.memory_space<hbm>>)
      tpu.yield
    }) : () -> ()
    return
  }
}

#map = affine_map<(d0, d1) -> (0, 0)>
#map1 = affine_map<(d0, d1) -> (0, 0, 0)>
module attributes {stable_mosaic.version = 14 : i64} {
  func.func @_msg_kernel(%arg0: i32, %arg1: i32, %arg2: memref<10000x128xf32, #tpu.memory_space<hbm>>, %arg3: memref<16x160x128xi32, #tpu.memory_space<hbm>>, %arg4: memref<16x160x128xi32, #tpu.memory_space<hbm>>, %arg5: memref<2x10112x128xf32, #tpu.memory_space<hbm>>, %arg6: memref<64x128xi32, #tpu.memory_space<vmem>>, %arg7: memref<64x128xi32, #tpu.memory_space<vmem>>, %arg8: memref<2x128x128xf32, #tpu.memory_space<vmem>>, %arg9: memref<10112x128xf32, #tpu.memory_space<vmem_shared>>, %arg10: memref<2x1x!tpu.dma_semaphore, #tpu.memory_space<semaphore_mem>>) attributes {dimension_semantics = [#tpu.dimension_semantics<core_parallel>, #tpu.dimension_semantics<subcore_parallel>], iteration_bounds = array<i64: 2, 16>, scalar_prefetch = 0 : i64, scratch_operands = 5 : i64, tpu.core_type = #tpu.core_type<sc_vector_subcore>, window_params = [{transform_indices = #map}, {transform_indices = #map1}, {transform_indices = #map1}, {transform_indices = #map1}]} {
    %scan3A = arith.constant 0 : i32
    %scan3A_0 = arith.constant 0 : i32
    %scan3A_1 = arith.constant 128 : i32
    %scan3A_2 = arith.addi %scan3A_0, %scan3A_1 : i32
    %scan3A_3 = arith.constant 1 : i32
    scf.for %scan3A_86 = %scan3A_0 to %scan3A_2 step %scan3A_3  : i32 {
      %broadcast_in_dim3A = arith.constant 0.000000e+00 : f32
      %broadcast_in_dim3A_87 = vector.broadcast %broadcast_in_dim3A : f32 to vector<16xf32>
      %swap3A = arith.constant 0 : i32
      %swap3A_88 = arith.index_cast %swap3A : i32 to index
      %swap3A_89 = arith.index_cast %scan3A_86 : i32 to index
      %swap3A_90 = arith.constant 0 : index
      %swap3A_91 = tpu.vector_load %arg8[%swap3A_88, %swap3A_89, %swap3A_90] {strides = array<i32>} : memref<2x128x128xf32, #tpu.memory_space<vmem>>, vector<1x1x16xf32>,
      %swap3A_92 = vector.shape_cast %swap3A_91 : vector<1x1x16xf32> to vector<16xf32>
      %swap3A_93 = vector.shape_cast %broadcast_in_dim3A_87 : vector<16xf32> to vector<1x1x16xf32>
      tpu.vector_store %arg8[%swap3A_88, %swap3A_89, %swap3A_90], %swap3A_93 {strides = array<i32>} : memref<2x128x128xf32, #tpu.memory_space<vmem>>, vector<1x1x16xf32>,
      %broadcast_in_dim3A_94 = arith.constant 0.000000e+00 : f32
      %broadcast_in_dim3A_95 = vector.broadcast %broadcast_in_dim3A_94 : f32 to vector<16xf32>
      %swap3A_96 = arith.constant 0 : i32
      %swap3A_97 = arith.index_cast %swap3A_96 : i32 to index
      %swap3A_98 = arith.index_cast %scan3A_86 : i32 to index
      %swap3A_99 = arith.constant 16 : index
      %swap3A_100 = tpu.vector_load %arg8[%swap3A_97, %swap3A_98, %swap3A_99] {strides = array<i32>} : memref<2x128x128xf32, #tpu.memory_space<vmem>>, vector<1x1x16xf32>,
      %swap3A_101 = vector.shape_cast %swap3A_100 : vector<1x1x16xf32> to vector<16xf32>
      %swap3A_102 = vector.shape_cast %broadcast_in_dim3A_95 : vector<16xf32> to vector<1x1x16xf32>
      tpu.vector_store %arg8[%swap3A_97, %swap3A_98, %swap3A_99], %swap3A_102 {strides = array<i32>} : memref<2x128x128xf32, #tpu.memory_space<vmem>>, vector<1x1x16xf32>,
      %broadcast_in_dim3A_103 = arith.constant 0.000000e+00 : f32
      %broadcast_in_dim3A_104 = vector.broadcast %broadcast_in_dim3A_103 : f32 to vector<16xf32>
      %swap3A_105 = arith.constant 0 : i32
      %swap3A_106 = arith.index_cast %swap3A_105 : i32 to index
      %swap3A_107 = arith.index_cast %scan3A_86 : i32 to index
      %swap3A_108 = arith.constant 32 : index
      %swap3A_109 = tpu.vector_load %arg8[%swap3A_106, %swap3A_107, %swap3A_108] {strides = array<i32>} : memref<2x128x128xf32, #tpu.memory_space<vmem>>, vector<1x1x16xf32>,
      %swap3A_110 = vector.shape_cast %swap3A_109 : vector<1x1x16xf32> to vector<16xf32>
      %swap3A_111 = vector.shape_cast %broadcast_in_dim3A_104 : vector<16xf32> to vector<1x1x16xf32>
      tpu.vector_store %arg8[%swap3A_106, %swap3A_107, %swap3A_108], %swap3A_111 {strides = array<i32>} : memref<2x128x128xf32, #tpu.memory_space<vmem>>, vector<1x1x16xf32>,
      %broadcast_in_dim3A_112 = arith.constant 0.000000e+00 : f32
      %broadcast_in_dim3A_113 = vector.broadcast %broadcast_in_dim3A_112 : f32 to vector<16xf32>
      %swap3A_114 = arith.constant 0 : i32
      %swap3A_115 = arith.index_cast %swap3A_114 : i32 to index
      %swap3A_116 = arith.index_cast %scan3A_86 : i32 to index
      %swap3A_117 = arith.constant 48 : index
      %swap3A_118 = tpu.vector_load %arg8[%swap3A_115, %swap3A_116, %swap3A_117] {strides = array<i32>} : memref<2x128x128xf32, #tpu.memory_space<vmem>>, vector<1x1x16xf32>,
      %swap3A_119 = vector.shape_cast %swap3A_118 : vector<1x1x16xf32> to vector<16xf32>
      %swap3A_120 = vector.shape_cast %broadcast_in_dim3A_113 : vector<16xf32> to vector<1x1x16xf32>
      tpu.vector_store %arg8[%swap3A_115, %swap3A_116, %swap3A_117], %swap3A_120 {strides = array<i32>} : memref<2x128x128xf32, #tpu.memory_space<vmem>>, vector<1x1x16xf32>,
      %broadcast_in_dim3A_121 = arith.constant 0.000000e+00 : f32
      %broadcast_in_dim3A_122 = vector.broadcast %broadcast_in_dim3A_121 : f32 to vector<16xf32>
      %swap3A_123 = arith.constant 0 : i32
      %swap3A_124 = arith.index_cast %swap3A_123 : i32 to index
      %swap3A_125 = arith.index_cast %scan3A_86 : i32 to index
      %swap3A_126 = arith.constant 64 : index
      %swap3A_127 = tpu.vector_load %arg8[%swap3A_124, %swap3A_125, %swap3A_126] {strides = array<i32>} : memref<2x128x128xf32, #tpu.memory_space<vmem>>, vector<1x1x16xf32>,
      %swap3A_128 = vector.shape_cast %swap3A_127 : vector<1x1x16xf32> to vector<16xf32>
      %swap3A_129 = vector.shape_cast %broadcast_in_dim3A_122 : vector<16xf32> to vector<1x1x16xf32>
      tpu.vector_store %arg8[%swap3A_124, %swap3A_125, %swap3A_126], %swap3A_129 {strides = array<i32>} : memref<2x128x128xf32, #tpu.memory_space<vmem>>, vector<1x1x16xf32>,
      %broadcast_in_dim3A_130 = arith.constant 0.000000e+00 : f32
      %broadcast_in_dim3A_131 = vector.broadcast %broadcast_in_dim3A_130 : f32 to vector<16xf32>
      %swap3A_132 = arith.constant 0 : i32
      %swap3A_133 = arith.index_cast %swap3A_132 : i32 to index
      %swap3A_134 = arith.index_cast %scan3A_86 : i32 to index
      %swap3A_135 = arith.constant 80 : index
      %swap3A_136 = tpu.vector_load %arg8[%swap3A_133, %swap3A_134, %swap3A_135] {strides = array<i32>} : memref<2x128x128xf32, #tpu.memory_space<vmem>>, vector<1x1x16xf32>,
      %swap3A_137 = vector.shape_cast %swap3A_136 : vector<1x1x16xf32> to vector<16xf32>
      %swap3A_138 = vector.shape_cast %broadcast_in_dim3A_131 : vector<16xf32> to vector<1x1x16xf32>
      tpu.vector_store %arg8[%swap3A_133, %swap3A_134, %swap3A_135], %swap3A_138 {strides = array<i32>} : memref<2x128x128xf32, #tpu.memory_space<vmem>>, vector<1x1x16xf32>,
      %broadcast_in_dim3A_139 = arith.constant 0.000000e+00 : f32
      %broadcast_in_dim3A_140 = vector.broadcast %broadcast_in_dim3A_139 : f32 to vector<16xf32>
      %swap3A_141 = arith.constant 0 : i32
      %swap3A_142 = arith.index_cast %swap3A_141 : i32 to index
      %swap3A_143 = arith.index_cast %scan3A_86 : i32 to index
      %swap3A_144 = arith.constant 96 : index
      %swap3A_145 = tpu.vector_load %arg8[%swap3A_142, %swap3A_143, %swap3A_144] {strides = array<i32>} : memref<2x128x128xf32, #tpu.memory_space<vmem>>, vector<1x1x16xf32>,
      %swap3A_146 = vector.shape_cast %swap3A_145 : vector<1x1x16xf32> to vector<16xf32>
      %swap3A_147 = vector.shape_cast %broadcast_in_dim3A_140 : vector<16xf32> to vector<1x1x16xf32>
      tpu.vector_store %arg8[%swap3A_142, %swap3A_143, %swap3A_144], %swap3A_147 {strides = array<i32>} : memref<2x128x128xf32, #tpu.memory_space<vmem>>, vector<1x1x16xf32>,
      %broadcast_in_dim3A_148 = arith.constant 0.000000e+00 : f32
      %broadcast_in_dim3A_149 = vector.broadcast %broadcast_in_dim3A_148 : f32 to vector<16xf32>
      %swap3A_150 = arith.constant 0 : i32
      %swap3A_151 = arith.index_cast %swap3A_150 : i32 to index
      %swap3A_152 = arith.index_cast %scan3A_86 : i32 to index
      %swap3A_153 = arith.constant 112 : index
      %swap3A_154 = tpu.vector_load %arg8[%swap3A_151, %swap3A_152, %swap3A_153] {strides = array<i32>} : memref<2x128x128xf32, #tpu.memory_space<vmem>>, vector<1x1x16xf32>,
      %swap3A_155 = vector.shape_cast %swap3A_154 : vector<1x1x16xf32> to vector<16xf32>
      %swap3A_156 = vector.shape_cast %broadcast_in_dim3A_149 : vector<16xf32> to vector<1x1x16xf32>
      tpu.vector_store %arg8[%swap3A_151, %swap3A_152, %swap3A_153], %swap3A_156 {strides = array<i32>} : memref<2x128x128xf32, #tpu.memory_space<vmem>>, vector<1x1x16xf32>,
    }
    %scan3A_4 = arith.constant 128 : i32
    %mul3A = arith.constant 632 : i32
    %mul3A_5 = arith.muli %arg1, %mul3A : i32
    %add3A = arith.constant 0 : i32
    %add3A_6 = arith.addi %mul3A_5, %add3A : i32
    %run_scoped3A = arith.constant 0 : i32
    "tpu.region"() ({
      %run_scoped3A_86 = tpu.sem_alloc : memref<!tpu.dma_semaphore, #tpu.memory_space<semaphore_mem>>
      %dma_start3A_87 = arith.constant 0 : i32
      %dma_start3A_88 = arith.constant 0 : i32
      %dma_start3A_89 = tpu.memref_slice %arg8[%run_scoped3A, %dma_start3A_87, %dma_start3A_88] : memref<2x128x128xf32, #tpu.memory_space<vmem>> -> memref<1x128x128xf32, #tpu.memory_space<vmem>>
      %dma_start3A_90 = tpu.memref_squeeze %dma_start3A_89 : memref<1x128x128xf32, #tpu.memory_space<vmem>> -> memref<128x128xf32, #tpu.memory_space<vmem>>
      %dma_start3A_91 = arith.constant 0 : i32
      %dma_start3A_92 = tpu.memref_slice %arg9[%add3A_6, %dma_start3A_91] : memref<10112x128xf32, #tpu.memory_space<vmem_shared>> -> memref<128x128xf32, #tpu.memory_space<vmem_shared>>
      %dma_start3A_93 = arith.constant 0 : i32
      %dma_start3A_94 = tpu.memref_slice %arg9[%add3A_6, %dma_start3A_93] : memref<10112x128xf32, #tpu.memory_space<vmem_shared>> -> memref<128x128xf32, #tpu.memory_space<vmem_shared>>
      %dma_start3A_95 = arith.constant 0 : i32
      %dma_start3A_96 = arith.constant 0 : i32
      %dma_start3A_97 = tpu.memref_slice %arg8[%run_scoped3A, %dma_start3A_95, %dma_start3A_96] : memref<2x128x128xf32, #tpu.memory_space<vmem>> -> memref<1x128x128xf32, #tpu.memory_space<vmem>>
      %dma_start3A_98 = tpu.memref_squeeze %dma_start3A_97 : memref<1x128x128xf32, #tpu.memory_space<vmem>> -> memref<128x128xf32, #tpu.memory_space<vmem>>
      tpu.enqueue_dma source(%dma_start3A_98 : memref<128x128xf32, #tpu.memory_space<vmem>>) target(%dma_start3A_94 : memref<128x128xf32, #tpu.memory_space<vmem_shared>>) target_semaphore(%run_scoped3A_86 : memref<!tpu.dma_semaphore, #tpu.memory_space<semaphore_mem>>)
      %dma_wait3A = arith.constant 0 : i32
      %dma_wait3A_99 = arith.constant 0 : i32
      %dma_wait3A_100 = tpu.memref_slice %arg8[%run_scoped3A, %dma_wait3A, %dma_wait3A_99] : memref<2x128x128xf32, #tpu.memory_space<vmem>> -> memref<1x128x128xf32, #tpu.memory_space<vmem>>
      %dma_wait3A_101 = tpu.memref_squeeze %dma_wait3A_100 : memref<1x128x128xf32, #tpu.memory_space<vmem>> -> memref<128x128xf32, #tpu.memory_space<vmem>>
      %dma_wait3A_102 = arith.constant 0 : i32
      %dma_wait3A_103 = tpu.memref_slice %arg9[%add3A_6, %dma_wait3A_102] : memref<10112x128xf32, #tpu.memory_space<vmem_shared>> -> memref<128x128xf32, #tpu.memory_space<vmem_shared>>
      %dma_wait3A_104 = arith.constant 0 : i32
      %dma_wait3A_105 = tpu.memref_slice %arg9[%add3A_6, %dma_wait3A_104] : memref<10112x128xf32, #tpu.memory_space<vmem_shared>> -> memref<128x128xf32, #tpu.memory_space<vmem_shared>>
      %dma_wait3A_106 = arith.constant 0 : i32
      %dma_wait3A_107 = arith.constant 0 : i32
      %dma_wait3A_108 = tpu.memref_slice %arg8[%run_scoped3A, %dma_wait3A_106, %dma_wait3A_107] : memref<2x128x128xf32, #tpu.memory_space<vmem>> -> memref<1x128x128xf32, #tpu.memory_space<vmem>>
      %dma_wait3A_109 = tpu.memref_squeeze %dma_wait3A_108 : memref<1x128x128xf32, #tpu.memory_space<vmem>> -> memref<128x128xf32, #tpu.memory_space<vmem>>
      tpu.wait_dma2 semaphore(%run_scoped3A_86 : memref<!tpu.dma_semaphore, #tpu.memory_space<semaphore_mem>>) src(%dma_wait3A_109 : memref<128x128xf32, #tpu.memory_space<vmem>>) dst(%dma_wait3A_105 : memref<128x128xf32, #tpu.memory_space<vmem_shared>>)
      tpu.yield
    }) : () -> ()
    %mul3A_7 = arith.constant 632 : i32
    %mul3A_8 = arith.muli %arg1, %mul3A_7 : i32
    %add3A_9 = arith.constant 128 : i32
    %add3A_10 = arith.addi %mul3A_8, %add3A_9 : i32
    %run_scoped3A_11 = arith.constant 0 : i32
    "tpu.region"() ({
      %run_scoped3A_86 = tpu.sem_alloc : memref<!tpu.dma_semaphore, #tpu.memory_space<semaphore_mem>>
      %dma_start3A_87 = arith.constant 0 : i32
      %dma_start3A_88 = arith.constant 0 : i32
      %dma_start3A_89 = tpu.memref_slice %arg8[%run_scoped3A_11, %dma_start3A_87, %dma_start3A_88] : memref<2x128x128xf32, #tpu.memory_space<vmem>> -> memref<1x128x128xf32, #tpu.memory_space<vmem>>
      %dma_start3A_90 = tpu.memref_squeeze %dma_start3A_89 : memref<1x128x128xf32, #tpu.memory_space<vmem>> -> memref<128x128xf32, #tpu.memory_space<vmem>>
      %dma_start3A_91 = arith.constant 0 : i32
      %dma_start3A_92 = tpu.memref_slice %arg9[%add3A_10, %dma_start3A_91] : memref<10112x128xf32, #tpu.memory_space<vmem_shared>> -> memref<128x128xf32, #tpu.memory_space<vmem_shared>>
      %dma_start3A_93 = arith.constant 0 : i32
      %dma_start3A_94 = tpu.memref_slice %arg9[%add3A_10, %dma_start3A_93] : memref<10112x128xf32, #tpu.memory_space<vmem_shared>> -> memref<128x128xf32, #tpu.memory_space<vmem_shared>>
      %dma_start3A_95 = arith.constant 0 : i32
      %dma_start3A_96 = arith.constant 0 : i32
      %dma_start3A_97 = tpu.memref_slice %arg8[%run_scoped3A_11, %dma_start3A_95, %dma_start3A_96] : memref<2x128x128xf32, #tpu.memory_space<vmem>> -> memref<1x128x128xf32, #tpu.memory_space<vmem>>
      %dma_start3A_98 = tpu.memref_squeeze %dma_start3A_97 : memref<1x128x128xf32, #tpu.memory_space<vmem>> -> memref<128x128xf32, #tpu.memory_space<vmem>>
      tpu.enqueue_dma source(%dma_start3A_98 : memref<128x128xf32, #tpu.memory_space<vmem>>) target(%dma_start3A_94 : memref<128x128xf32, #tpu.memory_space<vmem_shared>>) target_semaphore(%run_scoped3A_86 : memref<!tpu.dma_semaphore, #tpu.memory_space<semaphore_mem>>)
      %dma_wait3A = arith.constant 0 : i32
      %dma_wait3A_99 = arith.constant 0 : i32
      %dma_wait3A_100 = tpu.memref_slice %arg8[%run_scoped3A_11, %dma_wait3A, %dma_wait3A_99] : memref<2x128x128xf32, #tpu.memory_space<vmem>> -> memref<1x128x128xf32, #tpu.memory_space<vmem>>
      %dma_wait3A_101 = tpu.memref_squeeze %dma_wait3A_100 : memref<1x128x128xf32, #tpu.memory_space<vmem>> -> memref<128x128xf32, #tpu.memory_space<vmem>>
      %dma_wait3A_102 = arith.constant 0 : i32
      %dma_wait3A_103 = tpu.memref_slice %arg9[%add3A_10, %dma_wait3A_102] : memref<10112x128xf32, #tpu.memory_space<vmem_shared>> -> memref<128x128xf32, #tpu.memory_space<vmem_shared>>
      %dma_wait3A_104 = arith.constant 0 : i32
      %dma_wait3A_105 = tpu.memref_slice %arg9[%add3A_10, %dma_wait3A_104] : memref<10112x128xf32, #tpu.memory_space<vmem_shared>> -> memref<128x128xf32, #tpu.memory_space<vmem_shared>>
      %dma_wait3A_106 = arith.constant 0 : i32
      %dma_wait3A_107 = arith.constant 0 : i32
      %dma_wait3A_108 = tpu.memref_slice %arg8[%run_scoped3A_11, %dma_wait3A_106, %dma_wait3A_107] : memref<2x128x128xf32, #tpu.memory_space<vmem>> -> memref<1x128x128xf32, #tpu.memory_space<vmem>>
      %dma_wait3A_109 = tpu.memref_squeeze %dma_wait3A_108 : memref<1x128x128xf32, #tpu.memory_space<vmem>> -> memref<128x128xf32, #tpu.memory_space<vmem>>
      tpu.wait_dma2 semaphore(%run_scoped3A_86 : memref<!tpu.dma_semaphore, #tpu.memory_space<semaphore_mem>>) src(%dma_wait3A_109 : memref<128x128xf32, #tpu.memory_space<vmem>>) dst(%dma_wait3A_105 : memref<128x128xf32, #tpu.memory_space<vmem_shared>>)
      tpu.yield
    }) : () -> ()
    %mul3A_12 = arith.constant 632 : i32
    %mul3A_13 = arith.muli %arg1, %mul3A_12 : i32
    %add3A_14 = arith.constant 256 : i32
    %add3A_15 = arith.addi %mul3A_13, %add3A_14 : i32
    %run_scoped3A_16 = arith.constant 0 : i32
    "tpu.region"() ({
      %run_scoped3A_86 = tpu.sem_alloc : memref<!tpu.dma_semaphore, #tpu.memory_space<semaphore_mem>>
      %dma_start3A_87 = arith.constant 0 : i32
      %dma_start3A_88 = arith.constant 0 : i32
      %dma_start3A_89 = tpu.memref_slice %arg8[%run_scoped3A_16, %dma_start3A_87, %dma_start3A_88] : memref<2x128x128xf32, #tpu.memory_space<vmem>> -> memref<1x128x128xf32, #tpu.memory_space<vmem>>
      %dma_start3A_90 = tpu.memref_squeeze %dma_start3A_89 : memref<1x128x128xf32, #tpu.memory_space<vmem>> -> memref<128x128xf32, #tpu.memory_space<vmem>>
      %dma_start3A_91 = arith.constant 0 : i32
      %dma_start3A_92 = tpu.memref_slice %arg9[%add3A_15, %dma_start3A_91] : memref<10112x128xf32, #tpu.memory_space<vmem_shared>> -> memref<128x128xf32, #tpu.memory_space<vmem_shared>>
      %dma_start3A_93 = arith.constant 0 : i32
      %dma_start3A_94 = tpu.memref_slice %arg9[%add3A_15, %dma_start3A_93] : memref<10112x128xf32, #tpu.memory_space<vmem_shared>> -> memref<128x128xf32, #tpu.memory_space<vmem_shared>>
      %dma_start3A_95 = arith.constant 0 : i32
      %dma_start3A_96 = arith.constant 0 : i32
      %dma_start3A_97 = tpu.memref_slice %arg8[%run_scoped3A_16, %dma_start3A_95, %dma_start3A_96] : memref<2x128x128xf32, #tpu.memory_space<vmem>> -> memref<1x128x128xf32, #tpu.memory_space<vmem>>
      %dma_start3A_98 = tpu.memref_squeeze %dma_start3A_97 : memref<1x128x128xf32, #tpu.memory_space<vmem>> -> memref<128x128xf32, #tpu.memory_space<vmem>>
      tpu.enqueue_dma source(%dma_start3A_98 : memref<128x128xf32, #tpu.memory_space<vmem>>) target(%dma_start3A_94 : memref<128x128xf32, #tpu.memory_space<vmem_shared>>) target_semaphore(%run_scoped3A_86 : memref<!tpu.dma_semaphore, #tpu.memory_space<semaphore_mem>>)
      %dma_wait3A = arith.constant 0 : i32
      %dma_wait3A_99 = arith.constant 0 : i32
      %dma_wait3A_100 = tpu.memref_slice %arg8[%run_scoped3A_16, %dma_wait3A, %dma_wait3A_99] : memref<2x128x128xf32, #tpu.memory_space<vmem>> -> memref<1x128x128xf32, #tpu.memory_space<vmem>>
      %dma_wait3A_101 = tpu.memref_squeeze %dma_wait3A_100 : memref<1x128x128xf32, #tpu.memory_space<vmem>> -> memref<128x128xf32, #tpu.memory_space<vmem>>
      %dma_wait3A_102 = arith.constant 0 : i32
      %dma_wait3A_103 = tpu.memref_slice %arg9[%add3A_15, %dma_wait3A_102] : memref<10112x128xf32, #tpu.memory_space<vmem_shared>> -> memref<128x128xf32, #tpu.memory_space<vmem_shared>>
      %dma_wait3A_104 = arith.constant 0 : i32
      %dma_wait3A_105 = tpu.memref_slice %arg9[%add3A_15, %dma_wait3A_104] : memref<10112x128xf32, #tpu.memory_space<vmem_shared>> -> memref<128x128xf32, #tpu.memory_space<vmem_shared>>
      %dma_wait3A_106 = arith.constant 0 : i32
      %dma_wait3A_107 = arith.constant 0 : i32
      %dma_wait3A_108 = tpu.memref_slice %arg8[%run_scoped3A_16, %dma_wait3A_106, %dma_wait3A_107] : memref<2x128x128xf32, #tpu.memory_space<vmem>> -> memref<1x128x128xf32, #tpu.memory_space<vmem>>
      %dma_wait3A_109 = tpu.memref_squeeze %dma_wait3A_108 : memref<1x128x128xf32, #tpu.memory_space<vmem>> -> memref<128x128xf32, #tpu.memory_space<vmem>>
      tpu.wait_dma2 semaphore(%run_scoped3A_86 : memref<!tpu.dma_semaphore, #tpu.memory_space<semaphore_mem>>) src(%dma_wait3A_109 : memref<128x128xf32, #tpu.memory_space<vmem>>) dst(%dma_wait3A_105 : memref<128x128xf32, #tpu.memory_space<vmem_shared>>)
      tpu.yield
    }) : () -> ()
    %mul3A_17 = arith.constant 632 : i32
    %mul3A_18 = arith.muli %arg1, %mul3A_17 : i32
    %add3A_19 = arith.constant 384 : i32
    %add3A_20 = arith.addi %mul3A_18, %add3A_19 : i32
    %run_scoped3A_21 = arith.constant 0 : i32
    "tpu.region"() ({
      %run_scoped3A_86 = tpu.sem_alloc : memref<!tpu.dma_semaphore, #tpu.memory_space<semaphore_mem>>
      %dma_start3A_87 = arith.constant 0 : i32
      %dma_start3A_88 = arith.constant 0 : i32
      %dma_start3A_89 = tpu.memref_slice %arg8[%run_scoped3A_21, %dma_start3A_87, %dma_start3A_88] : memref<2x128x128xf32, #tpu.memory_space<vmem>> -> memref<1x128x128xf32, #tpu.memory_space<vmem>>
      %dma_start3A_90 = tpu.memref_squeeze %dma_start3A_89 : memref<1x128x128xf32, #tpu.memory_space<vmem>> -> memref<128x128xf32, #tpu.memory_space<vmem>>
      %dma_start3A_91 = arith.constant 0 : i32
      %dma_start3A_92 = tpu.memref_slice %arg9[%add3A_20, %dma_start3A_91] : memref<10112x128xf32, #tpu.memory_space<vmem_shared>> -> memref<128x128xf32, #tpu.memory_space<vmem_shared>>
      %dma_start3A_93 = arith.constant 0 : i32
      %dma_start3A_94 = tpu.memref_slice %arg9[%add3A_20, %dma_start3A_93] : memref<10112x128xf32, #tpu.memory_space<vmem_shared>> -> memref<128x128xf32, #tpu.memory_space<vmem_shared>>
      %dma_start3A_95 = arith.constant 0 : i32
      %dma_start3A_96 = arith.constant 0 : i32
      %dma_start3A_97 = tpu.memref_slice %arg8[%run_scoped3A_21, %dma_start3A_95, %dma_start3A_96] : memref<2x128x128xf32, #tpu.memory_space<vmem>> -> memref<1x128x128xf32, #tpu.memory_space<vmem>>
      %dma_start3A_98 = tpu.memref_squeeze %dma_start3A_97 : memref<1x128x128xf32, #tpu.memory_space<vmem>> -> memref<128x128xf32, #tpu.memory_space<vmem>>
      tpu.enqueue_dma source(%dma_start3A_98 : memref<128x128xf32, #tpu.memory_space<vmem>>) target(%dma_start3A_94 : memref<128x128xf32, #tpu.memory_space<vmem_shared>>) target_semaphore(%run_scoped3A_86 : memref<!tpu.dma_semaphore, #tpu.memory_space<semaphore_mem>>)
      %dma_wait3A = arith.constant 0 : i32
      %dma_wait3A_99 = arith.constant 0 : i32
      %dma_wait3A_100 = tpu.memref_slice %arg8[%run_scoped3A_21, %dma_wait3A, %dma_wait3A_99] : memref<2x128x128xf32, #tpu.memory_space<vmem>> -> memref<1x128x128xf32, #tpu.memory_space<vmem>>
      %dma_wait3A_101 = tpu.memref_squeeze %dma_wait3A_100 : memref<1x128x128xf32, #tpu.memory_space<vmem>> -> memref<128x128xf32, #tpu.memory_space<vmem>>
      %dma_wait3A_102 = arith.constant 0 : i32
      %dma_wait3A_103 = tpu.memref_slice %arg9[%add3A_20, %dma_wait3A_102] : memref<10112x128xf32, #tpu.memory_space<vmem_shared>> -> memref<128x128xf32, #tpu.memory_space<vmem_shared>>
      %dma_wait3A_104 = arith.constant 0 : i32
      %dma_wait3A_105 = tpu.memref_slice %arg9[%add3A_20, %dma_wait3A_104] : memref<10112x128xf32, #tpu.memory_space<vmem_shared>> -> memref<128x128xf32, #tpu.memory_space<vmem_shared>>
      %dma_wait3A_106 = arith.constant 0 : i32
      %dma_wait3A_107 = arith.constant 0 : i32
      %dma_wait3A_108 = tpu.memref_slice %arg8[%run_scoped3A_21, %dma_wait3A_106, %dma_wait3A_107] : memref<2x128x128xf32, #tpu.memory_space<vmem>> -> memref<1x128x128xf32, #tpu.memory_space<vmem>>
      %dma_wait3A_109 = tpu.memref_squeeze %dma_wait3A_108 : memref<1x128x128xf32, #tpu.memory_space<vmem>> -> memref<128x128xf32, #tpu.memory_space<vmem>>
      tpu.wait_dma2 semaphore(%run_scoped3A_86 : memref<!tpu.dma_semaphore, #tpu.memory_space<semaphore_mem>>) src(%dma_wait3A_109 : memref<128x128xf32, #tpu.memory_space<vmem>>) dst(%dma_wait3A_105 : memref<128x128xf32, #tpu.memory_space<vmem_shared>>)
      tpu.yield
    }) : () -> ()
    %mul3A_22 = arith.constant 632 : i32
    %mul3A_23 = arith.muli %arg1, %mul3A_22 : i32
    %add3A_24 = arith.constant 632 : i32
    %add3A_25 = arith.addi %mul3A_23, %add3A_24 : i32
    %sub3A = arith.constant 120 : i32
    %sub3A_26 = arith.subi %add3A_25, %sub3A : i32
    %run_scoped3A_27 = arith.constant 0 : i32
    "tpu.region"() ({
      %run_scoped3A_86 = tpu.sem_alloc : memref<!tpu.dma_semaphore, #tpu.memory_space<semaphore_mem>>
      %dma_start3A_87 = arith.constant 0 : i32
      %dma_start3A_88 = arith.constant 0 : i32
      %dma_start3A_89 = tpu.memref_slice %arg8[%run_scoped3A_27, %dma_start3A_87, %dma_start3A_88] : memref<2x128x128xf32, #tpu.memory_space<vmem>> -> memref<1x120x128xf32, #tpu.memory_space<vmem>>
      %dma_start3A_90 = tpu.memref_squeeze %dma_start3A_89 : memref<1x120x128xf32, #tpu.memory_space<vmem>> -> memref<120x128xf32, #tpu.memory_space<vmem>>
      %dma_start3A_91 = arith.constant 0 : i32
      %dma_start3A_92 = tpu.memref_slice %arg9[%sub3A_26, %dma_start3A_91] : memref<10112x128xf32, #tpu.memory_space<vmem_shared>> -> memref<120x128xf32, #tpu.memory_space<vmem_shared>>
      %dma_start3A_93 = arith.constant 0 : i32
      %dma_start3A_94 = tpu.memref_slice %arg9[%sub3A_26, %dma_start3A_93] : memref<10112x128xf32, #tpu.memory_space<vmem_shared>> -> memref<120x128xf32, #tpu.memory_space<vmem_shared>>
      %dma_start3A_95 = arith.constant 0 : i32
      %dma_start3A_96 = arith.constant 0 : i32
      %dma_start3A_97 = tpu.memref_slice %arg8[%run_scoped3A_27, %dma_start3A_95, %dma_start3A_96] : memref<2x128x128xf32, #tpu.memory_space<vmem>> -> memref<1x120x128xf32, #tpu.memory_space<vmem>>
      %dma_start3A_98 = tpu.memref_squeeze %dma_start3A_97 : memref<1x120x128xf32, #tpu.memory_space<vmem>> -> memref<120x128xf32, #tpu.memory_space<vmem>>
      tpu.enqueue_dma source(%dma_start3A_98 : memref<120x128xf32, #tpu.memory_space<vmem>>) target(%dma_start3A_94 : memref<120x128xf32, #tpu.memory_space<vmem_shared>>) target_semaphore(%run_scoped3A_86 : memref<!tpu.dma_semaphore, #tpu.memory_space<semaphore_mem>>)
      %dma_wait3A = arith.constant 0 : i32
      %dma_wait3A_99 = arith.constant 0 : i32
      %dma_wait3A_100 = tpu.memref_slice %arg8[%run_scoped3A_27, %dma_wait3A, %dma_wait3A_99] : memref<2x128x128xf32, #tpu.memory_space<vmem>> -> memref<1x120x128xf32, #tpu.memory_space<vmem>>
      %dma_wait3A_101 = tpu.memref_squeeze %dma_wait3A_100 : memref<1x120x128xf32, #tpu.memory_space<vmem>> -> memref<120x128xf32, #tpu.memory_space<vmem>>
      %dma_wait3A_102 = arith.constant 0 : i32
      %dma_wait3A_103 = tpu.memref_slice %arg9[%sub3A_26, %dma_wait3A_102] : memref<10112x128xf32, #tpu.memory_space<vmem_shared>> -> memref<120x128xf32, #tpu.memory_space<vmem_shared>>
      %dma_wait3A_104 = arith.constant 0 : i32
      %dma_wait3A_105 = tpu.memref_slice %arg9[%sub3A_26, %dma_wait3A_104] : memref<10112x128xf32, #tpu.memory_space<vmem_shared>> -> memref<120x128xf32, #tpu.memory_space<vmem_shared>>
      %dma_wait3A_106 = arith.constant 0 : i32
      %dma_wait3A_107 = arith.constant 0 : i32
      %dma_wait3A_108 = tpu.memref_slice %arg8[%run_scoped3A_27, %dma_wait3A_106, %dma_wait3A_107] : memref<2x128x128xf32, #tpu.memory_space<vmem>> -> memref<1x120x128xf32, #tpu.memory_space<vmem>>
      %dma_wait3A_109 = tpu.memref_squeeze %dma_wait3A_108 : memref<1x120x128xf32, #tpu.memory_space<vmem>> -> memref<120x128xf32, #tpu.memory_space<vmem>>
      tpu.wait_dma2 semaphore(%run_scoped3A_86 : memref<!tpu.dma_semaphore, #tpu.memory_space<semaphore_mem>>) src(%dma_wait3A_109 : memref<120x128xf32, #tpu.memory_space<vmem>>) dst(%dma_wait3A_105 : memref<120x128xf32, #tpu.memory_space<vmem_shared>>)
      tpu.yield
    }) : () -> ()
    %barrier3A = arith.constant 0 : index
    tpu.barrier barrier_id(%barrier3A)
    %mul3A_28 = arith.constant 80 : i32
    %mul3A_29 = arith.muli %arg0, %mul3A_28 : i32
    %add3A_30 = arith.constant 0 : i32
    %add3A_31 = arith.addi %mul3A_29, %add3A_30 : i32
    "tpu.region"() ({
      %run_scoped3A_86 = tpu.sem_alloc : memref<!tpu.dma_semaphore, #tpu.memory_space<semaphore_mem>>
      %dma_start3A_87 = arith.constant 0 : i32
      %dma_start3A_88 = arith.constant 0 : i32
      %dma_start3A_89 = tpu.memref_slice %arg6[%dma_start3A_87, %dma_start3A_88] : memref<64x128xi32, #tpu.memory_space<vmem>> -> memref<64x128xi32, #tpu.memory_space<vmem>>
      %dma_start3A_90 = arith.constant 0 : i32
      %dma_start3A_91 = tpu.memref_slice %arg3[%arg1, %add3A_31, %dma_start3A_90] : memref<16x160x128xi32, #tpu.memory_space<hbm>> -> memref<1x64x128xi32, #tpu.memory_space<hbm>>
      %dma_start3A_92 = tpu.memref_squeeze %dma_start3A_91 : memref<1x64x128xi32, #tpu.memory_space<hbm>> -> memref<64x128xi32, #tpu.memory_space<hbm>>
      %dma_start3A_93 = arith.constant 0 : i32
      %dma_start3A_94 = arith.constant 0 : i32
      %dma_start3A_95 = tpu.memref_slice %arg6[%dma_start3A_93, %dma_start3A_94] : memref<64x128xi32, #tpu.memory_space<vmem>> -> memref<64x128xi32, #tpu.memory_space<vmem>>
      %dma_start3A_96 = arith.constant 0 : i32
      %dma_start3A_97 = tpu.memref_slice %arg3[%arg1, %add3A_31, %dma_start3A_96] : memref<16x160x128xi32, #tpu.memory_space<hbm>> -> memref<1x64x128xi32, #tpu.memory_space<hbm>>
      %dma_start3A_98 = tpu.memref_squeeze %dma_start3A_97 : memref<1x64x128xi32, #tpu.memory_space<hbm>> -> memref<64x128xi32, #tpu.memory_space<hbm>>
      tpu.enqueue_dma source(%dma_start3A_98 : memref<64x128xi32, #tpu.memory_space<hbm>>) target(%dma_start3A_95 : memref<64x128xi32, #tpu.memory_space<vmem>>) target_semaphore(%run_scoped3A_86 : memref<!tpu.dma_semaphore, #tpu.memory_space<semaphore_mem>>)
      %dma_wait3A = arith.constant 0 : i32
      %dma_wait3A_99 = arith.constant 0 : i32
      %dma_wait3A_100 = tpu.memref_slice %arg6[%dma_wait3A, %dma_wait3A_99] : memref<64x128xi32, #tpu.memory_space<vmem>> -> memref<64x128xi32, #tpu.memory_space<vmem>>
      %dma_wait3A_101 = arith.constant 0 : i32
      %dma_wait3A_102 = tpu.memref_slice %arg3[%arg1, %add3A_31, %dma_wait3A_101] : memref<16x160x128xi32, #tpu.memory_space<hbm>> -> memref<1x64x128xi32, #tpu.memory_space<hbm>>
      %dma_wait3A_103 = tpu.memref_squeeze %dma_wait3A_102 : memref<1x64x128xi32, #tpu.memory_space<hbm>> -> memref<64x128xi32, #tpu.memory_space<hbm>>
      %dma_wait3A_104 = arith.constant 0 : i32
      %dma_wait3A_105 = arith.constant 0 : i32
      %dma_wait3A_106 = tpu.memref_slice %arg6[%dma_wait3A_104, %dma_wait3A_105] : memref<64x128xi32, #tpu.memory_space<vmem>> -> memref<64x128xi32, #tpu.memory_space<vmem>>
      %dma_wait3A_107 = arith.constant 0 : i32
      %dma_wait3A_108 = tpu.memref_slice %arg3[%arg1, %add3A_31, %dma_wait3A_107] : memref<16x160x128xi32, #tpu.memory_space<hbm>> -> memref<1x64x128xi32, #tpu.memory_space<hbm>>
      %dma_wait3A_109 = tpu.memref_squeeze %dma_wait3A_108 : memref<1x64x128xi32, #tpu.memory_space<hbm>> -> memref<64x128xi32, #tpu.memory_space<hbm>>
      tpu.wait_dma2 semaphore(%run_scoped3A_86 : memref<!tpu.dma_semaphore, #tpu.memory_space<semaphore_mem>>) src(%dma_wait3A_109 : memref<64x128xi32, #tpu.memory_space<hbm>>) dst(%dma_wait3A_106 : memref<64x128xi32, #tpu.memory_space<vmem>>)
      tpu.yield
    }) : () -> ()
    "tpu.region"() ({
      %run_scoped3A_86 = tpu.sem_alloc : memref<!tpu.dma_semaphore, #tpu.memory_space<semaphore_mem>>
      %dma_start3A_87 = arith.constant 0 : i32
      %dma_start3A_88 = arith.constant 0 : i32
      %dma_start3A_89 = tpu.memref_slice %arg7[%dma_start3A_87, %dma_start3A_88] : memref<64x128xi32, #tpu.memory_space<vmem>> -> memref<64x128xi32, #tpu.memory_space<vmem>>
      %dma_start3A_90 = arith.constant 0 : i32
      %dma_start3A_91 = tpu.memref_slice %arg4[%arg1, %add3A_31, %dma_start3A_90] : memref<16x160x128xi32, #tpu.memory_space<hbm>> -> memref<1x64x128xi32, #tpu.memory_space<hbm>>
      %dma_start3A_92 = tpu.memref_squeeze %dma_start3A_91 : memref<1x64x128xi32, #tpu.memory_space<hbm>> -> memref<64x128xi32, #tpu.memory_space<hbm>>
      %dma_start3A_93 = arith.constant 0 : i32
      %dma_start3A_94 = arith.constant 0 : i32
      %dma_start3A_95 = tpu.memref_slice %arg7[%dma_start3A_93, %dma_start3A_94] : memref<64x128xi32, #tpu.memory_space<vmem>> -> memref<64x128xi32, #tpu.memory_space<vmem>>
      %dma_start3A_96 = arith.constant 0 : i32
      %dma_start3A_97 = tpu.memref_slice %arg4[%arg1, %add3A_31, %dma_start3A_96] : memref<16x160x128xi32, #tpu.memory_space<hbm>> -> memref<1x64x128xi32, #tpu.memory_space<hbm>>
      %dma_start3A_98 = tpu.memref_squeeze %dma_start3A_97 : memref<1x64x128xi32, #tpu.memory_space<hbm>> -> memref<64x128xi32, #tpu.memory_space<hbm>>
      tpu.enqueue_dma source(%dma_start3A_98 : memref<64x128xi32, #tpu.memory_space<hbm>>) target(%dma_start3A_95 : memref<64x128xi32, #tpu.memory_space<vmem>>) target_semaphore(%run_scoped3A_86 : memref<!tpu.dma_semaphore, #tpu.memory_space<semaphore_mem>>)
      %dma_wait3A = arith.constant 0 : i32
      %dma_wait3A_99 = arith.constant 0 : i32
      %dma_wait3A_100 = tpu.memref_slice %arg7[%dma_wait3A, %dma_wait3A_99] : memref<64x128xi32, #tpu.memory_space<vmem>> -> memref<64x128xi32, #tpu.memory_space<vmem>>
      %dma_wait3A_101 = arith.constant 0 : i32
      %dma_wait3A_102 = tpu.memref_slice %arg4[%arg1, %add3A_31, %dma_wait3A_101] : memref<16x160x128xi32, #tpu.memory_space<hbm>> -> memref<1x64x128xi32, #tpu.memory_space<hbm>>
      %dma_wait3A_103 = tpu.memref_squeeze %dma_wait3A_102 : memref<1x64x128xi32, #tpu.memory_space<hbm>> -> memref<64x128xi32, #tpu.memory_space<hbm>>
      %dma_wait3A_104 = arith.constant 0 : i32
      %dma_wait3A_105 = arith.constant 0 : i32
      %dma_wait3A_106 = tpu.memref_slice %arg7[%dma_wait3A_104, %dma_wait3A_105] : memref<64x128xi32, #tpu.memory_space<vmem>> -> memref<64x128xi32, #tpu.memory_space<vmem>>
      %dma_wait3A_107 = arith.constant 0 : i32
      %dma_wait3A_108 = tpu.memref_slice %arg4[%arg1, %add3A_31, %dma_wait3A_107] : memref<16x160x128xi32, #tpu.memory_space<hbm>> -> memref<1x64x128xi32, #tpu.memory_space<hbm>>
      %dma_wait3A_109 = tpu.memref_squeeze %dma_wait3A_108 : memref<1x64x128xi32, #tpu.memory_space<hbm>> -> memref<64x128xi32, #tpu.memory_space<hbm>>
      tpu.wait_dma2 semaphore(%run_scoped3A_86 : memref<!tpu.dma_semaphore, #tpu.memory_space<semaphore_mem>>) src(%dma_wait3A_109 : memref<64x128xi32, #tpu.memory_space<hbm>>) dst(%dma_wait3A_106 : memref<64x128xi32, #tpu.memory_space<vmem>>)
      tpu.yield
    }) : () -> ()
    %dma_start3A = arith.constant 0 : i32
    %dma_start3A_32 = arith.constant 0 : i32
    %dma_start3A_33 = arith.constant 0 : i32
    %dma_start3A_34 = arith.constant 0 : i32
    %dma_start3A_35 = arith.constant 0 : i32
    %dma_start3A_36 = arith.constant 0 : i32
    %dma_start3A_37 = tpu.memref_slice %arg8[%dma_start3A_32, %dma_start3A_35, %dma_start3A_36] : memref<2x128x128xf32, #tpu.memory_space<vmem>> -> memref<1x128x128xf32, #tpu.memory_space<vmem>>
    %dma_start3A_38 = tpu.memref_squeeze %dma_start3A_37 : memref<1x128x128xf32, #tpu.memory_space<vmem>> -> memref<128x128xf32, #tpu.memory_space<vmem>>
    %dma_start3A_39 = arith.constant 0 : i32
    %dma_start3A_40 = tpu.memref_slice %arg6[%dma_start3A, %dma_start3A_39] : memref<64x128xi32, #tpu.memory_space<vmem>> -> memref<1x128xi32, #tpu.memory_space<vmem>>
    %dma_start3A_41 = tpu.memref_squeeze %dma_start3A_40 : memref<1x128xi32, #tpu.memory_space<vmem>> -> memref<128xi32, #tpu.memory_space<vmem>>
    %dma_start3A_42 = arith.constant 0 : i32
    %dma_start3A_43 = arith.constant 0 : i32
    %dma_start3A_44 = tpu.memref_slice %arg2[%dma_start3A_42, %dma_start3A_43] : memref<10000x128xf32, #tpu.memory_space<hbm>> -> memref<10000x128xf32, #tpu.memory_space<hbm>>
    %dma_start3A_45 = tpu.memref_slice %arg10[%dma_start3A_33, %dma_start3A_34] : memref<2x1x!tpu.dma_semaphore, #tpu.memory_space<semaphore_mem>> -> memref<1x1x!tpu.dma_semaphore, #tpu.memory_space<semaphore_mem>>
    %dma_start3A_46 = tpu.memref_squeeze %dma_start3A_45 : memref<1x1x!tpu.dma_semaphore, #tpu.memory_space<semaphore_mem>> -> memref<!tpu.dma_semaphore, #tpu.memory_space<semaphore_mem>>
    tpu.enqueue_indirect_dma source(%dma_start3A_44 : memref<10000x128xf32, #tpu.memory_space<hbm>>) target(%dma_start3A_38 : memref<128x128xf32, #tpu.memory_space<vmem>>) offsets(%dma_start3A_41 : memref<128xi32, #tpu.memory_space<vmem>>) semaphore(%dma_start3A_46 : memref<!tpu.dma_semaphore, #tpu.memory_space<semaphore_mem>>)
    %scan3A_47 = arith.constant 0 : i32
    %scan3A_48 = arith.constant 0 : i32
    %scan3A_49 = arith.constant 64 : i32
    %scan3A_50 = arith.addi %scan3A_48, %scan3A_49 : i32
    %scan3A_51 = arith.constant 1 : i32
    scf.for %scan3A_86 = %scan3A_48 to %scan3A_50 step %scan3A_51  : i32 {
      %rem3A = arith.constant 2 : i32
      %rem3A_87 = arith.remsi %scan3A_86, %rem3A : i32
      %add3A_88 = arith.constant 1 : i32
      %add3A_89 = arith.addi %scan3A_86, %add3A_88 : i32
      %lt3A = arith.constant 64 : i32
      %lt3A_90 = arith.cmpi slt, %add3A_89, %lt3A : i32
      %convert_element_type3A = arith.extui %lt3A_90 : i1 to i32
      %cond3A = arith.constant 0 : i32
      %cond3A_91 = arith.cmpi ne, %convert_element_type3A, %cond3A : i32
      scf.if %cond3A_91 {
        %add3A_104 = arith.constant 1 : i32
        %add3A_105 = arith.addi %scan3A_86, %add3A_104 : i32
        %sub3A_106 = arith.constant 1 : i32
        %sub3A_107 = arith.subi %sub3A_106, %rem3A_87 : i32
        %dma_start3A_108 = arith.constant 0 : i32
        %dma_start3A_109 = arith.constant 0 : i32
        %dma_start3A_110 = arith.constant 0 : i32
        %dma_start3A_111 = tpu.memref_slice %arg8[%sub3A_107, %dma_start3A_109, %dma_start3A_110] : memref<2x128x128xf32, #tpu.memory_space<vmem>> -> memref<1x128x128xf32, #tpu.memory_space<vmem>>
        %dma_start3A_112 = tpu.memref_squeeze %dma_start3A_111 : memref<1x128x128xf32, #tpu.memory_space<vmem>> -> memref<128x128xf32, #tpu.memory_space<vmem>>
        %dma_start3A_113 = arith.constant 0 : i32
        %dma_start3A_114 = tpu.memref_slice %arg6[%add3A_105, %dma_start3A_113] : memref<64x128xi32, #tpu.memory_space<vmem>> -> memref<1x128xi32, #tpu.memory_space<vmem>>
        %dma_start3A_115 = tpu.memref_squeeze %dma_start3A_114 : memref<1x128xi32, #tpu.memory_space<vmem>> -> memref<128xi32, #tpu.memory_space<vmem>>
        %dma_start3A_116 = arith.constant 0 : i32
        %dma_start3A_117 = arith.constant 0 : i32
        %dma_start3A_118 = tpu.memref_slice %arg2[%dma_start3A_116, %dma_start3A_117] : memref<10000x128xf32, #tpu.memory_space<hbm>> -> memref<10000x128xf32, #tpu.memory_space<hbm>>
        %dma_start3A_119 = tpu.memref_slice %arg10[%sub3A_107, %dma_start3A_108] : memref<2x1x!tpu.dma_semaphore, #tpu.memory_space<semaphore_mem>> -> memref<1x1x!tpu.dma_semaphore, #tpu.memory_space<semaphore_mem>>
        %dma_start3A_120 = tpu.memref_squeeze %dma_start3A_119 : memref<1x1x!tpu.dma_semaphore, #tpu.memory_space<semaphore_mem>> -> memref<!tpu.dma_semaphore, #tpu.memory_space<semaphore_mem>>
        tpu.enqueue_indirect_dma source(%dma_start3A_118 : memref<10000x128xf32, #tpu.memory_space<hbm>>) target(%dma_start3A_112 : memref<128x128xf32, #tpu.memory_space<vmem>>) offsets(%dma_start3A_115 : memref<128xi32, #tpu.memory_space<vmem>>) semaphore(%dma_start3A_120 : memref<!tpu.dma_semaphore, #tpu.memory_space<semaphore_mem>>)
      } else {
      }
      %dma_wait3A = arith.constant 0 : i32
      %dma_wait3A_92 = arith.constant 0 : i32
      %dma_wait3A_93 = arith.constant 0 : i32
      %dma_wait3A_94 = tpu.memref_slice %arg8[%rem3A_87, %dma_wait3A_92, %dma_wait3A_93] : memref<2x128x128xf32, #tpu.memory_space<vmem>> -> memref<1x128x128xf32, #tpu.memory_space<vmem>>
      %dma_wait3A_95 = tpu.memref_squeeze %dma_wait3A_94 : memref<1x128x128xf32, #tpu.memory_space<vmem>> -> memref<128x128xf32, #tpu.memory_space<vmem>>
      %dma_wait3A_96 = arith.constant 0 : i32
      %dma_wait3A_97 = tpu.memref_slice %arg6[%scan3A_86, %dma_wait3A_96] : memref<64x128xi32, #tpu.memory_space<vmem>> -> memref<1x128xi32, #tpu.memory_space<vmem>>
      %dma_wait3A_98 = tpu.memref_squeeze %dma_wait3A_97 : memref<1x128xi32, #tpu.memory_space<vmem>> -> memref<128xi32, #tpu.memory_space<vmem>>
      %dma_wait3A_99 = arith.constant 0 : i32
      %dma_wait3A_100 = arith.constant 0 : i32
      %dma_wait3A_101 = tpu.memref_slice %arg2[%dma_wait3A_99, %dma_wait3A_100] : memref<10000x128xf32, #tpu.memory_space<hbm>> -> memref<10000x128xf32, #tpu.memory_space<hbm>>
      %dma_wait3A_102 = tpu.memref_slice %arg10[%rem3A_87, %dma_wait3A] : memref<2x1x!tpu.dma_semaphore, #tpu.memory_space<semaphore_mem>> -> memref<1x1x!tpu.dma_semaphore, #tpu.memory_space<semaphore_mem>>
      %dma_wait3A_103 = tpu.memref_squeeze %dma_wait3A_102 : memref<1x1x!tpu.dma_semaphore, #tpu.memory_space<semaphore_mem>> -> memref<!tpu.dma_semaphore, #tpu.memory_space<semaphore_mem>>
      tpu.wait_indirect_dma semaphore(%dma_wait3A_103 : memref<!tpu.dma_semaphore, #tpu.memory_space<semaphore_mem>>) src(%dma_wait3A_101 : memref<10000x128xf32, #tpu.memory_space<hbm>>) dst(%dma_wait3A_95 : memref<128x128xf32, #tpu.memory_space<vmem>>)
      "tpu.region"() ({
        %run_scoped3A_104 = tpu.sem_alloc : memref<!tpu.dma_semaphore, #tpu.memory_space<semaphore_mem>>
        %dma_start3A_105 = arith.constant 0 : i32
        %dma_start3A_106 = arith.constant 0 : i32
        %dma_start3A_107 = tpu.memref_slice %arg8[%rem3A_87, %dma_start3A_105, %dma_start3A_106] : memref<2x128x128xf32, #tpu.memory_space<vmem>> -> memref<1x128x128xf32, #tpu.memory_space<vmem>>
        %dma_start3A_108 = tpu.memref_squeeze %dma_start3A_107 : memref<1x128x128xf32, #tpu.memory_space<vmem>> -> memref<128x128xf32, #tpu.memory_space<vmem>>
        %dma_start3A_109 = arith.constant 0 : i32
        %dma_start3A_110 = tpu.memref_slice %arg7[%scan3A_86, %dma_start3A_109] : memref<64x128xi32, #tpu.memory_space<vmem>> -> memref<1x128xi32, #tpu.memory_space<vmem>>
        %dma_start3A_111 = tpu.memref_squeeze %dma_start3A_110 : memref<1x128xi32, #tpu.memory_space<vmem>> -> memref<128xi32, #tpu.memory_space<vmem>>
        %dma_start3A_112 = arith.constant 0 : i32
        %dma_start3A_113 = arith.constant 0 : i32
        %dma_start3A_114 = tpu.memref_slice %arg9[%dma_start3A_112, %dma_start3A_113] : memref<10112x128xf32, #tpu.memory_space<vmem_shared>> -> memref<10112x128xf32, #tpu.memory_space<vmem_shared>>
        tpu.enqueue_indirect_dma source(%dma_start3A_108 : memref<128x128xf32, #tpu.memory_space<vmem>>) target(%dma_start3A_114 : memref<10112x128xf32, #tpu.memory_space<vmem_shared>>) offsets(%dma_start3A_111 : memref<128xi32, #tpu.memory_space<vmem>>) semaphore(%run_scoped3A_104 : memref<!tpu.dma_semaphore, #tpu.memory_space<semaphore_mem>>) {add = true}
        %dma_wait3A_115 = arith.constant 0 : i32
        %dma_wait3A_116 = arith.constant 0 : i32
        %dma_wait3A_117 = tpu.memref_slice %arg8[%rem3A_87, %dma_wait3A_115, %dma_wait3A_116] : memref<2x128x128xf32, #tpu.memory_space<vmem>> -> memref<1x128x128xf32, #tpu.memory_space<vmem>>
        %dma_wait3A_118 = tpu.memref_squeeze %dma_wait3A_117 : memref<1x128x128xf32, #tpu.memory_space<vmem>> -> memref<128x128xf32, #tpu.memory_space<vmem>>
        %dma_wait3A_119 = arith.constant 0 : i32
        %dma_wait3A_120 = tpu.memref_slice %arg7[%scan3A_86, %dma_wait3A_119] : memref<64x128xi32, #tpu.memory_space<vmem>> -> memref<1x128xi32, #tpu.memory_space<vmem>>
        %dma_wait3A_121 = tpu.memref_squeeze %dma_wait3A_120 : memref<1x128xi32, #tpu.memory_space<vmem>> -> memref<128xi32, #tpu.memory_space<vmem>>
        %dma_wait3A_122 = arith.constant 0 : i32
        %dma_wait3A_123 = arith.constant 0 : i32
        %dma_wait3A_124 = tpu.memref_slice %arg9[%dma_wait3A_122, %dma_wait3A_123] : memref<10112x128xf32, #tpu.memory_space<vmem_shared>> -> memref<10112x128xf32, #tpu.memory_space<vmem_shared>>
        tpu.wait_indirect_dma semaphore(%run_scoped3A_104 : memref<!tpu.dma_semaphore, #tpu.memory_space<semaphore_mem>>) src(%dma_wait3A_118 : memref<128x128xf32, #tpu.memory_space<vmem>>) dst(%dma_wait3A_124 : memref<10112x128xf32, #tpu.memory_space<vmem_shared>>)
        tpu.yield
      }) : () -> ()
    }
    %scan3A_52 = arith.constant 64 : i32
    %mul3A_53 = arith.constant 80 : i32
    %mul3A_54 = arith.muli %arg0, %mul3A_53 : i32
    %add3A_55 = arith.constant 80 : i32
    %add3A_56 = arith.addi %mul3A_54, %add3A_55 : i32
    %sub3A_57 = arith.constant 16 : i32
    %sub3A_58 = arith.subi %add3A_56, %sub3A_57 : i32
    "tpu.region"() ({
      %run_scoped3A_86 = tpu.sem_alloc : memref<!tpu.dma_semaphore, #tpu.memory_space<semaphore_mem>>
      %dma_start3A_87 = arith.constant 0 : i32
      %dma_start3A_88 = arith.constant 0 : i32
      %dma_start3A_89 = tpu.memref_slice %arg6[%dma_start3A_87, %dma_start3A_88] : memref<64x128xi32, #tpu.memory_space<vmem>> -> memref<16x128xi32, #tpu.memory_space<vmem>>
      %dma_start3A_90 = arith.constant 0 : i32
      %dma_start3A_91 = tpu.memref_slice %arg3[%arg1, %sub3A_58, %dma_start3A_90] : memref<16x160x128xi32, #tpu.memory_space<hbm>> -> memref<1x16x128xi32, #tpu.memory_space<hbm>>
      %dma_start3A_92 = tpu.memref_squeeze %dma_start3A_91 : memref<1x16x128xi32, #tpu.memory_space<hbm>> -> memref<16x128xi32, #tpu.memory_space<hbm>>
      %dma_start3A_93 = arith.constant 0 : i32
      %dma_start3A_94 = arith.constant 0 : i32
      %dma_start3A_95 = tpu.memref_slice %arg6[%dma_start3A_93, %dma_start3A_94] : memref<64x128xi32, #tpu.memory_space<vmem>> -> memref<16x128xi32, #tpu.memory_space<vmem>>
      %dma_start3A_96 = arith.constant 0 : i32
      %dma_start3A_97 = tpu.memref_slice %arg3[%arg1, %sub3A_58, %dma_start3A_96] : memref<16x160x128xi32, #tpu.memory_space<hbm>> -> memref<1x16x128xi32, #tpu.memory_space<hbm>>
      %dma_start3A_98 = tpu.memref_squeeze %dma_start3A_97 : memref<1x16x128xi32, #tpu.memory_space<hbm>> -> memref<16x128xi32, #tpu.memory_space<hbm>>
      tpu.enqueue_dma source(%dma_start3A_98 : memref<16x128xi32, #tpu.memory_space<hbm>>) target(%dma_start3A_95 : memref<16x128xi32, #tpu.memory_space<vmem>>) target_semaphore(%run_scoped3A_86 : memref<!tpu.dma_semaphore, #tpu.memory_space<semaphore_mem>>)
      %dma_wait3A = arith.constant 0 : i32
      %dma_wait3A_99 = arith.constant 0 : i32
      %dma_wait3A_100 = tpu.memref_slice %arg6[%dma_wait3A, %dma_wait3A_99] : memref<64x128xi32, #tpu.memory_space<vmem>> -> memref<16x128xi32, #tpu.memory_space<vmem>>
      %dma_wait3A_101 = arith.constant 0 : i32
      %dma_wait3A_102 = tpu.memref_slice %arg3[%arg1, %sub3A_58, %dma_wait3A_101] : memref<16x160x128xi32, #tpu.memory_space<hbm>> -> memref<1x16x128xi32, #tpu.memory_space<hbm>>
      %dma_wait3A_103 = tpu.memref_squeeze %dma_wait3A_102 : memref<1x16x128xi32, #tpu.memory_space<hbm>> -> memref<16x128xi32, #tpu.memory_space<hbm>>
      %dma_wait3A_104 = arith.constant 0 : i32
      %dma_wait3A_105 = arith.constant 0 : i32
      %dma_wait3A_106 = tpu.memref_slice %arg6[%dma_wait3A_104, %dma_wait3A_105] : memref<64x128xi32, #tpu.memory_space<vmem>> -> memref<16x128xi32, #tpu.memory_space<vmem>>
      %dma_wait3A_107 = arith.constant 0 : i32
      %dma_wait3A_108 = tpu.memref_slice %arg3[%arg1, %sub3A_58, %dma_wait3A_107] : memref<16x160x128xi32, #tpu.memory_space<hbm>> -> memref<1x16x128xi32, #tpu.memory_space<hbm>>
      %dma_wait3A_109 = tpu.memref_squeeze %dma_wait3A_108 : memref<1x16x128xi32, #tpu.memory_space<hbm>> -> memref<16x128xi32, #tpu.memory_space<hbm>>
      tpu.wait_dma2 semaphore(%run_scoped3A_86 : memref<!tpu.dma_semaphore, #tpu.memory_space<semaphore_mem>>) src(%dma_wait3A_109 : memref<16x128xi32, #tpu.memory_space<hbm>>) dst(%dma_wait3A_106 : memref<16x128xi32, #tpu.memory_space<vmem>>)
      tpu.yield
    }) : () -> ()
    "tpu.region"() ({
      %run_scoped3A_86 = tpu.sem_alloc : memref<!tpu.dma_semaphore, #tpu.memory_space<semaphore_mem>>
      %dma_start3A_87 = arith.constant 0 : i32
      %dma_start3A_88 = arith.constant 0 : i32
      %dma_start3A_89 = tpu.memref_slice %arg7[%dma_start3A_87, %dma_start3A_88] : memref<64x128xi32, #tpu.memory_space<vmem>> -> memref<16x128xi32, #tpu.memory_space<vmem>>
      %dma_start3A_90 = arith.constant 0 : i32
      %dma_start3A_91 = tpu.memref_slice %arg4[%arg1, %sub3A_58, %dma_start3A_90] : memref<16x160x128xi32, #tpu.memory_space<hbm>> -> memref<1x16x128xi32, #tpu.memory_space<hbm>>
      %dma_start3A_92 = tpu.memref_squeeze %dma_start3A_91 : memref<1x16x128xi32, #tpu.memory_space<hbm>> -> memref<16x128xi32, #tpu.memory_space<hbm>>
      %dma_start3A_93 = arith.constant 0 : i32
      %dma_start3A_94 = arith.constant 0 : i32
      %dma_start3A_95 = tpu.memref_slice %arg7[%dma_start3A_93, %dma_start3A_94] : memref<64x128xi32, #tpu.memory_space<vmem>> -> memref<16x128xi32, #tpu.memory_space<vmem>>
      %dma_start3A_96 = arith.constant 0 : i32
      %dma_start3A_97 = tpu.memref_slice %arg4[%arg1, %sub3A_58, %dma_start3A_96] : memref<16x160x128xi32, #tpu.memory_space<hbm>> -> memref<1x16x128xi32, #tpu.memory_space<hbm>>
      %dma_start3A_98 = tpu.memref_squeeze %dma_start3A_97 : memref<1x16x128xi32, #tpu.memory_space<hbm>> -> memref<16x128xi32, #tpu.memory_space<hbm>>
      tpu.enqueue_dma source(%dma_start3A_98 : memref<16x128xi32, #tpu.memory_space<hbm>>) target(%dma_start3A_95 : memref<16x128xi32, #tpu.memory_space<vmem>>) target_semaphore(%run_scoped3A_86 : memref<!tpu.dma_semaphore, #tpu.memory_space<semaphore_mem>>)
      %dma_wait3A = arith.constant 0 : i32
      %dma_wait3A_99 = arith.constant 0 : i32
      %dma_wait3A_100 = tpu.memref_slice %arg7[%dma_wait3A, %dma_wait3A_99] : memref<64x128xi32, #tpu.memory_space<vmem>> -> memref<16x128xi32, #tpu.memory_space<vmem>>
      %dma_wait3A_101 = arith.constant 0 : i32
      %dma_wait3A_102 = tpu.memref_slice %arg4[%arg1, %sub3A_58, %dma_wait3A_101] : memref<16x160x128xi32, #tpu.memory_space<hbm>> -> memref<1x16x128xi32, #tpu.memory_space<hbm>>
      %dma_wait3A_103 = tpu.memref_squeeze %dma_wait3A_102 : memref<1x16x128xi32, #tpu.memory_space<hbm>> -> memref<16x128xi32, #tpu.memory_space<hbm>>
      %dma_wait3A_104 = arith.constant 0 : i32
      %dma_wait3A_105 = arith.constant 0 : i32
      %dma_wait3A_106 = tpu.memref_slice %arg7[%dma_wait3A_104, %dma_wait3A_105] : memref<64x128xi32, #tpu.memory_space<vmem>> -> memref<16x128xi32, #tpu.memory_space<vmem>>
      %dma_wait3A_107 = arith.constant 0 : i32
      %dma_wait3A_108 = tpu.memref_slice %arg4[%arg1, %sub3A_58, %dma_wait3A_107] : memref<16x160x128xi32, #tpu.memory_space<hbm>> -> memref<1x16x128xi32, #tpu.memory_space<hbm>>
      %dma_wait3A_109 = tpu.memref_squeeze %dma_wait3A_108 : memref<1x16x128xi32, #tpu.memory_space<hbm>> -> memref<16x128xi32, #tpu.memory_space<hbm>>
      tpu.wait_dma2 semaphore(%run_scoped3A_86 : memref<!tpu.dma_semaphore, #tpu.memory_space<semaphore_mem>>) src(%dma_wait3A_109 : memref<16x128xi32, #tpu.memory_space<hbm>>) dst(%dma_wait3A_106 : memref<16x128xi32, #tpu.memory_space<vmem>>)
      tpu.yield
    }) : () -> ()
    %dma_start3A_59 = arith.constant 0 : i32
    %dma_start3A_60 = arith.constant 0 : i32
    %dma_start3A_61 = arith.constant 0 : i32
    %dma_start3A_62 = arith.constant 0 : i32
    %dma_start3A_63 = arith.constant 0 : i32
    %dma_start3A_64 = arith.constant 0 : i32
    %dma_start3A_65 = tpu.memref_slice %arg8[%dma_start3A_60, %dma_start3A_63, %dma_start3A_64] : memref<2x128x128xf32, #tpu.memory_space<vmem>> -> memref<1x128x128xf32, #tpu.memory_space<vmem>>
    %dma_start3A_66 = tpu.memref_squeeze %dma_start3A_65 : memref<1x128x128xf32, #tpu.memory_space<vmem>> -> memref<128x128xf32, #tpu.memory_space<vmem>>
    %dma_start3A_67 = arith.constant 0 : i32
    %dma_start3A_68 = tpu.memref_slice %arg6[%dma_start3A_59, %dma_start3A_67] : memref<64x128xi32, #tpu.memory_space<vmem>> -> memref<1x128xi32, #tpu.memory_space<vmem>>
    %dma_start3A_69 = tpu.memref_squeeze %dma_start3A_68 : memref<1x128xi32, #tpu.memory_space<vmem>> -> memref<128xi32, #tpu.memory_space<vmem>>
    %dma_start3A_70 = arith.constant 0 : i32
    %dma_start3A_71 = arith.constant 0 : i32
    %dma_start3A_72 = tpu.memref_slice %arg2[%dma_start3A_70, %dma_start3A_71] : memref<10000x128xf32, #tpu.memory_space<hbm>> -> memref<10000x128xf32, #tpu.memory_space<hbm>>
    %dma_start3A_73 = tpu.memref_slice %arg10[%dma_start3A_61, %dma_start3A_62] : memref<2x1x!tpu.dma_semaphore, #tpu.memory_space<semaphore_mem>> -> memref<1x1x!tpu.dma_semaphore, #tpu.memory_space<semaphore_mem>>
    %dma_start3A_74 = tpu.memref_squeeze %dma_start3A_73 : memref<1x1x!tpu.dma_semaphore, #tpu.memory_space<semaphore_mem>> -> memref<!tpu.dma_semaphore, #tpu.memory_space<semaphore_mem>>
    tpu.enqueue_indirect_dma source(%dma_start3A_72 : memref<10000x128xf32, #tpu.memory_space<hbm>>) target(%dma_start3A_66 : memref<128x128xf32, #tpu.memory_space<vmem>>) offsets(%dma_start3A_69 : memref<128xi32, #tpu.memory_space<vmem>>) semaphore(%dma_start3A_74 : memref<!tpu.dma_semaphore, #tpu.memory_space<semaphore_mem>>)
    %scan3A_75 = arith.constant 0 : i32
    %scan3A_76 = arith.constant 0 : i32
    %scan3A_77 = arith.constant 16 : i32
    %scan3A_78 = arith.addi %scan3A_76, %scan3A_77 : i32
    %scan3A_79 = arith.constant 1 : i32
    scf.for %scan3A_86 = %scan3A_76 to %scan3A_78 step %scan3A_79  : i32 {
      %rem3A = arith.constant 2 : i32
      %rem3A_87 = arith.remsi %scan3A_86, %rem3A : i32
      %add3A_88 = arith.constant 1 : i32
      %add3A_89 = arith.addi %scan3A_86, %add3A_88 : i32
      %lt3A = arith.constant 16 : i32
      %lt3A_90 = arith.cmpi slt, %add3A_89, %lt3A : i32
      %convert_element_type3A = arith.extui %lt3A_90 : i1 to i32
      %cond3A = arith.constant 0 : i32
      %cond3A_91 = arith.cmpi ne, %convert_element_type3A, %cond3A : i32
      scf.if %cond3A_91 {
        %add3A_104 = arith.constant 1 : i32
        %add3A_105 = arith.addi %scan3A_86, %add3A_104 : i32
        %sub3A_106 = arith.constant 1 : i32
        %sub3A_107 = arith.subi %sub3A_106, %rem3A_87 : i32
        %dma_start3A_108 = arith.constant 0 : i32
        %dma_start3A_109 = arith.constant 0 : i32
        %dma_start3A_110 = arith.constant 0 : i32
        %dma_start3A_111 = tpu.memref_slice %arg8[%sub3A_107, %dma_start3A_109, %dma_start3A_110] : memref<2x128x128xf32, #tpu.memory_space<vmem>> -> memref<1x128x128xf32, #tpu.memory_space<vmem>>
        %dma_start3A_112 = tpu.memref_squeeze %dma_start3A_111 : memref<1x128x128xf32, #tpu.memory_space<vmem>> -> memref<128x128xf32, #tpu.memory_space<vmem>>
        %dma_start3A_113 = arith.constant 0 : i32
        %dma_start3A_114 = tpu.memref_slice %arg6[%add3A_105, %dma_start3A_113] : memref<64x128xi32, #tpu.memory_space<vmem>> -> memref<1x128xi32, #tpu.memory_space<vmem>>
        %dma_start3A_115 = tpu.memref_squeeze %dma_start3A_114 : memref<1x128xi32, #tpu.memory_space<vmem>> -> memref<128xi32, #tpu.memory_space<vmem>>
        %dma_start3A_116 = arith.constant 0 : i32
        %dma_start3A_117 = arith.constant 0 : i32
        %dma_start3A_118 = tpu.memref_slice %arg2[%dma_start3A_116, %dma_start3A_117] : memref<10000x128xf32, #tpu.memory_space<hbm>> -> memref<10000x128xf32, #tpu.memory_space<hbm>>
        %dma_start3A_119 = tpu.memref_slice %arg10[%sub3A_107, %dma_start3A_108] : memref<2x1x!tpu.dma_semaphore, #tpu.memory_space<semaphore_mem>> -> memref<1x1x!tpu.dma_semaphore, #tpu.memory_space<semaphore_mem>>
        %dma_start3A_120 = tpu.memref_squeeze %dma_start3A_119 : memref<1x1x!tpu.dma_semaphore, #tpu.memory_space<semaphore_mem>> -> memref<!tpu.dma_semaphore, #tpu.memory_space<semaphore_mem>>
        tpu.enqueue_indirect_dma source(%dma_start3A_118 : memref<10000x128xf32, #tpu.memory_space<hbm>>) target(%dma_start3A_112 : memref<128x128xf32, #tpu.memory_space<vmem>>) offsets(%dma_start3A_115 : memref<128xi32, #tpu.memory_space<vmem>>) semaphore(%dma_start3A_120 : memref<!tpu.dma_semaphore, #tpu.memory_space<semaphore_mem>>)
      } else {
      }
      %dma_wait3A = arith.constant 0 : i32
      %dma_wait3A_92 = arith.constant 0 : i32
      %dma_wait3A_93 = arith.constant 0 : i32
      %dma_wait3A_94 = tpu.memref_slice %arg8[%rem3A_87, %dma_wait3A_92, %dma_wait3A_93] : memref<2x128x128xf32, #tpu.memory_space<vmem>> -> memref<1x128x128xf32, #tpu.memory_space<vmem>>
      %dma_wait3A_95 = tpu.memref_squeeze %dma_wait3A_94 : memref<1x128x128xf32, #tpu.memory_space<vmem>> -> memref<128x128xf32, #tpu.memory_space<vmem>>
      %dma_wait3A_96 = arith.constant 0 : i32
      %dma_wait3A_97 = tpu.memref_slice %arg6[%scan3A_86, %dma_wait3A_96] : memref<64x128xi32, #tpu.memory_space<vmem>> -> memref<1x128xi32, #tpu.memory_space<vmem>>
      %dma_wait3A_98 = tpu.memref_squeeze %dma_wait3A_97 : memref<1x128xi32, #tpu.memory_space<vmem>> -> memref<128xi32, #tpu.memory_space<vmem>>
      %dma_wait3A_99 = arith.constant 0 : i32
      %dma_wait3A_100 = arith.constant 0 : i32
      %dma_wait3A_101 = tpu.memref_slice %arg2[%dma_wait3A_99, %dma_wait3A_100] : memref<10000x128xf32, #tpu.memory_space<hbm>> -> memref<10000x128xf32, #tpu.memory_space<hbm>>
      %dma_wait3A_102 = tpu.memref_slice %arg10[%rem3A_87, %dma_wait3A] : memref<2x1x!tpu.dma_semaphore, #tpu.memory_space<semaphore_mem>> -> memref<1x1x!tpu.dma_semaphore, #tpu.memory_space<semaphore_mem>>
      %dma_wait3A_103 = tpu.memref_squeeze %dma_wait3A_102 : memref<1x1x!tpu.dma_semaphore, #tpu.memory_space<semaphore_mem>> -> memref<!tpu.dma_semaphore, #tpu.memory_space<semaphore_mem>>
      tpu.wait_indirect_dma semaphore(%dma_wait3A_103 : memref<!tpu.dma_semaphore, #tpu.memory_space<semaphore_mem>>) src(%dma_wait3A_101 : memref<10000x128xf32, #tpu.memory_space<hbm>>) dst(%dma_wait3A_95 : memref<128x128xf32, #tpu.memory_space<vmem>>)
      "tpu.region"() ({
        %run_scoped3A_104 = tpu.sem_alloc : memref<!tpu.dma_semaphore, #tpu.memory_space<semaphore_mem>>
        %dma_start3A_105 = arith.constant 0 : i32
        %dma_start3A_106 = arith.constant 0 : i32
        %dma_start3A_107 = tpu.memref_slice %arg8[%rem3A_87, %dma_start3A_105, %dma_start3A_106] : memref<2x128x128xf32, #tpu.memory_space<vmem>> -> memref<1x128x128xf32, #tpu.memory_space<vmem>>
        %dma_start3A_108 = tpu.memref_squeeze %dma_start3A_107 : memref<1x128x128xf32, #tpu.memory_space<vmem>> -> memref<128x128xf32, #tpu.memory_space<vmem>>
        %dma_start3A_109 = arith.constant 0 : i32
        %dma_start3A_110 = tpu.memref_slice %arg7[%scan3A_86, %dma_start3A_109] : memref<64x128xi32, #tpu.memory_space<vmem>> -> memref<1x128xi32, #tpu.memory_space<vmem>>
        %dma_start3A_111 = tpu.memref_squeeze %dma_start3A_110 : memref<1x128xi32, #tpu.memory_space<vmem>> -> memref<128xi32, #tpu.memory_space<vmem>>
        %dma_start3A_112 = arith.constant 0 : i32
        %dma_start3A_113 = arith.constant 0 : i32
        %dma_start3A_114 = tpu.memref_slice %arg9[%dma_start3A_112, %dma_start3A_113] : memref<10112x128xf32, #tpu.memory_space<vmem_shared>> -> memref<10112x128xf32, #tpu.memory_space<vmem_shared>>
        tpu.enqueue_indirect_dma source(%dma_start3A_108 : memref<128x128xf32, #tpu.memory_space<vmem>>) target(%dma_start3A_114 : memref<10112x128xf32, #tpu.memory_space<vmem_shared>>) offsets(%dma_start3A_111 : memref<128xi32, #tpu.memory_space<vmem>>) semaphore(%run_scoped3A_104 : memref<!tpu.dma_semaphore, #tpu.memory_space<semaphore_mem>>) {add = true}
        %dma_wait3A_115 = arith.constant 0 : i32
        %dma_wait3A_116 = arith.constant 0 : i32
        %dma_wait3A_117 = tpu.memref_slice %arg8[%rem3A_87, %dma_wait3A_115, %dma_wait3A_116] : memref<2x128x128xf32, #tpu.memory_space<vmem>> -> memref<1x128x128xf32, #tpu.memory_space<vmem>>
        %dma_wait3A_118 = tpu.memref_squeeze %dma_wait3A_117 : memref<1x128x128xf32, #tpu.memory_space<vmem>> -> memref<128x128xf32, #tpu.memory_space<vmem>>
        %dma_wait3A_119 = arith.constant 0 : i32
        %dma_wait3A_120 = tpu.memref_slice %arg7[%scan3A_86, %dma_wait3A_119] : memref<64x128xi32, #tpu.memory_space<vmem>> -> memref<1x128xi32, #tpu.memory_space<vmem>>
        %dma_wait3A_121 = tpu.memref_squeeze %dma_wait3A_120 : memref<1x128xi32, #tpu.memory_space<vmem>> -> memref<128xi32, #tpu.memory_space<vmem>>
        %dma_wait3A_122 = arith.constant 0 : i32
        %dma_wait3A_123 = arith.constant 0 : i32
        %dma_wait3A_124 = tpu.memref_slice %arg9[%dma_wait3A_122, %dma_wait3A_123] : memref<10112x128xf32, #tpu.memory_space<vmem_shared>> -> memref<10112x128xf32, #tpu.memory_space<vmem_shared>>
        tpu.wait_indirect_dma semaphore(%run_scoped3A_104 : memref<!tpu.dma_semaphore, #tpu.memory_space<semaphore_mem>>) src(%dma_wait3A_118 : memref<128x128xf32, #tpu.memory_space<vmem>>) dst(%dma_wait3A_124 : memref<10112x128xf32, #tpu.memory_space<vmem_shared>>)
        tpu.yield
      }) : () -> ()
    }
    %scan3A_80 = arith.constant 16 : i32
    %barrier3A_81 = arith.constant 0 : index
    tpu.barrier barrier_id(%barrier3A_81)
    %mul3A_82 = arith.constant 632 : i32
    %mul3A_83 = arith.muli %arg1, %mul3A_82 : i32
    %mul3A_84 = arith.constant 632 : i32
    %mul3A_85 = arith.muli %arg1, %mul3A_84 : i32
    "tpu.region"() ({
      %run_scoped3A_86 = tpu.sem_alloc : memref<!tpu.dma_semaphore, #tpu.memory_space<semaphore_mem>>
      %dma_start3A_87 = arith.constant 0 : i32
      %dma_start3A_88 = tpu.memref_slice %arg5[%arg0, %mul3A_85, %dma_start3A_87] : memref<2x10112x128xf32, #tpu.memory_space<hbm>> -> memref<1x632x128xf32, #tpu.memory_space<hbm>>
      %dma_start3A_89 = tpu.memref_squeeze %dma_start3A_88 : memref<1x632x128xf32, #tpu.memory_space<hbm>> -> memref<632x128xf32, #tpu.memory_space<hbm>>
      %dma_start3A_90 = arith.constant 0 : i32
      %dma_start3A_91 = tpu.memref_slice %arg9[%mul3A_83, %dma_start3A_90] : memref<10112x128xf32, #tpu.memory_space<vmem_shared>> -> memref<632x128xf32, #tpu.memory_space<vmem_shared>>
      tpu.enqueue_dma source(%dma_start3A_91 : memref<632x128xf32, #tpu.memory_space<vmem_shared>>) target(%dma_start3A_89 : memref<632x128xf32, #tpu.memory_space<hbm>>) target_semaphore(%run_scoped3A_86 : memref<!tpu.dma_semaphore, #tpu.memory_space<semaphore_mem>>)
      %dma_wait3A = arith.constant 0 : i32
      %dma_wait3A_92 = tpu.memref_slice %arg5[%arg0, %mul3A_85, %dma_wait3A] : memref<2x10112x128xf32, #tpu.memory_space<hbm>> -> memref<1x632x128xf32, #tpu.memory_space<hbm>>
      %dma_wait3A_93 = tpu.memref_squeeze %dma_wait3A_92 : memref<1x632x128xf32, #tpu.memory_space<hbm>> -> memref<632x128xf32, #tpu.memory_space<hbm>>
      %dma_wait3A_94 = arith.constant 0 : i32
      %dma_wait3A_95 = tpu.memref_slice %arg9[%mul3A_83, %dma_wait3A_94] : memref<10112x128xf32, #tpu.memory_space<vmem_shared>> -> memref<632x128xf32, #tpu.memory_space<vmem_shared>>
      tpu.wait_dma2 semaphore(%run_scoped3A_86 : memref<!tpu.dma_semaphore, #tpu.memory_space<semaphore_mem>>) src(%dma_wait3A_95 : memref<632x128xf32, #tpu.memory_space<vmem_shared>>) dst(%dma_wait3A_93 : memref<632x128xf32, #tpu.memory_space<hbm>>)
      tpu.yield
    }) : () -> ()
    return
  }
}

#map = affine_map<(d0, d1) -> (0, 0)>
#map1 = affine_map<(d0, d1) -> (0, 0, 0)>
module attributes {stable_mosaic.version = 14 : i64} {
  func.func @_msg_kernel(%arg0: i32, %arg1: i32, %arg2: memref<10000x128xf32, #tpu.memory_space<hbm>>, %arg3: memref<16x160x128xi32, #tpu.memory_space<hbm>>, %arg4: memref<16x160x128xi32, #tpu.memory_space<hbm>>, %arg5: memref<2x10112x128xf32, #tpu.memory_space<hbm>>, %arg6: memref<64x128xi32, #tpu.memory_space<vmem>>, %arg7: memref<64x128xi32, #tpu.memory_space<vmem>>, %arg8: memref<2x128x128xf32, #tpu.memory_space<vmem>>, %arg9: memref<10112x128xf32, #tpu.memory_space<vmem_shared>>, %arg10: memref<2x1x!tpu.dma_semaphore, #tpu.memory_space<semaphore_mem>>) attributes {dimension_semantics = [#tpu.dimension_semantics<core_parallel>, #tpu.dimension_semantics<subcore_parallel>], iteration_bounds = array<i64: 2, 16>, scalar_prefetch = 0 : i64, scratch_operands = 5 : i64, tpu.core_type = #tpu.core_type<sc_vector_subcore>, window_params = [{transform_indices = #map}, {transform_indices = #map1}, {transform_indices = #map1}, {transform_indices = #map1}]} {
    %scan3A = arith.constant 0 : i32
    %scan3A_0 = arith.constant 0 : i32
    %scan3A_1 = arith.constant 128 : i32
    %scan3A_2 = arith.addi %scan3A_0, %scan3A_1 : i32
    %scan3A_3 = arith.constant 1 : i32
    scf.for %scan3A_86 = %scan3A_0 to %scan3A_2 step %scan3A_3  : i32 {
      %broadcast_in_dim3A = arith.constant 0.000000e+00 : f32
      %broadcast_in_dim3A_87 = vector.broadcast %broadcast_in_dim3A : f32 to vector<16xf32>
      %swap3A = arith.constant 0 : i32
      %swap3A_88 = arith.index_cast %swap3A : i32 to index
      %swap3A_89 = arith.index_cast %scan3A_86 : i32 to index
      %swap3A_90 = arith.constant 0 : index
      %swap3A_91 = tpu.vector_load %arg8[%swap3A_88, %swap3A_89, %swap3A_90] {strides = array<i32>} : memref<2x128x128xf32, #tpu.memory_space<vmem>>, vector<1x1x16xf32>,
      %swap3A_92 = vector.shape_cast %swap3A_91 : vector<1x1x16xf32> to vector<16xf32>
      %swap3A_93 = vector.shape_cast %broadcast_in_dim3A_87 : vector<16xf32> to vector<1x1x16xf32>
      tpu.vector_store %arg8[%swap3A_88, %swap3A_89, %swap3A_90], %swap3A_93 {strides = array<i32>} : memref<2x128x128xf32, #tpu.memory_space<vmem>>, vector<1x1x16xf32>,
      %broadcast_in_dim3A_94 = arith.constant 0.000000e+00 : f32
      %broadcast_in_dim3A_95 = vector.broadcast %broadcast_in_dim3A_94 : f32 to vector<16xf32>
      %swap3A_96 = arith.constant 0 : i32
      %swap3A_97 = arith.index_cast %swap3A_96 : i32 to index
      %swap3A_98 = arith.index_cast %scan3A_86 : i32 to index
      %swap3A_99 = arith.constant 16 : index
      %swap3A_100 = tpu.vector_load %arg8[%swap3A_97, %swap3A_98, %swap3A_99] {strides = array<i32>} : memref<2x128x128xf32, #tpu.memory_space<vmem>>, vector<1x1x16xf32>,
      %swap3A_101 = vector.shape_cast %swap3A_100 : vector<1x1x16xf32> to vector<16xf32>
      %swap3A_102 = vector.shape_cast %broadcast_in_dim3A_95 : vector<16xf32> to vector<1x1x16xf32>
      tpu.vector_store %arg8[%swap3A_97, %swap3A_98, %swap3A_99], %swap3A_102 {strides = array<i32>} : memref<2x128x128xf32, #tpu.memory_space<vmem>>, vector<1x1x16xf32>,
      %broadcast_in_dim3A_103 = arith.constant 0.000000e+00 : f32
      %broadcast_in_dim3A_104 = vector.broadcast %broadcast_in_dim3A_103 : f32 to vector<16xf32>
      %swap3A_105 = arith.constant 0 : i32
      %swap3A_106 = arith.index_cast %swap3A_105 : i32 to index
      %swap3A_107 = arith.index_cast %scan3A_86 : i32 to index
      %swap3A_108 = arith.constant 32 : index
      %swap3A_109 = tpu.vector_load %arg8[%swap3A_106, %swap3A_107, %swap3A_108] {strides = array<i32>} : memref<2x128x128xf32, #tpu.memory_space<vmem>>, vector<1x1x16xf32>,
      %swap3A_110 = vector.shape_cast %swap3A_109 : vector<1x1x16xf32> to vector<16xf32>
      %swap3A_111 = vector.shape_cast %broadcast_in_dim3A_104 : vector<16xf32> to vector<1x1x16xf32>
      tpu.vector_store %arg8[%swap3A_106, %swap3A_107, %swap3A_108], %swap3A_111 {strides = array<i32>} : memref<2x128x128xf32, #tpu.memory_space<vmem>>, vector<1x1x16xf32>,
      %broadcast_in_dim3A_112 = arith.constant 0.000000e+00 : f32
      %broadcast_in_dim3A_113 = vector.broadcast %broadcast_in_dim3A_112 : f32 to vector<16xf32>
      %swap3A_114 = arith.constant 0 : i32
      %swap3A_115 = arith.index_cast %swap3A_114 : i32 to index
      %swap3A_116 = arith.index_cast %scan3A_86 : i32 to index
      %swap3A_117 = arith.constant 48 : index
      %swap3A_118 = tpu.vector_load %arg8[%swap3A_115, %swap3A_116, %swap3A_117] {strides = array<i32>} : memref<2x128x128xf32, #tpu.memory_space<vmem>>, vector<1x1x16xf32>,
      %swap3A_119 = vector.shape_cast %swap3A_118 : vector<1x1x16xf32> to vector<16xf32>
      %swap3A_120 = vector.shape_cast %broadcast_in_dim3A_113 : vector<16xf32> to vector<1x1x16xf32>
      tpu.vector_store %arg8[%swap3A_115, %swap3A_116, %swap3A_117], %swap3A_120 {strides = array<i32>} : memref<2x128x128xf32, #tpu.memory_space<vmem>>, vector<1x1x16xf32>,
      %broadcast_in_dim3A_121 = arith.constant 0.000000e+00 : f32
      %broadcast_in_dim3A_122 = vector.broadcast %broadcast_in_dim3A_121 : f32 to vector<16xf32>
      %swap3A_123 = arith.constant 0 : i32
      %swap3A_124 = arith.index_cast %swap3A_123 : i32 to index
      %swap3A_125 = arith.index_cast %scan3A_86 : i32 to index
      %swap3A_126 = arith.constant 64 : index
      %swap3A_127 = tpu.vector_load %arg8[%swap3A_124, %swap3A_125, %swap3A_126] {strides = array<i32>} : memref<2x128x128xf32, #tpu.memory_space<vmem>>, vector<1x1x16xf32>,
      %swap3A_128 = vector.shape_cast %swap3A_127 : vector<1x1x16xf32> to vector<16xf32>
      %swap3A_129 = vector.shape_cast %broadcast_in_dim3A_122 : vector<16xf32> to vector<1x1x16xf32>
      tpu.vector_store %arg8[%swap3A_124, %swap3A_125, %swap3A_126], %swap3A_129 {strides = array<i32>} : memref<2x128x128xf32, #tpu.memory_space<vmem>>, vector<1x1x16xf32>,
      %broadcast_in_dim3A_130 = arith.constant 0.000000e+00 : f32
      %broadcast_in_dim3A_131 = vector.broadcast %broadcast_in_dim3A_130 : f32 to vector<16xf32>
      %swap3A_132 = arith.constant 0 : i32
      %swap3A_133 = arith.index_cast %swap3A_132 : i32 to index
      %swap3A_134 = arith.index_cast %scan3A_86 : i32 to index
      %swap3A_135 = arith.constant 80 : index
      %swap3A_136 = tpu.vector_load %arg8[%swap3A_133, %swap3A_134, %swap3A_135] {strides = array<i32>} : memref<2x128x128xf32, #tpu.memory_space<vmem>>, vector<1x1x16xf32>,
      %swap3A_137 = vector.shape_cast %swap3A_136 : vector<1x1x16xf32> to vector<16xf32>
      %swap3A_138 = vector.shape_cast %broadcast_in_dim3A_131 : vector<16xf32> to vector<1x1x16xf32>
      tpu.vector_store %arg8[%swap3A_133, %swap3A_134, %swap3A_135], %swap3A_138 {strides = array<i32>} : memref<2x128x128xf32, #tpu.memory_space<vmem>>, vector<1x1x16xf32>,
      %broadcast_in_dim3A_139 = arith.constant 0.000000e+00 : f32
      %broadcast_in_dim3A_140 = vector.broadcast %broadcast_in_dim3A_139 : f32 to vector<16xf32>
      %swap3A_141 = arith.constant 0 : i32
      %swap3A_142 = arith.index_cast %swap3A_141 : i32 to index
      %swap3A_143 = arith.index_cast %scan3A_86 : i32 to index
      %swap3A_144 = arith.constant 96 : index
      %swap3A_145 = tpu.vector_load %arg8[%swap3A_142, %swap3A_143, %swap3A_144] {strides = array<i32>} : memref<2x128x128xf32, #tpu.memory_space<vmem>>, vector<1x1x16xf32>,
      %swap3A_146 = vector.shape_cast %swap3A_145 : vector<1x1x16xf32> to vector<16xf32>
      %swap3A_147 = vector.shape_cast %broadcast_in_dim3A_140 : vector<16xf32> to vector<1x1x16xf32>
      tpu.vector_store %arg8[%swap3A_142, %swap3A_143, %swap3A_144], %swap3A_147 {strides = array<i32>} : memref<2x128x128xf32, #tpu.memory_space<vmem>>, vector<1x1x16xf32>,
      %broadcast_in_dim3A_148 = arith.constant 0.000000e+00 : f32
      %broadcast_in_dim3A_149 = vector.broadcast %broadcast_in_dim3A_148 : f32 to vector<16xf32>
      %swap3A_150 = arith.constant 0 : i32
      %swap3A_151 = arith.index_cast %swap3A_150 : i32 to index
      %swap3A_152 = arith.index_cast %scan3A_86 : i32 to index
      %swap3A_153 = arith.constant 112 : index
      %swap3A_154 = tpu.vector_load %arg8[%swap3A_151, %swap3A_152, %swap3A_153] {strides = array<i32>} : memref<2x128x128xf32, #tpu.memory_space<vmem>>, vector<1x1x16xf32>,
      %swap3A_155 = vector.shape_cast %swap3A_154 : vector<1x1x16xf32> to vector<16xf32>
      %swap3A_156 = vector.shape_cast %broadcast_in_dim3A_149 : vector<16xf32> to vector<1x1x16xf32>
      tpu.vector_store %arg8[%swap3A_151, %swap3A_152, %swap3A_153], %swap3A_156 {strides = array<i32>} : memref<2x128x128xf32, #tpu.memory_space<vmem>>, vector<1x1x16xf32>,
    }
    %scan3A_4 = arith.constant 128 : i32
    %mul3A = arith.constant 632 : i32
    %mul3A_5 = arith.muli %arg1, %mul3A : i32
    %add3A = arith.constant 0 : i32
    %add3A_6 = arith.addi %mul3A_5, %add3A : i32
    %run_scoped3A = arith.constant 0 : i32
    "tpu.region"() ({
      %run_scoped3A_86 = tpu.sem_alloc : memref<!tpu.dma_semaphore, #tpu.memory_space<semaphore_mem>>
      %dma_start3A_87 = arith.constant 0 : i32
      %dma_start3A_88 = arith.constant 0 : i32
      %dma_start3A_89 = tpu.memref_slice %arg8[%run_scoped3A, %dma_start3A_87, %dma_start3A_88] : memref<2x128x128xf32, #tpu.memory_space<vmem>> -> memref<1x128x128xf32, #tpu.memory_space<vmem>>
      %dma_start3A_90 = tpu.memref_squeeze %dma_start3A_89 : memref<1x128x128xf32, #tpu.memory_space<vmem>> -> memref<128x128xf32, #tpu.memory_space<vmem>>
      %dma_start3A_91 = arith.constant 0 : i32
      %dma_start3A_92 = tpu.memref_slice %arg9[%add3A_6, %dma_start3A_91] : memref<10112x128xf32, #tpu.memory_space<vmem_shared>> -> memref<128x128xf32, #tpu.memory_space<vmem_shared>>
      %dma_start3A_93 = arith.constant 0 : i32
      %dma_start3A_94 = tpu.memref_slice %arg9[%add3A_6, %dma_start3A_93] : memref<10112x128xf32, #tpu.memory_space<vmem_shared>> -> memref<128x128xf32, #tpu.memory_space<vmem_shared>>
      %dma_start3A_95 = arith.constant 0 : i32
      %dma_start3A_96 = arith.constant 0 : i32
      %dma_start3A_97 = tpu.memref_slice %arg8[%run_scoped3A, %dma_start3A_95, %dma_start3A_96] : memref<2x128x128xf32, #tpu.memory_space<vmem>> -> memref<1x128x128xf32, #tpu.memory_space<vmem>>
      %dma_start3A_98 = tpu.memref_squeeze %dma_start3A_97 : memref<1x128x128xf32, #tpu.memory_space<vmem>> -> memref<128x128xf32, #tpu.memory_space<vmem>>
      tpu.enqueue_dma source(%dma_start3A_98 : memref<128x128xf32, #tpu.memory_space<vmem>>) target(%dma_start3A_94 : memref<128x128xf32, #tpu.memory_space<vmem_shared>>) target_semaphore(%run_scoped3A_86 : memref<!tpu.dma_semaphore, #tpu.memory_space<semaphore_mem>>)
      %dma_wait3A = arith.constant 0 : i32
      %dma_wait3A_99 = arith.constant 0 : i32
      %dma_wait3A_100 = tpu.memref_slice %arg8[%run_scoped3A, %dma_wait3A, %dma_wait3A_99] : memref<2x128x128xf32, #tpu.memory_space<vmem>> -> memref<1x128x128xf32, #tpu.memory_space<vmem>>
      %dma_wait3A_101 = tpu.memref_squeeze %dma_wait3A_100 : memref<1x128x128xf32, #tpu.memory_space<vmem>> -> memref<128x128xf32, #tpu.memory_space<vmem>>
      %dma_wait3A_102 = arith.constant 0 : i32
      %dma_wait3A_103 = tpu.memref_slice %arg9[%add3A_6, %dma_wait3A_102] : memref<10112x128xf32, #tpu.memory_space<vmem_shared>> -> memref<128x128xf32, #tpu.memory_space<vmem_shared>>
      %dma_wait3A_104 = arith.constant 0 : i32
      %dma_wait3A_105 = tpu.memref_slice %arg9[%add3A_6, %dma_wait3A_104] : memref<10112x128xf32, #tpu.memory_space<vmem_shared>> -> memref<128x128xf32, #tpu.memory_space<vmem_shared>>
      %dma_wait3A_106 = arith.constant 0 : i32
      %dma_wait3A_107 = arith.constant 0 : i32
      %dma_wait3A_108 = tpu.memref_slice %arg8[%run_scoped3A, %dma_wait3A_106, %dma_wait3A_107] : memref<2x128x128xf32, #tpu.memory_space<vmem>> -> memref<1x128x128xf32, #tpu.memory_space<vmem>>
      %dma_wait3A_109 = tpu.memref_squeeze %dma_wait3A_108 : memref<1x128x128xf32, #tpu.memory_space<vmem>> -> memref<128x128xf32, #tpu.memory_space<vmem>>
      tpu.wait_dma2 semaphore(%run_scoped3A_86 : memref<!tpu.dma_semaphore, #tpu.memory_space<semaphore_mem>>) src(%dma_wait3A_109 : memref<128x128xf32, #tpu.memory_space<vmem>>) dst(%dma_wait3A_105 : memref<128x128xf32, #tpu.memory_space<vmem_shared>>)
      tpu.yield
    }) : () -> ()
    %mul3A_7 = arith.constant 632 : i32
    %mul3A_8 = arith.muli %arg1, %mul3A_7 : i32
    %add3A_9 = arith.constant 128 : i32
    %add3A_10 = arith.addi %mul3A_8, %add3A_9 : i32
    %run_scoped3A_11 = arith.constant 0 : i32
    "tpu.region"() ({
      %run_scoped3A_86 = tpu.sem_alloc : memref<!tpu.dma_semaphore, #tpu.memory_space<semaphore_mem>>
      %dma_start3A_87 = arith.constant 0 : i32
      %dma_start3A_88 = arith.constant 0 : i32
      %dma_start3A_89 = tpu.memref_slice %arg8[%run_scoped3A_11, %dma_start3A_87, %dma_start3A_88] : memref<2x128x128xf32, #tpu.memory_space<vmem>> -> memref<1x128x128xf32, #tpu.memory_space<vmem>>
      %dma_start3A_90 = tpu.memref_squeeze %dma_start3A_89 : memref<1x128x128xf32, #tpu.memory_space<vmem>> -> memref<128x128xf32, #tpu.memory_space<vmem>>
      %dma_start3A_91 = arith.constant 0 : i32
      %dma_start3A_92 = tpu.memref_slice %arg9[%add3A_10, %dma_start3A_91] : memref<10112x128xf32, #tpu.memory_space<vmem_shared>> -> memref<128x128xf32, #tpu.memory_space<vmem_shared>>
      %dma_start3A_93 = arith.constant 0 : i32
      %dma_start3A_94 = tpu.memref_slice %arg9[%add3A_10, %dma_start3A_93] : memref<10112x128xf32, #tpu.memory_space<vmem_shared>> -> memref<128x128xf32, #tpu.memory_space<vmem_shared>>
      %dma_start3A_95 = arith.constant 0 : i32
      %dma_start3A_96 = arith.constant 0 : i32
      %dma_start3A_97 = tpu.memref_slice %arg8[%run_scoped3A_11, %dma_start3A_95, %dma_start3A_96] : memref<2x128x128xf32, #tpu.memory_space<vmem>> -> memref<1x128x128xf32, #tpu.memory_space<vmem>>
      %dma_start3A_98 = tpu.memref_squeeze %dma_start3A_97 : memref<1x128x128xf32, #tpu.memory_space<vmem>> -> memref<128x128xf32, #tpu.memory_space<vmem>>
      tpu.enqueue_dma source(%dma_start3A_98 : memref<128x128xf32, #tpu.memory_space<vmem>>) target(%dma_start3A_94 : memref<128x128xf32, #tpu.memory_space<vmem_shared>>) target_semaphore(%run_scoped3A_86 : memref<!tpu.dma_semaphore, #tpu.memory_space<semaphore_mem>>)
      %dma_wait3A = arith.constant 0 : i32
      %dma_wait3A_99 = arith.constant 0 : i32
      %dma_wait3A_100 = tpu.memref_slice %arg8[%run_scoped3A_11, %dma_wait3A, %dma_wait3A_99] : memref<2x128x128xf32, #tpu.memory_space<vmem>> -> memref<1x128x128xf32, #tpu.memory_space<vmem>>
      %dma_wait3A_101 = tpu.memref_squeeze %dma_wait3A_100 : memref<1x128x128xf32, #tpu.memory_space<vmem>> -> memref<128x128xf32, #tpu.memory_space<vmem>>
      %dma_wait3A_102 = arith.constant 0 : i32
      %dma_wait3A_103 = tpu.memref_slice %arg9[%add3A_10, %dma_wait3A_102] : memref<10112x128xf32, #tpu.memory_space<vmem_shared>> -> memref<128x128xf32, #tpu.memory_space<vmem_shared>>
      %dma_wait3A_104 = arith.constant 0 : i32
      %dma_wait3A_105 = tpu.memref_slice %arg9[%add3A_10, %dma_wait3A_104] : memref<10112x128xf32, #tpu.memory_space<vmem_shared>> -> memref<128x128xf32, #tpu.memory_space<vmem_shared>>
      %dma_wait3A_106 = arith.constant 0 : i32
      %dma_wait3A_107 = arith.constant 0 : i32
      %dma_wait3A_108 = tpu.memref_slice %arg8[%run_scoped3A_11, %dma_wait3A_106, %dma_wait3A_107] : memref<2x128x128xf32, #tpu.memory_space<vmem>> -> memref<1x128x128xf32, #tpu.memory_space<vmem>>
      %dma_wait3A_109 = tpu.memref_squeeze %dma_wait3A_108 : memref<1x128x128xf32, #tpu.memory_space<vmem>> -> memref<128x128xf32, #tpu.memory_space<vmem>>
      tpu.wait_dma2 semaphore(%run_scoped3A_86 : memref<!tpu.dma_semaphore, #tpu.memory_space<semaphore_mem>>) src(%dma_wait3A_109 : memref<128x128xf32, #tpu.memory_space<vmem>>) dst(%dma_wait3A_105 : memref<128x128xf32, #tpu.memory_space<vmem_shared>>)
      tpu.yield
    }) : () -> ()
    %mul3A_12 = arith.constant 632 : i32
    %mul3A_13 = arith.muli %arg1, %mul3A_12 : i32
    %add3A_14 = arith.constant 256 : i32
    %add3A_15 = arith.addi %mul3A_13, %add3A_14 : i32
    %run_scoped3A_16 = arith.constant 0 : i32
    "tpu.region"() ({
      %run_scoped3A_86 = tpu.sem_alloc : memref<!tpu.dma_semaphore, #tpu.memory_space<semaphore_mem>>
      %dma_start3A_87 = arith.constant 0 : i32
      %dma_start3A_88 = arith.constant 0 : i32
      %dma_start3A_89 = tpu.memref_slice %arg8[%run_scoped3A_16, %dma_start3A_87, %dma_start3A_88] : memref<2x128x128xf32, #tpu.memory_space<vmem>> -> memref<1x128x128xf32, #tpu.memory_space<vmem>>
      %dma_start3A_90 = tpu.memref_squeeze %dma_start3A_89 : memref<1x128x128xf32, #tpu.memory_space<vmem>> -> memref<128x128xf32, #tpu.memory_space<vmem>>
      %dma_start3A_91 = arith.constant 0 : i32
      %dma_start3A_92 = tpu.memref_slice %arg9[%add3A_15, %dma_start3A_91] : memref<10112x128xf32, #tpu.memory_space<vmem_shared>> -> memref<128x128xf32, #tpu.memory_space<vmem_shared>>
      %dma_start3A_93 = arith.constant 0 : i32
      %dma_start3A_94 = tpu.memref_slice %arg9[%add3A_15, %dma_start3A_93] : memref<10112x128xf32, #tpu.memory_space<vmem_shared>> -> memref<128x128xf32, #tpu.memory_space<vmem_shared>>
      %dma_start3A_95 = arith.constant 0 : i32
      %dma_start3A_96 = arith.constant 0 : i32
      %dma_start3A_97 = tpu.memref_slice %arg8[%run_scoped3A_16, %dma_start3A_95, %dma_start3A_96] : memref<2x128x128xf32, #tpu.memory_space<vmem>> -> memref<1x128x128xf32, #tpu.memory_space<vmem>>
      %dma_start3A_98 = tpu.memref_squeeze %dma_start3A_97 : memref<1x128x128xf32, #tpu.memory_space<vmem>> -> memref<128x128xf32, #tpu.memory_space<vmem>>
      tpu.enqueue_dma source(%dma_start3A_98 : memref<128x128xf32, #tpu.memory_space<vmem>>) target(%dma_start3A_94 : memref<128x128xf32, #tpu.memory_space<vmem_shared>>) target_semaphore(%run_scoped3A_86 : memref<!tpu.dma_semaphore, #tpu.memory_space<semaphore_mem>>)
      %dma_wait3A = arith.constant 0 : i32
      %dma_wait3A_99 = arith.constant 0 : i32
      %dma_wait3A_100 = tpu.memref_slice %arg8[%run_scoped3A_16, %dma_wait3A, %dma_wait3A_99] : memref<2x128x128xf32, #tpu.memory_space<vmem>> -> memref<1x128x128xf32, #tpu.memory_space<vmem>>
      %dma_wait3A_101 = tpu.memref_squeeze %dma_wait3A_100 : memref<1x128x128xf32, #tpu.memory_space<vmem>> -> memref<128x128xf32, #tpu.memory_space<vmem>>
      %dma_wait3A_102 = arith.constant 0 : i32
      %dma_wait3A_103 = tpu.memref_slice %arg9[%add3A_15, %dma_wait3A_102] : memref<10112x128xf32, #tpu.memory_space<vmem_shared>> -> memref<128x128xf32, #tpu.memory_space<vmem_shared>>
      %dma_wait3A_104 = arith.constant 0 : i32
      %dma_wait3A_105 = tpu.memref_slice %arg9[%add3A_15, %dma_wait3A_104] : memref<10112x128xf32, #tpu.memory_space<vmem_shared>> -> memref<128x128xf32, #tpu.memory_space<vmem_shared>>
      %dma_wait3A_106 = arith.constant 0 : i32
      %dma_wait3A_107 = arith.constant 0 : i32
      %dma_wait3A_108 = tpu.memref_slice %arg8[%run_scoped3A_16, %dma_wait3A_106, %dma_wait3A_107] : memref<2x128x128xf32, #tpu.memory_space<vmem>> -> memref<1x128x128xf32, #tpu.memory_space<vmem>>
      %dma_wait3A_109 = tpu.memref_squeeze %dma_wait3A_108 : memref<1x128x128xf32, #tpu.memory_space<vmem>> -> memref<128x128xf32, #tpu.memory_space<vmem>>
      tpu.wait_dma2 semaphore(%run_scoped3A_86 : memref<!tpu.dma_semaphore, #tpu.memory_space<semaphore_mem>>) src(%dma_wait3A_109 : memref<128x128xf32, #tpu.memory_space<vmem>>) dst(%dma_wait3A_105 : memref<128x128xf32, #tpu.memory_space<vmem_shared>>)
      tpu.yield
    }) : () -> ()
    %mul3A_17 = arith.constant 632 : i32
    %mul3A_18 = arith.muli %arg1, %mul3A_17 : i32
    %add3A_19 = arith.constant 384 : i32
    %add3A_20 = arith.addi %mul3A_18, %add3A_19 : i32
    %run_scoped3A_21 = arith.constant 0 : i32
    "tpu.region"() ({
      %run_scoped3A_86 = tpu.sem_alloc : memref<!tpu.dma_semaphore, #tpu.memory_space<semaphore_mem>>
      %dma_start3A_87 = arith.constant 0 : i32
      %dma_start3A_88 = arith.constant 0 : i32
      %dma_start3A_89 = tpu.memref_slice %arg8[%run_scoped3A_21, %dma_start3A_87, %dma_start3A_88] : memref<2x128x128xf32, #tpu.memory_space<vmem>> -> memref<1x128x128xf32, #tpu.memory_space<vmem>>
      %dma_start3A_90 = tpu.memref_squeeze %dma_start3A_89 : memref<1x128x128xf32, #tpu.memory_space<vmem>> -> memref<128x128xf32, #tpu.memory_space<vmem>>
      %dma_start3A_91 = arith.constant 0 : i32
      %dma_start3A_92 = tpu.memref_slice %arg9[%add3A_20, %dma_start3A_91] : memref<10112x128xf32, #tpu.memory_space<vmem_shared>> -> memref<128x128xf32, #tpu.memory_space<vmem_shared>>
      %dma_start3A_93 = arith.constant 0 : i32
      %dma_start3A_94 = tpu.memref_slice %arg9[%add3A_20, %dma_start3A_93] : memref<10112x128xf32, #tpu.memory_space<vmem_shared>> -> memref<128x128xf32, #tpu.memory_space<vmem_shared>>
      %dma_start3A_95 = arith.constant 0 : i32
      %dma_start3A_96 = arith.constant 0 : i32
      %dma_start3A_97 = tpu.memref_slice %arg8[%run_scoped3A_21, %dma_start3A_95, %dma_start3A_96] : memref<2x128x128xf32, #tpu.memory_space<vmem>> -> memref<1x128x128xf32, #tpu.memory_space<vmem>>
      %dma_start3A_98 = tpu.memref_squeeze %dma_start3A_97 : memref<1x128x128xf32, #tpu.memory_space<vmem>> -> memref<128x128xf32, #tpu.memory_space<vmem>>
      tpu.enqueue_dma source(%dma_start3A_98 : memref<128x128xf32, #tpu.memory_space<vmem>>) target(%dma_start3A_94 : memref<128x128xf32, #tpu.memory_space<vmem_shared>>) target_semaphore(%run_scoped3A_86 : memref<!tpu.dma_semaphore, #tpu.memory_space<semaphore_mem>>)
      %dma_wait3A = arith.constant 0 : i32
      %dma_wait3A_99 = arith.constant 0 : i32
      %dma_wait3A_100 = tpu.memref_slice %arg8[%run_scoped3A_21, %dma_wait3A, %dma_wait3A_99] : memref<2x128x128xf32, #tpu.memory_space<vmem>> -> memref<1x128x128xf32, #tpu.memory_space<vmem>>
      %dma_wait3A_101 = tpu.memref_squeeze %dma_wait3A_100 : memref<1x128x128xf32, #tpu.memory_space<vmem>> -> memref<128x128xf32, #tpu.memory_space<vmem>>
      %dma_wait3A_102 = arith.constant 0 : i32
      %dma_wait3A_103 = tpu.memref_slice %arg9[%add3A_20, %dma_wait3A_102] : memref<10112x128xf32, #tpu.memory_space<vmem_shared>> -> memref<128x128xf32, #tpu.memory_space<vmem_shared>>
      %dma_wait3A_104 = arith.constant 0 : i32
      %dma_wait3A_105 = tpu.memref_slice %arg9[%add3A_20, %dma_wait3A_104] : memref<10112x128xf32, #tpu.memory_space<vmem_shared>> -> memref<128x128xf32, #tpu.memory_space<vmem_shared>>
      %dma_wait3A_106 = arith.constant 0 : i32
      %dma_wait3A_107 = arith.constant 0 : i32
      %dma_wait3A_108 = tpu.memref_slice %arg8[%run_scoped3A_21, %dma_wait3A_106, %dma_wait3A_107] : memref<2x128x128xf32, #tpu.memory_space<vmem>> -> memref<1x128x128xf32, #tpu.memory_space<vmem>>
      %dma_wait3A_109 = tpu.memref_squeeze %dma_wait3A_108 : memref<1x128x128xf32, #tpu.memory_space<vmem>> -> memref<128x128xf32, #tpu.memory_space<vmem>>
      tpu.wait_dma2 semaphore(%run_scoped3A_86 : memref<!tpu.dma_semaphore, #tpu.memory_space<semaphore_mem>>) src(%dma_wait3A_109 : memref<128x128xf32, #tpu.memory_space<vmem>>) dst(%dma_wait3A_105 : memref<128x128xf32, #tpu.memory_space<vmem_shared>>)
      tpu.yield
    }) : () -> ()
    %mul3A_22 = arith.constant 632 : i32
    %mul3A_23 = arith.muli %arg1, %mul3A_22 : i32
    %add3A_24 = arith.constant 632 : i32
    %add3A_25 = arith.addi %mul3A_23, %add3A_24 : i32
    %sub3A = arith.constant 120 : i32
    %sub3A_26 = arith.subi %add3A_25, %sub3A : i32
    %run_scoped3A_27 = arith.constant 0 : i32
    "tpu.region"() ({
      %run_scoped3A_86 = tpu.sem_alloc : memref<!tpu.dma_semaphore, #tpu.memory_space<semaphore_mem>>
      %dma_start3A_87 = arith.constant 0 : i32
      %dma_start3A_88 = arith.constant 0 : i32
      %dma_start3A_89 = tpu.memref_slice %arg8[%run_scoped3A_27, %dma_start3A_87, %dma_start3A_88] : memref<2x128x128xf32, #tpu.memory_space<vmem>> -> memref<1x120x128xf32, #tpu.memory_space<vmem>>
      %dma_start3A_90 = tpu.memref_squeeze %dma_start3A_89 : memref<1x120x128xf32, #tpu.memory_space<vmem>> -> memref<120x128xf32, #tpu.memory_space<vmem>>
      %dma_start3A_91 = arith.constant 0 : i32
      %dma_start3A_92 = tpu.memref_slice %arg9[%sub3A_26, %dma_start3A_91] : memref<10112x128xf32, #tpu.memory_space<vmem_shared>> -> memref<120x128xf32, #tpu.memory_space<vmem_shared>>
      %dma_start3A_93 = arith.constant 0 : i32
      %dma_start3A_94 = tpu.memref_slice %arg9[%sub3A_26, %dma_start3A_93] : memref<10112x128xf32, #tpu.memory_space<vmem_shared>> -> memref<120x128xf32, #tpu.memory_space<vmem_shared>>
      %dma_start3A_95 = arith.constant 0 : i32
      %dma_start3A_96 = arith.constant 0 : i32
      %dma_start3A_97 = tpu.memref_slice %arg8[%run_scoped3A_27, %dma_start3A_95, %dma_start3A_96] : memref<2x128x128xf32, #tpu.memory_space<vmem>> -> memref<1x120x128xf32, #tpu.memory_space<vmem>>
      %dma_start3A_98 = tpu.memref_squeeze %dma_start3A_97 : memref<1x120x128xf32, #tpu.memory_space<vmem>> -> memref<120x128xf32, #tpu.memory_space<vmem>>
      tpu.enqueue_dma source(%dma_start3A_98 : memref<120x128xf32, #tpu.memory_space<vmem>>) target(%dma_start3A_94 : memref<120x128xf32, #tpu.memory_space<vmem_shared>>) target_semaphore(%run_scoped3A_86 : memref<!tpu.dma_semaphore, #tpu.memory_space<semaphore_mem>>)
      %dma_wait3A = arith.constant 0 : i32
      %dma_wait3A_99 = arith.constant 0 : i32
      %dma_wait3A_100 = tpu.memref_slice %arg8[%run_scoped3A_27, %dma_wait3A, %dma_wait3A_99] : memref<2x128x128xf32, #tpu.memory_space<vmem>> -> memref<1x120x128xf32, #tpu.memory_space<vmem>>
      %dma_wait3A_101 = tpu.memref_squeeze %dma_wait3A_100 : memref<1x120x128xf32, #tpu.memory_space<vmem>> -> memref<120x128xf32, #tpu.memory_space<vmem>>
      %dma_wait3A_102 = arith.constant 0 : i32
      %dma_wait3A_103 = tpu.memref_slice %arg9[%sub3A_26, %dma_wait3A_102] : memref<10112x128xf32, #tpu.memory_space<vmem_shared>> -> memref<120x128xf32, #tpu.memory_space<vmem_shared>>
      %dma_wait3A_104 = arith.constant 0 : i32
      %dma_wait3A_105 = tpu.memref_slice %arg9[%sub3A_26, %dma_wait3A_104] : memref<10112x128xf32, #tpu.memory_space<vmem_shared>> -> memref<120x128xf32, #tpu.memory_space<vmem_shared>>
      %dma_wait3A_106 = arith.constant 0 : i32
      %dma_wait3A_107 = arith.constant 0 : i32
      %dma_wait3A_108 = tpu.memref_slice %arg8[%run_scoped3A_27, %dma_wait3A_106, %dma_wait3A_107] : memref<2x128x128xf32, #tpu.memory_space<vmem>> -> memref<1x120x128xf32, #tpu.memory_space<vmem>>
      %dma_wait3A_109 = tpu.memref_squeeze %dma_wait3A_108 : memref<1x120x128xf32, #tpu.memory_space<vmem>> -> memref<120x128xf32, #tpu.memory_space<vmem>>
      tpu.wait_dma2 semaphore(%run_scoped3A_86 : memref<!tpu.dma_semaphore, #tpu.memory_space<semaphore_mem>>) src(%dma_wait3A_109 : memref<120x128xf32, #tpu.memory_space<vmem>>) dst(%dma_wait3A_105 : memref<120x128xf32, #tpu.memory_space<vmem_shared>>)
      tpu.yield
    }) : () -> ()
    %barrier3A = arith.constant 0 : index
    tpu.barrier barrier_id(%barrier3A)
    %mul3A_28 = arith.constant 80 : i32
    %mul3A_29 = arith.muli %arg0, %mul3A_28 : i32
    %add3A_30 = arith.constant 0 : i32
    %add3A_31 = arith.addi %mul3A_29, %add3A_30 : i32
    "tpu.region"() ({
      %run_scoped3A_86 = tpu.sem_alloc : memref<!tpu.dma_semaphore, #tpu.memory_space<semaphore_mem>>
      %dma_start3A_87 = arith.constant 0 : i32
      %dma_start3A_88 = arith.constant 0 : i32
      %dma_start3A_89 = tpu.memref_slice %arg6[%dma_start3A_87, %dma_start3A_88] : memref<64x128xi32, #tpu.memory_space<vmem>> -> memref<64x128xi32, #tpu.memory_space<vmem>>
      %dma_start3A_90 = arith.constant 0 : i32
      %dma_start3A_91 = tpu.memref_slice %arg3[%arg1, %add3A_31, %dma_start3A_90] : memref<16x160x128xi32, #tpu.memory_space<hbm>> -> memref<1x64x128xi32, #tpu.memory_space<hbm>>
      %dma_start3A_92 = tpu.memref_squeeze %dma_start3A_91 : memref<1x64x128xi32, #tpu.memory_space<hbm>> -> memref<64x128xi32, #tpu.memory_space<hbm>>
      %dma_start3A_93 = arith.constant 0 : i32
      %dma_start3A_94 = arith.constant 0 : i32
      %dma_start3A_95 = tpu.memref_slice %arg6[%dma_start3A_93, %dma_start3A_94] : memref<64x128xi32, #tpu.memory_space<vmem>> -> memref<64x128xi32, #tpu.memory_space<vmem>>
      %dma_start3A_96 = arith.constant 0 : i32
      %dma_start3A_97 = tpu.memref_slice %arg3[%arg1, %add3A_31, %dma_start3A_96] : memref<16x160x128xi32, #tpu.memory_space<hbm>> -> memref<1x64x128xi32, #tpu.memory_space<hbm>>
      %dma_start3A_98 = tpu.memref_squeeze %dma_start3A_97 : memref<1x64x128xi32, #tpu.memory_space<hbm>> -> memref<64x128xi32, #tpu.memory_space<hbm>>
      tpu.enqueue_dma source(%dma_start3A_98 : memref<64x128xi32, #tpu.memory_space<hbm>>) target(%dma_start3A_95 : memref<64x128xi32, #tpu.memory_space<vmem>>) target_semaphore(%run_scoped3A_86 : memref<!tpu.dma_semaphore, #tpu.memory_space<semaphore_mem>>)
      %dma_wait3A = arith.constant 0 : i32
      %dma_wait3A_99 = arith.constant 0 : i32
      %dma_wait3A_100 = tpu.memref_slice %arg6[%dma_wait3A, %dma_wait3A_99] : memref<64x128xi32, #tpu.memory_space<vmem>> -> memref<64x128xi32, #tpu.memory_space<vmem>>
      %dma_wait3A_101 = arith.constant 0 : i32
      %dma_wait3A_102 = tpu.memref_slice %arg3[%arg1, %add3A_31, %dma_wait3A_101] : memref<16x160x128xi32, #tpu.memory_space<hbm>> -> memref<1x64x128xi32, #tpu.memory_space<hbm>>
      %dma_wait3A_103 = tpu.memref_squeeze %dma_wait3A_102 : memref<1x64x128xi32, #tpu.memory_space<hbm>> -> memref<64x128xi32, #tpu.memory_space<hbm>>
      %dma_wait3A_104 = arith.constant 0 : i32
      %dma_wait3A_105 = arith.constant 0 : i32
      %dma_wait3A_106 = tpu.memref_slice %arg6[%dma_wait3A_104, %dma_wait3A_105] : memref<64x128xi32, #tpu.memory_space<vmem>> -> memref<64x128xi32, #tpu.memory_space<vmem>>
      %dma_wait3A_107 = arith.constant 0 : i32
      %dma_wait3A_108 = tpu.memref_slice %arg3[%arg1, %add3A_31, %dma_wait3A_107] : memref<16x160x128xi32, #tpu.memory_space<hbm>> -> memref<1x64x128xi32, #tpu.memory_space<hbm>>
      %dma_wait3A_109 = tpu.memref_squeeze %dma_wait3A_108 : memref<1x64x128xi32, #tpu.memory_space<hbm>> -> memref<64x128xi32, #tpu.memory_space<hbm>>
      tpu.wait_dma2 semaphore(%run_scoped3A_86 : memref<!tpu.dma_semaphore, #tpu.memory_space<semaphore_mem>>) src(%dma_wait3A_109 : memref<64x128xi32, #tpu.memory_space<hbm>>) dst(%dma_wait3A_106 : memref<64x128xi32, #tpu.memory_space<vmem>>)
      tpu.yield
    }) : () -> ()
    "tpu.region"() ({
      %run_scoped3A_86 = tpu.sem_alloc : memref<!tpu.dma_semaphore, #tpu.memory_space<semaphore_mem>>
      %dma_start3A_87 = arith.constant 0 : i32
      %dma_start3A_88 = arith.constant 0 : i32
      %dma_start3A_89 = tpu.memref_slice %arg7[%dma_start3A_87, %dma_start3A_88] : memref<64x128xi32, #tpu.memory_space<vmem>> -> memref<64x128xi32, #tpu.memory_space<vmem>>
      %dma_start3A_90 = arith.constant 0 : i32
      %dma_start3A_91 = tpu.memref_slice %arg4[%arg1, %add3A_31, %dma_start3A_90] : memref<16x160x128xi32, #tpu.memory_space<hbm>> -> memref<1x64x128xi32, #tpu.memory_space<hbm>>
      %dma_start3A_92 = tpu.memref_squeeze %dma_start3A_91 : memref<1x64x128xi32, #tpu.memory_space<hbm>> -> memref<64x128xi32, #tpu.memory_space<hbm>>
      %dma_start3A_93 = arith.constant 0 : i32
      %dma_start3A_94 = arith.constant 0 : i32
      %dma_start3A_95 = tpu.memref_slice %arg7[%dma_start3A_93, %dma_start3A_94] : memref<64x128xi32, #tpu.memory_space<vmem>> -> memref<64x128xi32, #tpu.memory_space<vmem>>
      %dma_start3A_96 = arith.constant 0 : i32
      %dma_start3A_97 = tpu.memref_slice %arg4[%arg1, %add3A_31, %dma_start3A_96] : memref<16x160x128xi32, #tpu.memory_space<hbm>> -> memref<1x64x128xi32, #tpu.memory_space<hbm>>
      %dma_start3A_98 = tpu.memref_squeeze %dma_start3A_97 : memref<1x64x128xi32, #tpu.memory_space<hbm>> -> memref<64x128xi32, #tpu.memory_space<hbm>>
      tpu.enqueue_dma source(%dma_start3A_98 : memref<64x128xi32, #tpu.memory_space<hbm>>) target(%dma_start3A_95 : memref<64x128xi32, #tpu.memory_space<vmem>>) target_semaphore(%run_scoped3A_86 : memref<!tpu.dma_semaphore, #tpu.memory_space<semaphore_mem>>)
      %dma_wait3A = arith.constant 0 : i32
      %dma_wait3A_99 = arith.constant 0 : i32
      %dma_wait3A_100 = tpu.memref_slice %arg7[%dma_wait3A, %dma_wait3A_99] : memref<64x128xi32, #tpu.memory_space<vmem>> -> memref<64x128xi32, #tpu.memory_space<vmem>>
      %dma_wait3A_101 = arith.constant 0 : i32
      %dma_wait3A_102 = tpu.memref_slice %arg4[%arg1, %add3A_31, %dma_wait3A_101] : memref<16x160x128xi32, #tpu.memory_space<hbm>> -> memref<1x64x128xi32, #tpu.memory_space<hbm>>
      %dma_wait3A_103 = tpu.memref_squeeze %dma_wait3A_102 : memref<1x64x128xi32, #tpu.memory_space<hbm>> -> memref<64x128xi32, #tpu.memory_space<hbm>>
      %dma_wait3A_104 = arith.constant 0 : i32
      %dma_wait3A_105 = arith.constant 0 : i32
      %dma_wait3A_106 = tpu.memref_slice %arg7[%dma_wait3A_104, %dma_wait3A_105] : memref<64x128xi32, #tpu.memory_space<vmem>> -> memref<64x128xi32, #tpu.memory_space<vmem>>
      %dma_wait3A_107 = arith.constant 0 : i32
      %dma_wait3A_108 = tpu.memref_slice %arg4[%arg1, %add3A_31, %dma_wait3A_107] : memref<16x160x128xi32, #tpu.memory_space<hbm>> -> memref<1x64x128xi32, #tpu.memory_space<hbm>>
      %dma_wait3A_109 = tpu.memref_squeeze %dma_wait3A_108 : memref<1x64x128xi32, #tpu.memory_space<hbm>> -> memref<64x128xi32, #tpu.memory_space<hbm>>
      tpu.wait_dma2 semaphore(%run_scoped3A_86 : memref<!tpu.dma_semaphore, #tpu.memory_space<semaphore_mem>>) src(%dma_wait3A_109 : memref<64x128xi32, #tpu.memory_space<hbm>>) dst(%dma_wait3A_106 : memref<64x128xi32, #tpu.memory_space<vmem>>)
      tpu.yield
    }) : () -> ()
    %dma_start3A = arith.constant 0 : i32
    %dma_start3A_32 = arith.constant 0 : i32
    %dma_start3A_33 = arith.constant 0 : i32
    %dma_start3A_34 = arith.constant 0 : i32
    %dma_start3A_35 = arith.constant 0 : i32
    %dma_start3A_36 = arith.constant 0 : i32
    %dma_start3A_37 = tpu.memref_slice %arg8[%dma_start3A_32, %dma_start3A_35, %dma_start3A_36] : memref<2x128x128xf32, #tpu.memory_space<vmem>> -> memref<1x128x128xf32, #tpu.memory_space<vmem>>
    %dma_start3A_38 = tpu.memref_squeeze %dma_start3A_37 : memref<1x128x128xf32, #tpu.memory_space<vmem>> -> memref<128x128xf32, #tpu.memory_space<vmem>>
    %dma_start3A_39 = arith.constant 0 : i32
    %dma_start3A_40 = tpu.memref_slice %arg6[%dma_start3A, %dma_start3A_39] : memref<64x128xi32, #tpu.memory_space<vmem>> -> memref<1x128xi32, #tpu.memory_space<vmem>>
    %dma_start3A_41 = tpu.memref_squeeze %dma_start3A_40 : memref<1x128xi32, #tpu.memory_space<vmem>> -> memref<128xi32, #tpu.memory_space<vmem>>
    %dma_start3A_42 = arith.constant 0 : i32
    %dma_start3A_43 = arith.constant 0 : i32
    %dma_start3A_44 = tpu.memref_slice %arg2[%dma_start3A_42, %dma_start3A_43] : memref<10000x128xf32, #tpu.memory_space<hbm>> -> memref<10000x128xf32, #tpu.memory_space<hbm>>
    %dma_start3A_45 = tpu.memref_slice %arg10[%dma_start3A_33, %dma_start3A_34] : memref<2x1x!tpu.dma_semaphore, #tpu.memory_space<semaphore_mem>> -> memref<1x1x!tpu.dma_semaphore, #tpu.memory_space<semaphore_mem>>
    %dma_start3A_46 = tpu.memref_squeeze %dma_start3A_45 : memref<1x1x!tpu.dma_semaphore, #tpu.memory_space<semaphore_mem>> -> memref<!tpu.dma_semaphore, #tpu.memory_space<semaphore_mem>>
    tpu.enqueue_indirect_dma source(%dma_start3A_44 : memref<10000x128xf32, #tpu.memory_space<hbm>>) target(%dma_start3A_38 : memref<128x128xf32, #tpu.memory_space<vmem>>) offsets(%dma_start3A_41 : memref<128xi32, #tpu.memory_space<vmem>>) semaphore(%dma_start3A_46 : memref<!tpu.dma_semaphore, #tpu.memory_space<semaphore_mem>>)
    %scan3A_47 = arith.constant 0 : i32
    %scan3A_48 = arith.constant 0 : i32
    %scan3A_49 = arith.constant 64 : i32
    %scan3A_50 = arith.addi %scan3A_48, %scan3A_49 : i32
    %scan3A_51 = arith.constant 1 : i32
    scf.for %scan3A_86 = %scan3A_48 to %scan3A_50 step %scan3A_51  : i32 {
      %rem3A = arith.constant 2 : i32
      %rem3A_87 = arith.remsi %scan3A_86, %rem3A : i32
      %add3A_88 = arith.constant 1 : i32
      %add3A_89 = arith.addi %scan3A_86, %add3A_88 : i32
      %lt3A = arith.constant 64 : i32
      %lt3A_90 = arith.cmpi slt, %add3A_89, %lt3A : i32
      %convert_element_type3A = arith.extui %lt3A_90 : i1 to i32
      %cond3A = arith.constant 0 : i32
      %cond3A_91 = arith.cmpi ne, %convert_element_type3A, %cond3A : i32
      scf.if %cond3A_91 {
        %add3A_104 = arith.constant 1 : i32
        %add3A_105 = arith.addi %scan3A_86, %add3A_104 : i32
        %sub3A_106 = arith.constant 1 : i32
        %sub3A_107 = arith.subi %sub3A_106, %rem3A_87 : i32
        %dma_start3A_108 = arith.constant 0 : i32
        %dma_start3A_109 = arith.constant 0 : i32
        %dma_start3A_110 = arith.constant 0 : i32
        %dma_start3A_111 = tpu.memref_slice %arg8[%sub3A_107, %dma_start3A_109, %dma_start3A_110] : memref<2x128x128xf32, #tpu.memory_space<vmem>> -> memref<1x128x128xf32, #tpu.memory_space<vmem>>
        %dma_start3A_112 = tpu.memref_squeeze %dma_start3A_111 : memref<1x128x128xf32, #tpu.memory_space<vmem>> -> memref<128x128xf32, #tpu.memory_space<vmem>>
        %dma_start3A_113 = arith.constant 0 : i32
        %dma_start3A_114 = tpu.memref_slice %arg6[%add3A_105, %dma_start3A_113] : memref<64x128xi32, #tpu.memory_space<vmem>> -> memref<1x128xi32, #tpu.memory_space<vmem>>
        %dma_start3A_115 = tpu.memref_squeeze %dma_start3A_114 : memref<1x128xi32, #tpu.memory_space<vmem>> -> memref<128xi32, #tpu.memory_space<vmem>>
        %dma_start3A_116 = arith.constant 0 : i32
        %dma_start3A_117 = arith.constant 0 : i32
        %dma_start3A_118 = tpu.memref_slice %arg2[%dma_start3A_116, %dma_start3A_117] : memref<10000x128xf32, #tpu.memory_space<hbm>> -> memref<10000x128xf32, #tpu.memory_space<hbm>>
        %dma_start3A_119 = tpu.memref_slice %arg10[%sub3A_107, %dma_start3A_108] : memref<2x1x!tpu.dma_semaphore, #tpu.memory_space<semaphore_mem>> -> memref<1x1x!tpu.dma_semaphore, #tpu.memory_space<semaphore_mem>>
        %dma_start3A_120 = tpu.memref_squeeze %dma_start3A_119 : memref<1x1x!tpu.dma_semaphore, #tpu.memory_space<semaphore_mem>> -> memref<!tpu.dma_semaphore, #tpu.memory_space<semaphore_mem>>
        tpu.enqueue_indirect_dma source(%dma_start3A_118 : memref<10000x128xf32, #tpu.memory_space<hbm>>) target(%dma_start3A_112 : memref<128x128xf32, #tpu.memory_space<vmem>>) offsets(%dma_start3A_115 : memref<128xi32, #tpu.memory_space<vmem>>) semaphore(%dma_start3A_120 : memref<!tpu.dma_semaphore, #tpu.memory_space<semaphore_mem>>)
      } else {
      }
      %dma_wait3A = arith.constant 0 : i32
      %dma_wait3A_92 = arith.constant 0 : i32
      %dma_wait3A_93 = arith.constant 0 : i32
      %dma_wait3A_94 = tpu.memref_slice %arg8[%rem3A_87, %dma_wait3A_92, %dma_wait3A_93] : memref<2x128x128xf32, #tpu.memory_space<vmem>> -> memref<1x128x128xf32, #tpu.memory_space<vmem>>
      %dma_wait3A_95 = tpu.memref_squeeze %dma_wait3A_94 : memref<1x128x128xf32, #tpu.memory_space<vmem>> -> memref<128x128xf32, #tpu.memory_space<vmem>>
      %dma_wait3A_96 = arith.constant 0 : i32
      %dma_wait3A_97 = tpu.memref_slice %arg6[%scan3A_86, %dma_wait3A_96] : memref<64x128xi32, #tpu.memory_space<vmem>> -> memref<1x128xi32, #tpu.memory_space<vmem>>
      %dma_wait3A_98 = tpu.memref_squeeze %dma_wait3A_97 : memref<1x128xi32, #tpu.memory_space<vmem>> -> memref<128xi32, #tpu.memory_space<vmem>>
      %dma_wait3A_99 = arith.constant 0 : i32
      %dma_wait3A_100 = arith.constant 0 : i32
      %dma_wait3A_101 = tpu.memref_slice %arg2[%dma_wait3A_99, %dma_wait3A_100] : memref<10000x128xf32, #tpu.memory_space<hbm>> -> memref<10000x128xf32, #tpu.memory_space<hbm>>
      %dma_wait3A_102 = tpu.memref_slice %arg10[%rem3A_87, %dma_wait3A] : memref<2x1x!tpu.dma_semaphore, #tpu.memory_space<semaphore_mem>> -> memref<1x1x!tpu.dma_semaphore, #tpu.memory_space<semaphore_mem>>
      %dma_wait3A_103 = tpu.memref_squeeze %dma_wait3A_102 : memref<1x1x!tpu.dma_semaphore, #tpu.memory_space<semaphore_mem>> -> memref<!tpu.dma_semaphore, #tpu.memory_space<semaphore_mem>>
      tpu.wait_indirect_dma semaphore(%dma_wait3A_103 : memref<!tpu.dma_semaphore, #tpu.memory_space<semaphore_mem>>) src(%dma_wait3A_101 : memref<10000x128xf32, #tpu.memory_space<hbm>>) dst(%dma_wait3A_95 : memref<128x128xf32, #tpu.memory_space<vmem>>)
      "tpu.region"() ({
        %run_scoped3A_104 = tpu.sem_alloc : memref<!tpu.dma_semaphore, #tpu.memory_space<semaphore_mem>>
        %dma_start3A_105 = arith.constant 0 : i32
        %dma_start3A_106 = arith.constant 0 : i32
        %dma_start3A_107 = tpu.memref_slice %arg8[%rem3A_87, %dma_start3A_105, %dma_start3A_106] : memref<2x128x128xf32, #tpu.memory_space<vmem>> -> memref<1x128x128xf32, #tpu.memory_space<vmem>>
        %dma_start3A_108 = tpu.memref_squeeze %dma_start3A_107 : memref<1x128x128xf32, #tpu.memory_space<vmem>> -> memref<128x128xf32, #tpu.memory_space<vmem>>
        %dma_start3A_109 = arith.constant 0 : i32
        %dma_start3A_110 = tpu.memref_slice %arg7[%scan3A_86, %dma_start3A_109] : memref<64x128xi32, #tpu.memory_space<vmem>> -> memref<1x128xi32, #tpu.memory_space<vmem>>
        %dma_start3A_111 = tpu.memref_squeeze %dma_start3A_110 : memref<1x128xi32, #tpu.memory_space<vmem>> -> memref<128xi32, #tpu.memory_space<vmem>>
        %dma_start3A_112 = arith.constant 0 : i32
        %dma_start3A_113 = arith.constant 0 : i32
        %dma_start3A_114 = tpu.memref_slice %arg9[%dma_start3A_112, %dma_start3A_113] : memref<10112x128xf32, #tpu.memory_space<vmem_shared>> -> memref<10112x128xf32, #tpu.memory_space<vmem_shared>>
        tpu.enqueue_indirect_dma source(%dma_start3A_108 : memref<128x128xf32, #tpu.memory_space<vmem>>) target(%dma_start3A_114 : memref<10112x128xf32, #tpu.memory_space<vmem_shared>>) offsets(%dma_start3A_111 : memref<128xi32, #tpu.memory_space<vmem>>) semaphore(%run_scoped3A_104 : memref<!tpu.dma_semaphore, #tpu.memory_space<semaphore_mem>>) {add = true}
        %dma_wait3A_115 = arith.constant 0 : i32
        %dma_wait3A_116 = arith.constant 0 : i32
        %dma_wait3A_117 = tpu.memref_slice %arg8[%rem3A_87, %dma_wait3A_115, %dma_wait3A_116] : memref<2x128x128xf32, #tpu.memory_space<vmem>> -> memref<1x128x128xf32, #tpu.memory_space<vmem>>
        %dma_wait3A_118 = tpu.memref_squeeze %dma_wait3A_117 : memref<1x128x128xf32, #tpu.memory_space<vmem>> -> memref<128x128xf32, #tpu.memory_space<vmem>>
        %dma_wait3A_119 = arith.constant 0 : i32
        %dma_wait3A_120 = tpu.memref_slice %arg7[%scan3A_86, %dma_wait3A_119] : memref<64x128xi32, #tpu.memory_space<vmem>> -> memref<1x128xi32, #tpu.memory_space<vmem>>
        %dma_wait3A_121 = tpu.memref_squeeze %dma_wait3A_120 : memref<1x128xi32, #tpu.memory_space<vmem>> -> memref<128xi32, #tpu.memory_space<vmem>>
        %dma_wait3A_122 = arith.constant 0 : i32
        %dma_wait3A_123 = arith.constant 0 : i32
        %dma_wait3A_124 = tpu.memref_slice %arg9[%dma_wait3A_122, %dma_wait3A_123] : memref<10112x128xf32, #tpu.memory_space<vmem_shared>> -> memref<10112x128xf32, #tpu.memory_space<vmem_shared>>
        tpu.wait_indirect_dma semaphore(%run_scoped3A_104 : memref<!tpu.dma_semaphore, #tpu.memory_space<semaphore_mem>>) src(%dma_wait3A_118 : memref<128x128xf32, #tpu.memory_space<vmem>>) dst(%dma_wait3A_124 : memref<10112x128xf32, #tpu.memory_space<vmem_shared>>)
        tpu.yield
      }) : () -> ()
    }
    %scan3A_52 = arith.constant 64 : i32
    %mul3A_53 = arith.constant 80 : i32
    %mul3A_54 = arith.muli %arg0, %mul3A_53 : i32
    %add3A_55 = arith.constant 80 : i32
    %add3A_56 = arith.addi %mul3A_54, %add3A_55 : i32
    %sub3A_57 = arith.constant 16 : i32
    %sub3A_58 = arith.subi %add3A_56, %sub3A_57 : i32
    "tpu.region"() ({
      %run_scoped3A_86 = tpu.sem_alloc : memref<!tpu.dma_semaphore, #tpu.memory_space<semaphore_mem>>
      %dma_start3A_87 = arith.constant 0 : i32
      %dma_start3A_88 = arith.constant 0 : i32
      %dma_start3A_89 = tpu.memref_slice %arg6[%dma_start3A_87, %dma_start3A_88] : memref<64x128xi32, #tpu.memory_space<vmem>> -> memref<16x128xi32, #tpu.memory_space<vmem>>
      %dma_start3A_90 = arith.constant 0 : i32
      %dma_start3A_91 = tpu.memref_slice %arg3[%arg1, %sub3A_58, %dma_start3A_90] : memref<16x160x128xi32, #tpu.memory_space<hbm>> -> memref<1x16x128xi32, #tpu.memory_space<hbm>>
      %dma_start3A_92 = tpu.memref_squeeze %dma_start3A_91 : memref<1x16x128xi32, #tpu.memory_space<hbm>> -> memref<16x128xi32, #tpu.memory_space<hbm>>
      %dma_start3A_93 = arith.constant 0 : i32
      %dma_start3A_94 = arith.constant 0 : i32
      %dma_start3A_95 = tpu.memref_slice %arg6[%dma_start3A_93, %dma_start3A_94] : memref<64x128xi32, #tpu.memory_space<vmem>> -> memref<16x128xi32, #tpu.memory_space<vmem>>
      %dma_start3A_96 = arith.constant 0 : i32
      %dma_start3A_97 = tpu.memref_slice %arg3[%arg1, %sub3A_58, %dma_start3A_96] : memref<16x160x128xi32, #tpu.memory_space<hbm>> -> memref<1x16x128xi32, #tpu.memory_space<hbm>>
      %dma_start3A_98 = tpu.memref_squeeze %dma_start3A_97 : memref<1x16x128xi32, #tpu.memory_space<hbm>> -> memref<16x128xi32, #tpu.memory_space<hbm>>
      tpu.enqueue_dma source(%dma_start3A_98 : memref<16x128xi32, #tpu.memory_space<hbm>>) target(%dma_start3A_95 : memref<16x128xi32, #tpu.memory_space<vmem>>) target_semaphore(%run_scoped3A_86 : memref<!tpu.dma_semaphore, #tpu.memory_space<semaphore_mem>>)
      %dma_wait3A = arith.constant 0 : i32
      %dma_wait3A_99 = arith.constant 0 : i32
      %dma_wait3A_100 = tpu.memref_slice %arg6[%dma_wait3A, %dma_wait3A_99] : memref<64x128xi32, #tpu.memory_space<vmem>> -> memref<16x128xi32, #tpu.memory_space<vmem>>
      %dma_wait3A_101 = arith.constant 0 : i32
      %dma_wait3A_102 = tpu.memref_slice %arg3[%arg1, %sub3A_58, %dma_wait3A_101] : memref<16x160x128xi32, #tpu.memory_space<hbm>> -> memref<1x16x128xi32, #tpu.memory_space<hbm>>
      %dma_wait3A_103 = tpu.memref_squeeze %dma_wait3A_102 : memref<1x16x128xi32, #tpu.memory_space<hbm>> -> memref<16x128xi32, #tpu.memory_space<hbm>>
      %dma_wait3A_104 = arith.constant 0 : i32
      %dma_wait3A_105 = arith.constant 0 : i32
      %dma_wait3A_106 = tpu.memref_slice %arg6[%dma_wait3A_104, %dma_wait3A_105] : memref<64x128xi32, #tpu.memory_space<vmem>> -> memref<16x128xi32, #tpu.memory_space<vmem>>
      %dma_wait3A_107 = arith.constant 0 : i32
      %dma_wait3A_108 = tpu.memref_slice %arg3[%arg1, %sub3A_58, %dma_wait3A_107] : memref<16x160x128xi32, #tpu.memory_space<hbm>> -> memref<1x16x128xi32, #tpu.memory_space<hbm>>
      %dma_wait3A_109 = tpu.memref_squeeze %dma_wait3A_108 : memref<1x16x128xi32, #tpu.memory_space<hbm>> -> memref<16x128xi32, #tpu.memory_space<hbm>>
      tpu.wait_dma2 semaphore(%run_scoped3A_86 : memref<!tpu.dma_semaphore, #tpu.memory_space<semaphore_mem>>) src(%dma_wait3A_109 : memref<16x128xi32, #tpu.memory_space<hbm>>) dst(%dma_wait3A_106 : memref<16x128xi32, #tpu.memory_space<vmem>>)
      tpu.yield
    }) : () -> ()
    "tpu.region"() ({
      %run_scoped3A_86 = tpu.sem_alloc : memref<!tpu.dma_semaphore, #tpu.memory_space<semaphore_mem>>
      %dma_start3A_87 = arith.constant 0 : i32
      %dma_start3A_88 = arith.constant 0 : i32
      %dma_start3A_89 = tpu.memref_slice %arg7[%dma_start3A_87, %dma_start3A_88] : memref<64x128xi32, #tpu.memory_space<vmem>> -> memref<16x128xi32, #tpu.memory_space<vmem>>
      %dma_start3A_90 = arith.constant 0 : i32
      %dma_start3A_91 = tpu.memref_slice %arg4[%arg1, %sub3A_58, %dma_start3A_90] : memref<16x160x128xi32, #tpu.memory_space<hbm>> -> memref<1x16x128xi32, #tpu.memory_space<hbm>>
      %dma_start3A_92 = tpu.memref_squeeze %dma_start3A_91 : memref<1x16x128xi32, #tpu.memory_space<hbm>> -> memref<16x128xi32, #tpu.memory_space<hbm>>
      %dma_start3A_93 = arith.constant 0 : i32
      %dma_start3A_94 = arith.constant 0 : i32
      %dma_start3A_95 = tpu.memref_slice %arg7[%dma_start3A_93, %dma_start3A_94] : memref<64x128xi32, #tpu.memory_space<vmem>> -> memref<16x128xi32, #tpu.memory_space<vmem>>
      %dma_start3A_96 = arith.constant 0 : i32
      %dma_start3A_97 = tpu.memref_slice %arg4[%arg1, %sub3A_58, %dma_start3A_96] : memref<16x160x128xi32, #tpu.memory_space<hbm>> -> memref<1x16x128xi32, #tpu.memory_space<hbm>>
      %dma_start3A_98 = tpu.memref_squeeze %dma_start3A_97 : memref<1x16x128xi32, #tpu.memory_space<hbm>> -> memref<16x128xi32, #tpu.memory_space<hbm>>
      tpu.enqueue_dma source(%dma_start3A_98 : memref<16x128xi32, #tpu.memory_space<hbm>>) target(%dma_start3A_95 : memref<16x128xi32, #tpu.memory_space<vmem>>) target_semaphore(%run_scoped3A_86 : memref<!tpu.dma_semaphore, #tpu.memory_space<semaphore_mem>>)
      %dma_wait3A = arith.constant 0 : i32
      %dma_wait3A_99 = arith.constant 0 : i32
      %dma_wait3A_100 = tpu.memref_slice %arg7[%dma_wait3A, %dma_wait3A_99] : memref<64x128xi32, #tpu.memory_space<vmem>> -> memref<16x128xi32, #tpu.memory_space<vmem>>
      %dma_wait3A_101 = arith.constant 0 : i32
      %dma_wait3A_102 = tpu.memref_slice %arg4[%arg1, %sub3A_58, %dma_wait3A_101] : memref<16x160x128xi32, #tpu.memory_space<hbm>> -> memref<1x16x128xi32, #tpu.memory_space<hbm>>
      %dma_wait3A_103 = tpu.memref_squeeze %dma_wait3A_102 : memref<1x16x128xi32, #tpu.memory_space<hbm>> -> memref<16x128xi32, #tpu.memory_space<hbm>>
      %dma_wait3A_104 = arith.constant 0 : i32
      %dma_wait3A_105 = arith.constant 0 : i32
      %dma_wait3A_106 = tpu.memref_slice %arg7[%dma_wait3A_104, %dma_wait3A_105] : memref<64x128xi32, #tpu.memory_space<vmem>> -> memref<16x128xi32, #tpu.memory_space<vmem>>
      %dma_wait3A_107 = arith.constant 0 : i32
      %dma_wait3A_108 = tpu.memref_slice %arg4[%arg1, %sub3A_58, %dma_wait3A_107] : memref<16x160x128xi32, #tpu.memory_space<hbm>> -> memref<1x16x128xi32, #tpu.memory_space<hbm>>
      %dma_wait3A_109 = tpu.memref_squeeze %dma_wait3A_108 : memref<1x16x128xi32, #tpu.memory_space<hbm>> -> memref<16x128xi32, #tpu.memory_space<hbm>>
      tpu.wait_dma2 semaphore(%run_scoped3A_86 : memref<!tpu.dma_semaphore, #tpu.memory_space<semaphore_mem>>) src(%dma_wait3A_109 : memref<16x128xi32, #tpu.memory_space<hbm>>) dst(%dma_wait3A_106 : memref<16x128xi32, #tpu.memory_space<vmem>>)
      tpu.yield
    }) : () -> ()
    %dma_start3A_59 = arith.constant 0 : i32
    %dma_start3A_60 = arith.constant 0 : i32
    %dma_start3A_61 = arith.constant 0 : i32
    %dma_start3A_62 = arith.constant 0 : i32
    %dma_start3A_63 = arith.constant 0 : i32
    %dma_start3A_64 = arith.constant 0 : i32
    %dma_start3A_65 = tpu.memref_slice %arg8[%dma_start3A_60, %dma_start3A_63, %dma_start3A_64] : memref<2x128x128xf32, #tpu.memory_space<vmem>> -> memref<1x128x128xf32, #tpu.memory_space<vmem>>
    %dma_start3A_66 = tpu.memref_squeeze %dma_start3A_65 : memref<1x128x128xf32, #tpu.memory_space<vmem>> -> memref<128x128xf32, #tpu.memory_space<vmem>>
    %dma_start3A_67 = arith.constant 0 : i32
    %dma_start3A_68 = tpu.memref_slice %arg6[%dma_start3A_59, %dma_start3A_67] : memref<64x128xi32, #tpu.memory_space<vmem>> -> memref<1x128xi32, #tpu.memory_space<vmem>>
    %dma_start3A_69 = tpu.memref_squeeze %dma_start3A_68 : memref<1x128xi32, #tpu.memory_space<vmem>> -> memref<128xi32, #tpu.memory_space<vmem>>
    %dma_start3A_70 = arith.constant 0 : i32
    %dma_start3A_71 = arith.constant 0 : i32
    %dma_start3A_72 = tpu.memref_slice %arg2[%dma_start3A_70, %dma_start3A_71] : memref<10000x128xf32, #tpu.memory_space<hbm>> -> memref<10000x128xf32, #tpu.memory_space<hbm>>
    %dma_start3A_73 = tpu.memref_slice %arg10[%dma_start3A_61, %dma_start3A_62] : memref<2x1x!tpu.dma_semaphore, #tpu.memory_space<semaphore_mem>> -> memref<1x1x!tpu.dma_semaphore, #tpu.memory_space<semaphore_mem>>
    %dma_start3A_74 = tpu.memref_squeeze %dma_start3A_73 : memref<1x1x!tpu.dma_semaphore, #tpu.memory_space<semaphore_mem>> -> memref<!tpu.dma_semaphore, #tpu.memory_space<semaphore_mem>>
    tpu.enqueue_indirect_dma source(%dma_start3A_72 : memref<10000x128xf32, #tpu.memory_space<hbm>>) target(%dma_start3A_66 : memref<128x128xf32, #tpu.memory_space<vmem>>) offsets(%dma_start3A_69 : memref<128xi32, #tpu.memory_space<vmem>>) semaphore(%dma_start3A_74 : memref<!tpu.dma_semaphore, #tpu.memory_space<semaphore_mem>>)
    %scan3A_75 = arith.constant 0 : i32
    %scan3A_76 = arith.constant 0 : i32
    %scan3A_77 = arith.constant 16 : i32
    %scan3A_78 = arith.addi %scan3A_76, %scan3A_77 : i32
    %scan3A_79 = arith.constant 1 : i32
    scf.for %scan3A_86 = %scan3A_76 to %scan3A_78 step %scan3A_79  : i32 {
      %rem3A = arith.constant 2 : i32
      %rem3A_87 = arith.remsi %scan3A_86, %rem3A : i32
      %add3A_88 = arith.constant 1 : i32
      %add3A_89 = arith.addi %scan3A_86, %add3A_88 : i32
      %lt3A = arith.constant 16 : i32
      %lt3A_90 = arith.cmpi slt, %add3A_89, %lt3A : i32
      %convert_element_type3A = arith.extui %lt3A_90 : i1 to i32
      %cond3A = arith.constant 0 : i32
      %cond3A_91 = arith.cmpi ne, %convert_element_type3A, %cond3A : i32
      scf.if %cond3A_91 {
        %add3A_104 = arith.constant 1 : i32
        %add3A_105 = arith.addi %scan3A_86, %add3A_104 : i32
        %sub3A_106 = arith.constant 1 : i32
        %sub3A_107 = arith.subi %sub3A_106, %rem3A_87 : i32
        %dma_start3A_108 = arith.constant 0 : i32
        %dma_start3A_109 = arith.constant 0 : i32
        %dma_start3A_110 = arith.constant 0 : i32
        %dma_start3A_111 = tpu.memref_slice %arg8[%sub3A_107, %dma_start3A_109, %dma_start3A_110] : memref<2x128x128xf32, #tpu.memory_space<vmem>> -> memref<1x128x128xf32, #tpu.memory_space<vmem>>
        %dma_start3A_112 = tpu.memref_squeeze %dma_start3A_111 : memref<1x128x128xf32, #tpu.memory_space<vmem>> -> memref<128x128xf32, #tpu.memory_space<vmem>>
        %dma_start3A_113 = arith.constant 0 : i32
        %dma_start3A_114 = tpu.memref_slice %arg6[%add3A_105, %dma_start3A_113] : memref<64x128xi32, #tpu.memory_space<vmem>> -> memref<1x128xi32, #tpu.memory_space<vmem>>
        %dma_start3A_115 = tpu.memref_squeeze %dma_start3A_114 : memref<1x128xi32, #tpu.memory_space<vmem>> -> memref<128xi32, #tpu.memory_space<vmem>>
        %dma_start3A_116 = arith.constant 0 : i32
        %dma_start3A_117 = arith.constant 0 : i32
        %dma_start3A_118 = tpu.memref_slice %arg2[%dma_start3A_116, %dma_start3A_117] : memref<10000x128xf32, #tpu.memory_space<hbm>> -> memref<10000x128xf32, #tpu.memory_space<hbm>>
        %dma_start3A_119 = tpu.memref_slice %arg10[%sub3A_107, %dma_start3A_108] : memref<2x1x!tpu.dma_semaphore, #tpu.memory_space<semaphore_mem>> -> memref<1x1x!tpu.dma_semaphore, #tpu.memory_space<semaphore_mem>>
        %dma_start3A_120 = tpu.memref_squeeze %dma_start3A_119 : memref<1x1x!tpu.dma_semaphore, #tpu.memory_space<semaphore_mem>> -> memref<!tpu.dma_semaphore, #tpu.memory_space<semaphore_mem>>
        tpu.enqueue_indirect_dma source(%dma_start3A_118 : memref<10000x128xf32, #tpu.memory_space<hbm>>) target(%dma_start3A_112 : memref<128x128xf32, #tpu.memory_space<vmem>>) offsets(%dma_start3A_115 : memref<128xi32, #tpu.memory_space<vmem>>) semaphore(%dma_start3A_120 : memref<!tpu.dma_semaphore, #tpu.memory_space<semaphore_mem>>)
      } else {
      }
      %dma_wait3A = arith.constant 0 : i32
      %dma_wait3A_92 = arith.constant 0 : i32
      %dma_wait3A_93 = arith.constant 0 : i32
      %dma_wait3A_94 = tpu.memref_slice %arg8[%rem3A_87, %dma_wait3A_92, %dma_wait3A_93] : memref<2x128x128xf32, #tpu.memory_space<vmem>> -> memref<1x128x128xf32, #tpu.memory_space<vmem>>
      %dma_wait3A_95 = tpu.memref_squeeze %dma_wait3A_94 : memref<1x128x128xf32, #tpu.memory_space<vmem>> -> memref<128x128xf32, #tpu.memory_space<vmem>>
      %dma_wait3A_96 = arith.constant 0 : i32
      %dma_wait3A_97 = tpu.memref_slice %arg6[%scan3A_86, %dma_wait3A_96] : memref<64x128xi32, #tpu.memory_space<vmem>> -> memref<1x128xi32, #tpu.memory_space<vmem>>
      %dma_wait3A_98 = tpu.memref_squeeze %dma_wait3A_97 : memref<1x128xi32, #tpu.memory_space<vmem>> -> memref<128xi32, #tpu.memory_space<vmem>>
      %dma_wait3A_99 = arith.constant 0 : i32
      %dma_wait3A_100 = arith.constant 0 : i32
      %dma_wait3A_101 = tpu.memref_slice %arg2[%dma_wait3A_99, %dma_wait3A_100] : memref<10000x128xf32, #tpu.memory_space<hbm>> -> memref<10000x128xf32, #tpu.memory_space<hbm>>
      %dma_wait3A_102 = tpu.memref_slice %arg10[%rem3A_87, %dma_wait3A] : memref<2x1x!tpu.dma_semaphore, #tpu.memory_space<semaphore_mem>> -> memref<1x1x!tpu.dma_semaphore, #tpu.memory_space<semaphore_mem>>
      %dma_wait3A_103 = tpu.memref_squeeze %dma_wait3A_102 : memref<1x1x!tpu.dma_semaphore, #tpu.memory_space<semaphore_mem>> -> memref<!tpu.dma_semaphore, #tpu.memory_space<semaphore_mem>>
      tpu.wait_indirect_dma semaphore(%dma_wait3A_103 : memref<!tpu.dma_semaphore, #tpu.memory_space<semaphore_mem>>) src(%dma_wait3A_101 : memref<10000x128xf32, #tpu.memory_space<hbm>>) dst(%dma_wait3A_95 : memref<128x128xf32, #tpu.memory_space<vmem>>)
      "tpu.region"() ({
        %run_scoped3A_104 = tpu.sem_alloc : memref<!tpu.dma_semaphore, #tpu.memory_space<semaphore_mem>>
        %dma_start3A_105 = arith.constant 0 : i32
        %dma_start3A_106 = arith.constant 0 : i32
        %dma_start3A_107 = tpu.memref_slice %arg8[%rem3A_87, %dma_start3A_105, %dma_start3A_106] : memref<2x128x128xf32, #tpu.memory_space<vmem>> -> memref<1x128x128xf32, #tpu.memory_space<vmem>>
        %dma_start3A_108 = tpu.memref_squeeze %dma_start3A_107 : memref<1x128x128xf32, #tpu.memory_space<vmem>> -> memref<128x128xf32, #tpu.memory_space<vmem>>
        %dma_start3A_109 = arith.constant 0 : i32
        %dma_start3A_110 = tpu.memref_slice %arg7[%scan3A_86, %dma_start3A_109] : memref<64x128xi32, #tpu.memory_space<vmem>> -> memref<1x128xi32, #tpu.memory_space<vmem>>
        %dma_start3A_111 = tpu.memref_squeeze %dma_start3A_110 : memref<1x128xi32, #tpu.memory_space<vmem>> -> memref<128xi32, #tpu.memory_space<vmem>>
        %dma_start3A_112 = arith.constant 0 : i32
        %dma_start3A_113 = arith.constant 0 : i32
        %dma_start3A_114 = tpu.memref_slice %arg9[%dma_start3A_112, %dma_start3A_113] : memref<10112x128xf32, #tpu.memory_space<vmem_shared>> -> memref<10112x128xf32, #tpu.memory_space<vmem_shared>>
        tpu.enqueue_indirect_dma source(%dma_start3A_108 : memref<128x128xf32, #tpu.memory_space<vmem>>) target(%dma_start3A_114 : memref<10112x128xf32, #tpu.memory_space<vmem_shared>>) offsets(%dma_start3A_111 : memref<128xi32, #tpu.memory_space<vmem>>) semaphore(%run_scoped3A_104 : memref<!tpu.dma_semaphore, #tpu.memory_space<semaphore_mem>>) {add = true}
        %dma_wait3A_115 = arith.constant 0 : i32
        %dma_wait3A_116 = arith.constant 0 : i32
        %dma_wait3A_117 = tpu.memref_slice %arg8[%rem3A_87, %dma_wait3A_115, %dma_wait3A_116] : memref<2x128x128xf32, #tpu.memory_space<vmem>> -> memref<1x128x128xf32, #tpu.memory_space<vmem>>
        %dma_wait3A_118 = tpu.memref_squeeze %dma_wait3A_117 : memref<1x128x128xf32, #tpu.memory_space<vmem>> -> memref<128x128xf32, #tpu.memory_space<vmem>>
        %dma_wait3A_119 = arith.constant 0 : i32
        %dma_wait3A_120 = tpu.memref_slice %arg7[%scan3A_86, %dma_wait3A_119] : memref<64x128xi32, #tpu.memory_space<vmem>> -> memref<1x128xi32, #tpu.memory_space<vmem>>
        %dma_wait3A_121 = tpu.memref_squeeze %dma_wait3A_120 : memref<1x128xi32, #tpu.memory_space<vmem>> -> memref<128xi32, #tpu.memory_space<vmem>>
        %dma_wait3A_122 = arith.constant 0 : i32
        %dma_wait3A_123 = arith.constant 0 : i32
        %dma_wait3A_124 = tpu.memref_slice %arg9[%dma_wait3A_122, %dma_wait3A_123] : memref<10112x128xf32, #tpu.memory_space<vmem_shared>> -> memref<10112x128xf32, #tpu.memory_space<vmem_shared>>
        tpu.wait_indirect_dma semaphore(%run_scoped3A_104 : memref<!tpu.dma_semaphore, #tpu.memory_space<semaphore_mem>>) src(%dma_wait3A_118 : memref<128x128xf32, #tpu.memory_space<vmem>>) dst(%dma_wait3A_124 : memref<10112x128xf32, #tpu.memory_space<vmem_shared>>)
        tpu.yield
      }) : () -> ()
    }
    %scan3A_80 = arith.constant 16 : i32
    %barrier3A_81 = arith.constant 0 : index
    tpu.barrier barrier_id(%barrier3A_81)
    %mul3A_82 = arith.constant 632 : i32
    %mul3A_83 = arith.muli %arg1, %mul3A_82 : i32
    %mul3A_84 = arith.constant 632 : i32
    %mul3A_85 = arith.muli %arg1, %mul3A_84 : i32
    "tpu.region"() ({
      %run_scoped3A_86 = tpu.sem_alloc : memref<!tpu.dma_semaphore, #tpu.memory_space<semaphore_mem>>
      %dma_start3A_87 = arith.constant 0 : i32
      %dma_start3A_88 = tpu.memref_slice %arg5[%arg0, %mul3A_85, %dma_start3A_87] : memref<2x10112x128xf32, #tpu.memory_space<hbm>> -> memref<1x632x128xf32, #tpu.memory_space<hbm>>
      %dma_start3A_89 = tpu.memref_squeeze %dma_start3A_88 : memref<1x632x128xf32, #tpu.memory_space<hbm>> -> memref<632x128xf32, #tpu.memory_space<hbm>>
      %dma_start3A_90 = arith.constant 0 : i32
      %dma_start3A_91 = tpu.memref_slice %arg9[%mul3A_83, %dma_start3A_90] : memref<10112x128xf32, #tpu.memory_space<vmem_shared>> -> memref<632x128xf32, #tpu.memory_space<vmem_shared>>
      tpu.enqueue_dma source(%dma_start3A_91 : memref<632x128xf32, #tpu.memory_space<vmem_shared>>) target(%dma_start3A_89 : memref<632x128xf32, #tpu.memory_space<hbm>>) target_semaphore(%run_scoped3A_86 : memref<!tpu.dma_semaphore, #tpu.memory_space<semaphore_mem>>)
      %dma_wait3A = arith.constant 0 : i32
      %dma_wait3A_92 = tpu.memref_slice %arg5[%arg0, %mul3A_85, %dma_wait3A] : memref<2x10112x128xf32, #tpu.memory_space<hbm>> -> memref<1x632x128xf32, #tpu.memory_space<hbm>>
      %dma_wait3A_93 = tpu.memref_squeeze %dma_wait3A_92 : memref<1x632x128xf32, #tpu.memory_space<hbm>> -> memref<632x128xf32, #tpu.memory_space<hbm>>
      %dma_wait3A_94 = arith.constant 0 : i32
      %dma_wait3A_95 = tpu.memref_slice %arg9[%mul3A_83, %dma_wait3A_94] : memref<10112x128xf32, #tpu.memory_space<vmem_shared>> -> memref<632x128xf32, #tpu.memory_space<vmem_shared>>
      tpu.wait_dma2 semaphore(%run_scoped3A_86 : memref<!tpu.dma_semaphore, #tpu.memory_space<semaphore_mem>>) src(%dma_wait3A_95 : memref<632x128xf32, #tpu.memory_space<vmem_shared>>) dst(%dma_wait3A_93 : memref<632x128xf32, #tpu.memory_space<hbm>>)
      tpu.yield
    }) : () -> ()
    return
  }
}

module attributes {stable_mosaic.version = 14 : i64} {
  func.func @_tcmm_body(%arg0: i32, %arg1: memref<2048x128xf32, #tpu.memory_space<vmem>>, %arg2: memref<128x128xf32, #tpu.memory_space<vmem>>, %arg3: memref<2048x128xf32, #tpu.memory_space<vmem>>) attributes {dimension_semantics = [#tpu.dimension_semantics<arbitrary>], iteration_bounds = array<i64: 5>, scalar_prefetch = 0 : i64, scratch_operands = 0 : i64, tpu.core_type = #tpu.core_type<tc>, window_params = [{transform_indices = @transform_0, window_bounds = array<i64: 2048, 128>}, {pipeline_mode = #tpu.pipeline_mode<synchronous>, transform_indices = @transform_1, window_bounds = array<i64: 128, 128>}, {transform_indices = @transform_2, window_bounds = array<i64: 2048, 128>}]} {
    %get3A = arith.constant 0 : index
    %get3A_0 = arith.constant 0 : index
    %get3A_1 = vector.load %arg1[%get3A, %get3A_0] : memref<2048x128xf32, #tpu.memory_space<vmem>>, vector<2048x128xf32>
    %get3A_2 = arith.constant 0 : index
    %get3A_3 = arith.constant 0 : index
    %get3A_4 = vector.load %arg2[%get3A_2, %get3A_3] : memref<128x128xf32, #tpu.memory_space<vmem>>, vector<128x128xf32>
    %dot_general3A = arith.constant dense<0.000000e+00> : vector<2048x128xf32>
    %dot_general3A_5 = tpu.matmul %get3A_1, %get3A_4, %dot_general3A {dimension_numbers = #tpu.dot_dimension_numbers<[1], [0], [0], [1], [0, 0, 1, 1], [], []>, transpose_lhs_hint = false} : vector<2048x128xf32>, vector<128x128xf32>, vector<2048x128xf32> -> vector<2048x128xf32>
    %swap3A = arith.constant 0 : index
    %swap3A_6 = arith.constant 0 : index
    %swap3A_7 = vector.load %arg3[%swap3A, %swap3A_6] : memref<2048x128xf32, #tpu.memory_space<vmem>>, vector<2048x128xf32>
    tpu.vector_store %arg3[%swap3A, %swap3A_6], %dot_general3A_5 {strides = array<i32>} : memref<2048x128xf32, #tpu.memory_space<vmem>>, vector<2048x128xf32>,
    return
  }
  func.func @transform_0(%arg0: i32) -> (i32, i32) {
    %c0_i32 = arith.constant 0 : i32
    %c0_i32_0 = arith.constant 0 : i32
    return %arg0, %c0_i32 : i32, i32
  }
  func.func @transform_1(%arg0: i32) -> (i32, i32) {
    %c0_i32 = arith.constant 0 : i32
    %c0_i32_0 = arith.constant 0 : i32
    %c0_i32_1 = arith.constant 0 : i32
    return %c0_i32, %c0_i32_0 : i32, i32
  }
  func.func @transform_2(%arg0: i32) -> (i32, i32) {
    %c0_i32 = arith.constant 0 : i32
    %c0_i32_0 = arith.constant 0 : i32
    return %arg0, %c0_i32 : i32, i32
  }
}

module attributes {stable_mosaic.version = 14 : i64} {
  func.func @_tc1_body(%arg0: i32, %arg1: memref<2048x128xf32, #tpu.memory_space<vmem>>, %arg2: memref<2x2048xf32, #tpu.memory_space<vmem>>, %arg3: memref<2048x128xf32, #tpu.memory_space<vmem>>, %arg4: memref<2048x1xf32, #tpu.memory_space<vmem>>) attributes {dimension_semantics = [#tpu.dimension_semantics<arbitrary>], iteration_bounds = array<i64: 5>, scalar_prefetch = 0 : i64, scratch_operands = 0 : i64, tpu.core_type = #tpu.core_type<tc>, window_params = [{transform_indices = @transform_0, window_bounds = array<i64: 2048, 128>}, {transform_indices = @transform_1, window_bounds = array<i64: 2, 2048>}, {transform_indices = @transform_2, window_bounds = array<i64: 2048, 128>}, {transform_indices = @transform_3, window_bounds = array<i64: 2048, 1>}]} {
    %get3A = arith.constant 0 : index
    %get3A_0 = arith.constant 0 : index
    %get3A_1 = vector.load %arg2[%get3A, %get3A_0] : memref<2x2048xf32, #tpu.memory_space<vmem>>, vector<1x2048xf32>
    %get3A_2 = vector.shape_cast %get3A_1 : vector<1x2048xf32> to vector<2048xf32>
    %get3A_3 = arith.constant 1 : index
    %get3A_4 = arith.constant 0 : index
    %get3A_5 = vector.load %arg2[%get3A_3, %get3A_4] : memref<2x2048xf32, #tpu.memory_space<vmem>>, vector<1x2048xf32>
    %get3A_6 = vector.shape_cast %get3A_5 : vector<1x2048xf32> to vector<2048xf32>
    %add3A = arith.addf %get3A_2, %get3A_6 : vector<2048xf32>
    %add3A_7 = arith.constant 2.000000e+00 : f32
    %add3A_8 = vector.broadcast %add3A_7 : f32 to vector<2048xf32>
    %add3A_9 = arith.addf %add3A, %add3A_8 : vector<2048xf32>
    %rsqrt3A = math.rsqrt %add3A_9 : vector<2048xf32>
    %reshape3A = vector.shape_cast %rsqrt3A : vector<2048xf32> to vector<2048x1xf32>
    %get3A_10 = arith.constant 0 : index
    %get3A_11 = arith.constant 0 : index
    %get3A_12 = vector.load %arg1[%get3A_10, %get3A_11] : memref<2048x128xf32, #tpu.memory_space<vmem>>, vector<2048x128xf32>
    %mul3A = vector.broadcast %reshape3A : vector<2048x1xf32> to vector<2048x128xf32>
    %mul3A_13 = arith.mulf %get3A_12, %mul3A : vector<2048x128xf32>
    %swap3A = arith.constant 0 : index
    %swap3A_14 = arith.constant 0 : index
    %swap3A_15 = vector.load %arg3[%swap3A, %swap3A_14] : memref<2048x128xf32, #tpu.memory_space<vmem>>, vector<2048x128xf32>
    tpu.vector_store %arg3[%swap3A, %swap3A_14], %mul3A_13 {strides = array<i32>} : memref<2048x128xf32, #tpu.memory_space<vmem>>, vector<2048x128xf32>,
    %swap3A_16 = arith.constant 0 : index
    %swap3A_17 = arith.constant 0 : index
    %swap3A_18 = vector.load %arg4[%swap3A_16, %swap3A_17] : memref<2048x1xf32, #tpu.memory_space<vmem>>, vector<2048x1xf32>
    tpu.vector_store %arg4[%swap3A_16, %swap3A_17], %reshape3A {strides = array<i32>} : memref<2048x1xf32, #tpu.memory_space<vmem>>, vector<2048x1xf32>,
    return
  }
  func.func @transform_0(%arg0: i32) -> (i32, i32) {
    %c0_i32 = arith.constant 0 : i32
    %c0_i32_0 = arith.constant 0 : i32
    return %arg0, %c0_i32 : i32, i32
  }
  func.func @transform_1(%arg0: i32) -> (i32, i32) {
    %c0_i32 = arith.constant 0 : i32
    %c0_i32_0 = arith.constant 0 : i32
    return %c0_i32, %arg0 : i32, i32
  }
  func.func @transform_2(%arg0: i32) -> (i32, i32) {
    %c0_i32 = arith.constant 0 : i32
    %c0_i32_0 = arith.constant 0 : i32
    return %arg0, %c0_i32 : i32, i32
  }
  func.func @transform_3(%arg0: i32) -> (i32, i32) {
    %c0_i32 = arith.constant 0 : i32
    %c0_i32_0 = arith.constant 0 : i32
    return %arg0, %c0_i32 : i32, i32
  }
}

module attributes {stable_mosaic.version = 14 : i64} {
  func.func @_tc2_body(%arg0: i32, %arg1: memref<2x2048x128xf32, #tpu.memory_space<vmem>>, %arg2: memref<2048x128xf32, #tpu.memory_space<vmem>>, %arg3: memref<2048x1xf32, #tpu.memory_space<vmem>>, %arg4: memref<1x128xf32, #tpu.memory_space<vmem>>, %arg5: memref<128x128xf32, #tpu.memory_space<vmem>>, %arg6: memref<2048x128xf32, #tpu.memory_space<vmem>>) attributes {dimension_semantics = [#tpu.dimension_semantics<arbitrary>], iteration_bounds = array<i64: 5>, scalar_prefetch = 0 : i64, scratch_operands = 0 : i64, tpu.core_type = #tpu.core_type<tc>, window_params = [{transform_indices = @transform_0, window_bounds = array<i64: 2, 2048, 128>}, {transform_indices = @transform_1, window_bounds = array<i64: 2048, 128>}, {transform_indices = @transform_2, window_bounds = array<i64: 2048, 1>}, {pipeline_mode = #tpu.pipeline_mode<synchronous>, transform_indices = @transform_3, window_bounds = array<i64: 1, 128>}, {pipeline_mode = #tpu.pipeline_mode<synchronous>, transform_indices = @transform_4, window_bounds = array<i64: 128, 128>}, {transform_indices = @transform_5, window_bounds = array<i64: 2048, 128>}]} {
    %get3A = arith.constant 0 : index
    %get3A_0 = arith.constant 0 : index
    %get3A_1 = vector.load %arg3[%get3A, %get3A_0] : memref<2048x1xf32, #tpu.memory_space<vmem>>, vector<2048x1xf32>
    %get3A_2 = arith.constant 0 : index
    %get3A_3 = arith.constant 0 : index
    %get3A_4 = arith.constant 0 : index
    %get3A_5 = vector.load %arg1[%get3A_2, %get3A_3, %get3A_4] : memref<2x2048x128xf32, #tpu.memory_space<vmem>>, vector<1x2048x128xf32>
    %get3A_6 = vector.shape_cast %get3A_5 : vector<1x2048x128xf32> to vector<2048x128xf32>
    %get3A_7 = arith.constant 1 : index
    %get3A_8 = arith.constant 0 : index
    %get3A_9 = arith.constant 0 : index
    %get3A_10 = vector.load %arg1[%get3A_7, %get3A_8, %get3A_9] : memref<2x2048x128xf32, #tpu.memory_space<vmem>>, vector<1x2048x128xf32>
    %get3A_11 = vector.shape_cast %get3A_10 : vector<1x2048x128xf32> to vector<2048x128xf32>
    %add3A = arith.addf %get3A_6, %get3A_11 : vector<2048x128xf32>
    %get3A_12 = arith.constant 0 : index
    %get3A_13 = arith.constant 0 : index
    %get3A_14 = vector.load %arg2[%get3A_12, %get3A_13] : memref<2048x128xf32, #tpu.memory_space<vmem>>, vector<2048x128xf32>
    %mul3A = arith.constant 2.000000e+00 : f32
    %mul3A_15 = vector.broadcast %mul3A : f32 to vector<2048x128xf32>
    %mul3A_16 = arith.mulf %mul3A_15, %get3A_14 : vector<2048x128xf32>
    %add3A_17 = arith.addf %add3A, %mul3A_16 : vector<2048x128xf32>
    %mul3A_18 = vector.broadcast %get3A_1 : vector<2048x1xf32> to vector<2048x128xf32>
    %mul3A_19 = arith.mulf %add3A_17, %mul3A_18 : vector<2048x128xf32>
    %get3A_20 = arith.constant 0 : index
    %get3A_21 = arith.constant 0 : index
    %get3A_22 = vector.load %arg4[%get3A_20, %get3A_21] : memref<1x128xf32, #tpu.memory_space<vmem>>, vector<1x128xf32>
    %add3A_23 = vector.broadcast %get3A_22 : vector<1x128xf32> to vector<2048x128xf32>
    %add3A_24 = arith.addf %mul3A_19, %add3A_23 : vector<2048x128xf32>
    %max3A = arith.constant 0.000000e+00 : f32
    %max3A_25 = vector.broadcast %max3A : f32 to vector<2048x128xf32>
    %max3A_26 = arith.maximumf %add3A_24, %max3A_25 : vector<2048x128xf32>
    %get3A_27 = arith.constant 0 : index
    %get3A_28 = arith.constant 0 : index
    %get3A_29 = vector.load %arg5[%get3A_27, %get3A_28] : memref<128x128xf32, #tpu.memory_space<vmem>>, vector<128x128xf32>
    %dot_general3A = arith.constant dense<0.000000e+00> : vector<2048x128xf32>
    %dot_general3A_30 = tpu.matmul %max3A_26, %get3A_29, %dot_general3A {dimension_numbers = #tpu.dot_dimension_numbers<[1], [0], [0], [1], [0, 0, 1, 1], [], []>, transpose_lhs_hint = false} : vector<2048x128xf32>, vector<128x128xf32>, vector<2048x128xf32> -> vector<2048x128xf32>
    %mul3A_31 = vector.broadcast %get3A_1 : vector<2048x1xf32> to vector<2048x128xf32>
    %mul3A_32 = arith.mulf %dot_general3A_30, %mul3A_31 : vector<2048x128xf32>
    %swap3A = arith.constant 0 : index
    %swap3A_33 = arith.constant 0 : index
    %swap3A_34 = vector.load %arg6[%swap3A, %swap3A_33] : memref<2048x128xf32, #tpu.memory_space<vmem>>, vector<2048x128xf32>
    tpu.vector_store %arg6[%swap3A, %swap3A_33], %mul3A_32 {strides = array<i32>} : memref<2048x128xf32, #tpu.memory_space<vmem>>, vector<2048x128xf32>,
    return
  }
  func.func @transform_0(%arg0: i32) -> (i32, i32, i32) {
    %c0_i32 = arith.constant 0 : i32
    %c0_i32_0 = arith.constant 0 : i32
    %c0_i32_1 = arith.constant 0 : i32
    return %c0_i32, %arg0, %c0_i32_0 : i32, i32, i32
  }
  func.func @transform_1(%arg0: i32) -> (i32, i32) {
    %c0_i32 = arith.constant 0 : i32
    %c0_i32_0 = arith.constant 0 : i32
    return %arg0, %c0_i32 : i32, i32
  }
  func.func @transform_2(%arg0: i32) -> (i32, i32) {
    %c0_i32 = arith.constant 0 : i32
    %c0_i32_0 = arith.constant 0 : i32
    return %arg0, %c0_i32 : i32, i32
  }
  func.func @transform_3(%arg0: i32) -> (i32, i32) {
    %c0_i32 = arith.constant 0 : i32
    %c0_i32_0 = arith.constant 0 : i32
    %c0_i32_1 = arith.constant 0 : i32
    return %c0_i32, %c0_i32_0 : i32, i32
  }
  func.func @transform_4(%arg0: i32) -> (i32, i32) {
    %c0_i32 = arith.constant 0 : i32
    %c0_i32_0 = arith.constant 0 : i32
    %c0_i32_1 = arith.constant 0 : i32
    return %c0_i32, %c0_i32_0 : i32, i32
  }
  func.func @transform_5(%arg0: i32) -> (i32, i32) {
    %c0_i32 = arith.constant 0 : i32
    %c0_i32_0 = arith.constant 0 : i32
    return %arg0, %c0_i32 : i32, i32
  }
}

module attributes {stable_mosaic.version = 14 : i64} {
  func.func @_tc3_body(%arg0: i32, %arg1: memref<2x2048x128xf32, #tpu.memory_space<vmem>>, %arg2: memref<2048x128xf32, #tpu.memory_space<vmem>>, %arg3: memref<2048x1xf32, #tpu.memory_space<vmem>>, %arg4: memref<1x128xf32, #tpu.memory_space<vmem>>, %arg5: memref<2048x128xf32, #tpu.memory_space<vmem>>) attributes {dimension_semantics = [#tpu.dimension_semantics<arbitrary>], iteration_bounds = array<i64: 5>, scalar_prefetch = 0 : i64, scratch_operands = 0 : i64, tpu.core_type = #tpu.core_type<tc>, window_params = [{transform_indices = @transform_0, window_bounds = array<i64: 2, 2048, 128>}, {transform_indices = @transform_1, window_bounds = array<i64: 2048, 128>}, {transform_indices = @transform_2, window_bounds = array<i64: 2048, 1>}, {pipeline_mode = #tpu.pipeline_mode<synchronous>, transform_indices = @transform_3, window_bounds = array<i64: 1, 128>}, {transform_indices = @transform_4, window_bounds = array<i64: 2048, 128>}]} {
    %get3A = arith.constant 0 : index
    %get3A_0 = arith.constant 0 : index
    %get3A_1 = arith.constant 0 : index
    %get3A_2 = vector.load %arg1[%get3A, %get3A_0, %get3A_1] : memref<2x2048x128xf32, #tpu.memory_space<vmem>>, vector<1x2048x128xf32>
    %get3A_3 = vector.shape_cast %get3A_2 : vector<1x2048x128xf32> to vector<2048x128xf32>
    %get3A_4 = arith.constant 1 : index
    %get3A_5 = arith.constant 0 : index
    %get3A_6 = arith.constant 0 : index
    %get3A_7 = vector.load %arg1[%get3A_4, %get3A_5, %get3A_6] : memref<2x2048x128xf32, #tpu.memory_space<vmem>>, vector<1x2048x128xf32>
    %get3A_8 = vector.shape_cast %get3A_7 : vector<1x2048x128xf32> to vector<2048x128xf32>
    %add3A = arith.addf %get3A_3, %get3A_8 : vector<2048x128xf32>
    %get3A_9 = arith.constant 0 : index
    %get3A_10 = arith.constant 0 : index
    %get3A_11 = vector.load %arg2[%get3A_9, %get3A_10] : memref<2048x128xf32, #tpu.memory_space<vmem>>, vector<2048x128xf32>
    %mul3A = arith.constant 2.000000e+00 : f32
    %mul3A_12 = vector.broadcast %mul3A : f32 to vector<2048x128xf32>
    %mul3A_13 = arith.mulf %mul3A_12, %get3A_11 : vector<2048x128xf32>
    %add3A_14 = arith.addf %add3A, %mul3A_13 : vector<2048x128xf32>
    %get3A_15 = arith.constant 0 : index
    %get3A_16 = arith.constant 0 : index
    %get3A_17 = vector.load %arg3[%get3A_15, %get3A_16] : memref<2048x1xf32, #tpu.memory_space<vmem>>, vector<2048x1xf32>
    %mul3A_18 = vector.broadcast %get3A_17 : vector<2048x1xf32> to vector<2048x128xf32>
    %mul3A_19 = arith.mulf %add3A_14, %mul3A_18 : vector<2048x128xf32>
    %get3A_20 = arith.constant 0 : index
    %get3A_21 = arith.constant 0 : index
    %get3A_22 = vector.load %arg4[%get3A_20, %get3A_21] : memref<1x128xf32, #tpu.memory_space<vmem>>, vector<1x128xf32>
    %add3A_23 = vector.broadcast %get3A_22 : vector<1x128xf32> to vector<2048x128xf32>
    %add3A_24 = arith.addf %mul3A_19, %add3A_23 : vector<2048x128xf32>
    %max3A = arith.constant 0.000000e+00 : f32
    %max3A_25 = vector.broadcast %max3A : f32 to vector<2048x128xf32>
    %max3A_26 = arith.maximumf %add3A_24, %max3A_25 : vector<2048x128xf32>
    %swap3A = arith.constant 0 : index
    %swap3A_27 = arith.constant 0 : index
    %swap3A_28 = vector.load %arg5[%swap3A, %swap3A_27] : memref<2048x128xf32, #tpu.memory_space<vmem>>, vector<2048x128xf32>
    tpu.vector_store %arg5[%swap3A, %swap3A_27], %max3A_26 {strides = array<i32>} : memref<2048x128xf32, #tpu.memory_space<vmem>>, vector<2048x128xf32>,
    return
  }
  func.func @transform_0(%arg0: i32) -> (i32, i32, i32) {
    %c0_i32 = arith.constant 0 : i32
    %c0_i32_0 = arith.constant 0 : i32
    %c0_i32_1 = arith.constant 0 : i32
    return %c0_i32, %arg0, %c0_i32_0 : i32, i32, i32
  }
  func.func @transform_1(%arg0: i32) -> (i32, i32) {
    %c0_i32 = arith.constant 0 : i32
    %c0_i32_0 = arith.constant 0 : i32
    return %arg0, %c0_i32 : i32, i32
  }
  func.func @transform_2(%arg0: i32) -> (i32, i32) {
    %c0_i32 = arith.constant 0 : i32
    %c0_i32_0 = arith.constant 0 : i32
    return %arg0, %c0_i32 : i32, i32
  }
  func.func @transform_3(%arg0: i32) -> (i32, i32) {
    %c0_i32 = arith.constant 0 : i32
    %c0_i32_0 = arith.constant 0 : i32
    %c0_i32_1 = arith.constant 0 : i32
    return %c0_i32, %c0_i32_0 : i32, i32
  }
  func.func @transform_4(%arg0: i32) -> (i32, i32) {
    %c0_i32 = arith.constant 0 : i32
    %c0_i32_0 = arith.constant 0 : i32
    return %arg0, %c0_i32 : i32, i32
  }
}

</mosaic_0001>

<sc_bundles>
// kernel: kernel.12.cloned.1.call-start
scs
__scs_entry_jumppad:
0x0: {  	(pc) =	sbr.rel $0x88, $3  }
0x1: {  	(tag) =	ssettag $0x0;
	lr =	simm.s32 $0x1  }
0x2: {  	[smem:$0x3F9B] =	sst lr;
	_ =	strace $0xD0000000  }
0x3: {  	_ = 	snop  }
0x4: {  	_ = 	snop  }
0x5: {  	_ = 	snop  }
0x6: {  	_ = 	snop  }
0x7: {  	_ = 	snop  }
__scs_overlays_trampoline_lowered:
0x8: {  	[smem:$0x3FAA] =	sst s0  }
0x9: {  	[smem:$0x3FAB] =	sst s1  }
0xa: {  	[smem:$0x3FAC] =	sst s2  }
0xb: {  	[smem:$0x3FAD] =	sst s3  }
0xc: {  	[smem:$0x3FAE] =	sst s4  }
0xd: {  	[smem:$0x3FAF] =	sst s5  }
0xe: {  	[smem:$0x3FB0] =	sst s6  }
0xf: {  	[smem:$0x3FB1] =	sst s7  }
0x10: {  	[smem:$0x3FB2] =	sst s8  }
0x11: {  	[smem:$0x3FB3] =	sst s9;
	s0 =	simm.s32 @!p0 $0x0  }
0x12: {  	s1 =	sld [smem:$0x3F99];
	s0 =	simm.s32 @p0 $0x1  }
0x13: {  	[smem:$0x3FB4] =	sst s0;
	s0 =	simm.s32 @!p1 $0x0  }
0x14: {  	s2 =	sld [smem:$0x3F98];
	s0 =	simm.s32 @p1 $0x1  }
0x15: {  	[smem:$0x3FB5] =	sst s0;
	s0 =	simm.s32 @!p2 $0x0  }
0x16: {  	s3 =	sld [smem:$0x3FDB];
	s0 =	simm.s32 @p2 $0x1  }
0x17: {  	s4 =	simm.s32 $0x1BF5;
	[smem:$0x3FB7] =	sst s0  }
0x18: {  	s0 =	sld [smem:$0x3F9A];
	_ =	swait.ge [sflag:s4], $0x0  }
0x19: {  	s7 =	sld [smem:$0x3F9B]  }
0x1a: {  	s8 =	sadd.s32 $0xFFFFE003, lr  }
0x1b: {  	s9 =	sadd.s32 $0xFFFFFEF7, lr;
	s5 =	simm.s32 $0xFFFFFFFF;
	p2 =	slt.u32 s8, $0xFFFFF086  }
0x1c: {  	p1 =	slt.u32 s9, $0xF7A;
	s5 =	simm.s32 @!p2 $0x0  }
0x1d: {  	s5 =	simm.s32 @p1 $0x1;
	p0 =	seq.s32 s7, s2  }
0x1e: {  	s7 =	smul.u32 @!p0 $0xF7A, s2;
	p2 =	seq.s32 @!p0 s5, $0x0  }
0x1f: {  	s9 =	smul.u32 $0xF7A, s1;
	s8 =	simm.s32 @!p0 $0x1BF5;
	p2 =	por !p2, p0  }
0x20: {  	[sflag:s8] =	ssyncset.s32 @!p0 $0xFFFFF086;
	s6 =	sadd.s32 @!p0 s3, s7;
	s7 =	simm.s32 @!p0 $0x108  }
0x21: {  	s3 =	sadd.s32 s3, s9;
	s6 =	sadd.s32 @!p0 $0x88, s6;
	s7 =	simm.s32 @p2 $0x1082  }
0x22: {  	[simem:s7], [sflag:s8] =	dma.local @!p0 [hbm:s6], $0xF7A  }
0x23: {  	s9 =	sor.u32 $0xD0000000, s2;
	s6 =	simm.s32 $0x108;
	_ =	swait.ge @!p0 [sflag:s8], $0x0  }
0x24: {  	s3 =	sadd.s32 $0x88, s3;
	s6 =	simm.s32 @!p1 $0x1082;
	[sflag:s4] =	ssyncset.s32 $0xFFFFF086  }
0x25: {  	[simem:s6], [sflag:s4] =	dma.local [hbm:s3], $0xF7A  }
0x26: {  	[smem:$0x3F9B] =	sst s1;
	(tag) =	ssettag s2;
	_ =	strace s9  }
0x27: {  	s1 =	sld [smem:$0x3FAB]  }
0x28: {  	s2 =	sld [smem:$0x3FAC]  }
0x29: {  	s4 =	sld [smem:$0x3FAE]  }
0x2a: {  	p0 =	seq.s32 s5, $0x0;
	s5 =	sld [smem:$0x3FAF]  }
0x2b: {  	s6 =	sld [smem:$0x3FB0]  }
0x2c: {  	s7 =	sld [smem:$0x3FB1]  }
0x2d: {  	s3 =	simm.s32 $0x108;
	s8 =	sld [smem:$0x3FB2]  }
0x2e: {  	s3 =	simm.s32 @!p0 $0x1082;
	s9 =	sld [smem:$0x3FB3]  }
0x2f: {  	lr =	sadd.s32 s0, s3;
	s0 =	sld [smem:$0x3FAA]  }
0x30: {  	s3 =	sld [smem:$0x3FAD]  }
0x31: {  	[smem:$0x3FB6] =	sst s10  }
0x32: {  	s10 =	sld [smem:$0x3FB4];
	_ =	sdelay $0x3  }
0x33: {  	p0 =	seq.s32 s10, $0x1;
	s10 =	sld [smem:$0x3FB6];
	_ =	sdelay $0x3  }
0x34: {  	[smem:$0x3FB6] =	sst s10  }
0x35: {  	s10 =	sld [smem:$0x3FB5];
	_ =	sdelay $0x3  }
0x36: {  	p1 =	seq.s32 s10, $0x1;
	s10 =	sld [smem:$0x3FB6];
	_ =	sdelay $0x3  }
0x37: {  	[smem:$0x3FB6] =	sst s10  }
0x38: {  	s10 =	sld [smem:$0x3FB7]  }
0x39: {  	_ = 	snop;
	(pc) =	sbr.ind lr, $3  }
0x3a: {  	_ = 	snop  }
0x3b: {  	_ = 	snop  }
0x3c: {  	p2 =	seq.s32 s10, $0x1;
	s10 =	sld [smem:$0x3FB6]  }
0x3d: {  	_ =	shalt  }
0x3e: {  	_ =	shalt  }
0x3f: {  	_ =	shalt  }
0x40: {  	_ =	shalt  }
0x41: {  	_ =	shalt  }
0x42: {  	_ =	shalt  }
0x43: {  	_ =	shalt  }
0x44: {  	_ =	shalt  }
0x45: {  	_ =	shalt  }
0x46: {  	_ =	shalt  }
0x47: {  	_ =	shalt  }
0x48: {  	_ =	shalt  }
0x49: {  	_ =	shalt  }
0x4a: {  	_ =	shalt  }
0x4b: {  	_ =	shalt  }
0x4c: {  	_ =	shalt  }
0x4d: {  	_ =	shalt  }
0x4e: {  	_ =	shalt  }
0x4f: {  	_ =	shalt  }
0x50: {  	_ =	shalt  }
0x51: {  	_ =	shalt  }
0x52: {  	_ =	shalt  }
0x53: {  	_ =	shalt  }
0x54: {  	_ =	shalt  }
0x55: {  	_ =	shalt  }
0x56: {  	_ =	shalt  }
0x57: {  	_ =	shalt  }
0x58: {  	_ =	shalt  }
0x59: {  	_ =	shalt  }
0x5a: {  	_ =	shalt  }
0x5b: {  	_ =	shalt  }
0x5c: {  	_ =	shalt  }
0x5d: {  	_ =	shalt  }
0x5e: {  	_ =	shalt  }
0x5f: {  	_ =	shalt  }
0x60: {  	_ =	shalt  }
0x61: {  	_ =	shalt  }
0x62: {  	_ =	shalt  }
0x63: {  	_ =	shalt  }
0x64: {  	_ =	shalt  }
0x65: {  	_ =	shalt  }
0x66: {  	_ =	shalt  }
0x67: {  	_ =	shalt  }
0x68: {  	_ =	shalt  }
0x69: {  	_ =	shalt  }
0x6a: {  	_ =	shalt  }
0x6b: {  	_ =	shalt  }
0x6c: {  	_ =	shalt  }
0x6d: {  	_ =	shalt  }
0x6e: {  	_ =	shalt  }
0x6f: {  	_ =	shalt  }
0x70: {  	_ =	shalt  }
0x71: {  	_ =	shalt  }
0x72: {  	_ =	shalt  }
0x73: {  	_ =	shalt  }
0x74: {  	_ =	shalt  }
0x75: {  	_ =	shalt  }
0x76: {  	_ =	shalt  }
0x77: {  	_ =	shalt  }
0x78: {  	_ =	shalt  }
0x79: {  	_ =	shalt  }
0x7a: {  	_ =	shalt  }
0x7b: {  	_ =	shalt  }
0x7c: {  	_ =	shalt  }
0x7d: {  	_ =	shalt  }
0x7e: {  	_ =	shalt  }
0x7f: {  	_ =	shalt  }
0x80: {  	_ =	shalt  }
0x81: {  	_ =	shalt  }
0x82: {  	_ =	shalt  }
0x83: {  	_ =	shalt  }
0x84: {  	_ =	shalt  }
0x85: {  	_ =	shalt  }
0x86: {  	_ =	shalt  }
0x87: {  	_ =	shalt  }
.Lfunc_end0:
.L_simem_size_0:
called_computation.1_lowered:
.L_overlay_start_0:
0x88: {  	s2 =	sld [smem:$0x3FD9]  }
0x89: {  	s3 =	sld [smem:$0x3FFE];
	_ =	sdelay $0x1  }
0x8a: {  	s1 =	srdreg.scid  }
0x8b: {  	s0 =	sand.u32 $0x1, s1  }
0x8c: {  	s17 =	sshll.u32 s0, $0xA;
	s2 =	sadd.s32 s3, s2  }
0x8d: {  	s2 =	sadd.s32 s2, s17  }
0x8e: {  	[smem:$0x3FC2] =	sst s2  }
0x8f: {  	_ = 	snop  }
0x90: {  	s2 =	sld [smem:$0x3FD0];
	(tm) =	ssettm $0x1  }
0x91: {  	s18 =	sld [smem:$0x3FFB];
	_ =	sdelay $0x3  }
0x92: {  	_ =	strace s18  }
0x93: {  	s3 =	sld [smem:$0x3FFC];
	_ =	sdelay $0x3  }
0x94: {  	_ =	strace s3  }
0x95: {  	s3 =	sld [smem:$0x3FFD];
	_ =	sdelay $0x3  }
0x96: {  	_ =	strace s3  }
0x97: {  	_ =	strace $0x8FFFFFFF  }
0x98: {  	s19 =	sld [smem:$0x3FDB];
	_ =	sdelay $0x1  }
0x99: {  	s4 =	simm.s32 $_scs_section_size  }
0x9a: {  	s5 =	simm.s32 $_size__tile_overlayer_lowered;
	s6 =	simm.s32 $_tile_overlayer_lowered  }
0x9b: {  	s22 =	simm.s32 $0x1BFF;
	s21 =	sshll.u32 s6, $0x1;
	s3 =	sadd.s32 s4, s19  }
0x9c: {  	s7 =	simm.s32 $0x0;
	s20 =	sshll.u32 s5, $0x1;
	s5 =	sadd.s32 s21, s3  }
0x9d: {  	[timem:s7], [sflag:s22] =	dma.local [hbm:s5], s20  }
0x9e: {  	_ =	swait.ge [sflag:s22], s20  }
0x9f: {  	s4 =	ssub.s32 $0x0, s20;
	[sflag:s22] =	ssyncset.done $0x0  }
0xa0: {  	[sflag:s22] =	ssyncadd.s32 s4;
	_ =	sdelay $0x1  }
0xa1: {  	s23 =	simm.s32 $0x1B8B  }
0xa2: {  	_ =	swait.ge [sflag:s23], $0x1  }
0xa3: {  	[sflag:s23] =	ssyncset.done $0x0  }
0xa4: {  	s25 =	simm.s32 $0x1B8E;
	s24 =	sld [smem:$0x3FFE];
	[sflag:s23] =	ssyncadd.s32 $0xFFFFFFFF  }
0xa5: {  	s26 =	simm.s32 $execute0_lowered;
	[smem:$0x3FD2] =	sst s25  }
0xa6: {  	s5 =	sshll.u32 s26, $0x1;
	_ =	strace $0x80000049;
	[dreg:$0x1] =	wrdreg $0xFFFFFFFF  }
0xa7: {  	s28 =	simm.s32 $_size_execute0_lowered;
	s3 =	sadd.s32 s3, s5;
	[dreg:$0x0] =	wrdreg $0x0  }
0xa8: {  	s5 =	sshll.u32 s28, $0x1;
	[dreg:$0x2] =	wrdreg s3  }
0xa9: {  	[dreg:$0x3] =	wrdreg s5  }
0xaa: {  	[dreg:$0x4] =	wrdreg $0xC0  }
0xab: {  	_ =	task [dreg:s7], $0x5FFFF  }
0xac: {  	[dreg:$0x1] =	wrdreg $0xFFFFFFFF  }
0xad: {  	[dreg:$0x0] =	wrdreg $0x60  }
0xae: {  	[dreg:$0x2] =	wrdreg s2  }
0xaf: {  	[dreg:$0x3] =	wrdreg s24  }
0xb0: {  	[dreg:$0x4] =	wrdreg $0xC0000  }
0xb1: {  	[dreg:$0x5] =	wrdreg $0x9  }
0xb2: {  	_ =	task.clear_ibuf [dreg:s7], $0x6FFFF;
	_ =	strace $0x90000049  }
0xb3: {  	s29 =	simm.s32 $0x9;
	_ =	strace $0x8000004B  }
0xb4: {  	_ =	swait.ge [sflag:s29], $0x1  }
0xb5: {  	[sflag:s29] =	ssyncadd.s32 $0xFFFFFFFF  }
0xb6: {  	_ =	strace $0x9000004B  }
0xb7: {  	_ =	sfence  }
0xb8: {  	s30 =	sld [smem:$0x0];
	_ =	sdelay $0x2  }
0xb9: {  	s31 =	sshll.u32 s1, $0xD;
	s1 =	sshrl.u32 s1, $0x2  }
0xba: {  	s3 =	sand.u32 $0x4000, s31;
	s1 =	sadd.s32 s1, s30  }
0xbb: {  	s0 =	sor.u32 s3, s0;
	s1 =	sshll.u32 s1, $0x11  }
0xbc: {  	s0 =	sor.u32 s1, s0  }
0xbd: {  	s0 =	sadd.s32 $0x8F2B, s0  }
0xbe: {  	[sflag:s0] =	ssyncadd.remote.s32 $0x1  }
0xbf: {  	_ =	sfence.sel $0xFFFF  }
0xc0: {  	[dreg:$0x0] =	wrdreg $0xFFFFFFFF;
	(pc) =	sbr.abs _section_cstart, $3  }
0xc1: {  	[dreg:$0x1] =	wrdreg $0xFFFFFFFF  }
0xc2: {  	_ =	task.clear_ibuf [dreg:s7], $0x2FFFF;
	_ =	strace $0x9FFFFFFF  }
0xc3: {  	(tm) =	ssettm $0x7FFFFFFF  }
tec
execute0_lowered:
.L_overlay_start_1:
0x0: {  	(tag) =	ssettag $0x1  }
0x1: {  	s1 =	rddreg [dreg:$0x0]  }
0x2: {  	s5 =	rddreg [dreg:$0x1]  }
0x3: {  	s2 =	rddreg [dreg:$0x2];
	s3 =	srdreg.scid;
	s4 =	simm.s32 $0x0  }
0x4: {  	s17 =	simm.s32 $0x3;
	s18 =	simm.s32 $0x80;
	s6 =	sand.u32 $0x1, s3  }
0x5: {  	s19 =	simm.s32 $0x2;
	s3 =	stileid.u32;
	s7 =	smul.u32 $0x13C000, s6  }
0x6: {  	s20 =	simm.s32 $0x3F80;
	s21 =	simm.s32 $0x8000;
	s8 =	smul.u32 $0x13C00, s3  }
0x7: {  	s22 =	simm.s32 $0x2780;
	[smem:$0x7FF] =	sst s4;
	s30 =	smul.u32 $0x4F000, s3  }
0x8: {  	s12 =	sadd.s32 $0xCA00, s5;
	s13 =	sadd.s32 $0x2A00, s5;
	s9 =	smul.u32 $0x5000, s3  }
0x9: {  	_ =	strace $0x8000004A;
	s10 =	ssub.s32 $0x2, s6;
	s11 =	smul.u32 $0x2800, s6  }
0xa: {  	s31 =	sshrl.u32 s10, $0x1;
	s7 =	sadd.s32 s8, s7;
	s8 =	sshrl.u32 s30, $0x2  }
0xb: {  	s15 =	ssub.s32 s10, s31;
	s9 =	sadd.s32 s11, s9;
	s7 =	sshrl.u32 s7, $0x3  }
0xc: {  	s11 =	sshrl.u32 s9, $0x3;
	s15 =	smax.u32 s15, $0x1;
	s14 =	sadd.s32 s7, s5  }
0xd: {  	s5 =	sadd.s32 s8, s2;
	s10 =	sadd.s32 s12, s11;
	s16 =	sadd.s32 $0x400, s11  }
0xe: {  	s11 =	sadd.s32 s13, s11;
	s6 =	sadd.s32 $0x4000, s5;
	s7 =	sadd.s32 $0x8000, s5  }
0xf: {  	s8 =	sadd.s32 $0xC000, s5;
	s9 =	sadd.s32 $0x10000, s5;
	s12 =	sadd.s32 s12, s16  }
0x10: {  	v0 =	vimm.f32 $0.0e+00;
	s13 =	sadd.s32 s13, s16;
	s14 =	sadd.s32 $0x16A00, s14;
	s16 =	simm.s32 $0x4000  }
.LBB2_1:
0x11: {  	s23 =	simm.s32 $0x0;
	s24 =	simm.s32 $0x200  }
.LBB2_2:
0x12: {  	p0 =	sne.s32 s24, $0xFE00;
	[tilespmem:s23+$0x4070] =	vst v0  }
0x13: {  	[tilespmem:s23+$0x4000] =	vst v0  }
0x14: {  	[tilespmem:s23+$0x4010] =	vst v0  }
.Ltmp0:
0x15: {  	[tilespmem:s23+$0x4020] =	vst v0;
	(pc) =	sbr.rel @p0 .LBB2_2-.Ltmp0, $4  }
0x16: {  	[tilespmem:s23+$0x4030] =	vst v0  }
0x17: {  	[tilespmem:s23+$0x4040] =	vst v0  }
0x18: {  	[tilespmem:s23+$0x4050] =	vst v0  }
0x19: {  	[tilespmem:s23+$0x4060] =	vst v0;
	s23 =	sshra.s32 s24, $0x2;
	s24 =	sadd.s32 $0x200, s24  }
0x1a: {  	[tilespmem:s23+$0x4070] =	vst v0  }
0x1b: {  	[tilespmem:s23+$0x4000] =	vst v0  }
0x1c: {  	[tilespmem:s23+$0x4010] =	vst v0  }
0x1d: {  	[tilespmem:s23+$0x4020] =	vst v0  }
0x1e: {  	[tilespmem:s23+$0x4030] =	vst v0  }
0x1f: {  	[tilespmem:s23+$0x4040] =	vst v0  }
0x20: {  	[tilespmem:s23+$0x4050] =	vst v0  }
0x21: {  	[tilespmem:s23+$0x4060] =	vst v0  }
0x22: {  	[spmem:s5] =	stream.linear.scatter [tilespmem:s16], [sflag:$0x3], $0x4000, $0x38;
	[tilespmem:$0x1FC00] =	vst v63  }
0x23: {  	_ =	swait.ge [sflag:s17], $0x4000  }
0x24: {  	[sflag:s17] =	ssyncset.done $0x0  }
0x25: {  	[sflag:s17] =	ssyncadd.s32 $0xFFFFC000  }
0x26: {  	[spmem:s6] =	stream.linear.scatter [tilespmem:s16], [sflag:$0x3], $0x4000, $0x38;
	[tilespmem:$0x1FC00] =	vst v63  }
0x27: {  	_ =	swait.ge [sflag:s17], $0x4000  }
0x28: {  	[sflag:s17] =	ssyncset.done $0x0  }
0x29: {  	[sflag:s17] =	ssyncadd.s32 $0xFFFFC000  }
0x2a: {  	[spmem:s7] =	stream.linear.scatter [tilespmem:s16], [sflag:$0x3], $0x4000, $0x38;
	[tilespmem:$0x1FC00] =	vst v63  }
0x2b: {  	_ =	swait.ge [sflag:s17], $0x4000  }
0x2c: {  	[sflag:s17] =	ssyncset.done $0x0  }
0x2d: {  	[sflag:s17] =	ssyncadd.s32 $0xFFFFC000  }
0x2e: {  	[spmem:s8] =	stream.linear.scatter [tilespmem:s16], [sflag:$0x3], $0x4000, $0x38;
	[tilespmem:$0x1FC00] =	vst v63  }
0x2f: {  	_ =	swait.ge [sflag:s17], $0x4000  }
0x30: {  	[sflag:s17] =	ssyncset.done $0x0  }
0x31: {  	[sflag:s17] =	ssyncadd.s32 $0xFFFFC000  }
0x32: {  	[spmem:s9] =	stream.linear.scatter [tilespmem:s16], [sflag:$0x3], $0x3C00, $0x38;
	[tilespmem:$0x1FC00] =	vst v63  }
0x33: {  	_ =	swait.ge [sflag:s17], $0x3C00  }
0x34: {  	[sflag:s17] =	ssyncset.done $0x0  }
0x35: {  	[sflag:s17] =	ssyncadd.s32 $0xFFFFC400  }
0x36: {  	s30 =	simm.s32 $0x0;
	[bflag:$0x0] =	sbarrier.arrive $0xFFFF  }
0x37: {  	[tilespmem:s30], [sflag:$0x3] =	stream.linear.gather [hbm4b:s10+s30], $0x2000, $0x38;
	[tilespmem:$0x1FC00] =	vst v63  }
0x38: {  	_ =	swait.ge [sflag:s17], $0x2000  }
0x39: {  	[sflag:s17] =	ssyncset.done $0x0  }
0x3a: {  	s25 =	simm.s32 $0x2000;
	[sflag:s17] =	ssyncadd.s32 $0xFFFFE000  }
0x3b: {  	[tilespmem:s25], [sflag:$0x3] =	stream.linear.gather [hbm4b:s11+s30], $0x2000, $0x38;
	[tilespmem:$0x1FC00] =	vst v63  }
0x3c: {  	s23 =	sand.u32 $0x1, s30;
	_ =	swait.ge [sflag:s17], $0x2000  }
0x3d: {  	s26 =	sxor.u32 $0x1, s23;
	[sflag:s17] =	ssyncset.done $0x0  }
0x3e: {  	s24 =	simm.s32 $0x80;
	s28 =	sshll.u32 s26, $0xE;
	[sflag:s17] =	ssyncadd.s32 $0xFFFFE000  }
0x3f: {  	[tilespmem:s16], [sflag:$0x1] =	stream.indirect.gather [hbm4b:s1+s24], $0x80, s30, s24, $0xb8;
	[tilespmem:$0x1FC00] =	vst v63  }
0x40: {  	s29 =	sadd.s32 $0x1, s23;
	s26 =	sadd.s32 $0x1, s26;
	s28 =	sadd.s32 $0x4000, s28  }
0x41: {  	[tilespmem:s28], [sflag:s26] =	stream.indirect.gather [hbm4b:s1+s18], $0x80, s24, s18, $0xb8;
	[tilespmem:$0x1FC00] =	vst v63  }
0x42: {  	s23 =	sshll.u32 s23, $0xE;
	_ =	swait.ge [sflag:s29], $0x4000  }
0x43: {  	s31 =	simm.s32 $0x1;
	s23 =	sadd.s32 $0x4000, s23;
	[sflag:s29] =	ssyncset.done $0x0  }
0x44: {  	s28 =	simm.s32 $0x2;
	s26 =	sand.u32 $0x1, s31;
	[sflag:s29] =	ssyncadd.s32 $0xFFFFC000  }
0x45: {  	[spmem:s2] =	stream.indirect.scatter.add.f32 [tilespmem:s23], [sflag:$0x3], $0x80, s25, s18, $0xb8;
	[tilespmem:$0x1FC00] =	vst v63  }
0x46: {  	s24 =	simm.s32 $0x100;
	s29 =	sxor.u32 $0x1, s26;
	_ =	swait.ge [sflag:s17], $0x4000  }
0x47: {  	s23 =	simm.s32 $0x2080;
	s25 =	sshll.u32 s26, $0xE;
	[sflag:s17] =	ssyncset.done $0x0  }
.LBB2_4:
0x48: {  	s30 =	sshll.u32 s29, $0xE  }
0x49: {  	[sflag:s17] =	ssyncadd.s32 $0xFFFFC000;
	s31 =	smov.u32 s28;
	s0 =	sadd.s32 $0x1, s28  }
0x4a: {  	s29 =	sadd.s32 $0x1, s29;
	s26 =	sadd.s32 $0x1, s26;
	s30 =	sadd.s32 $0x4000, s30  }
0x4b: {  	[tilespmem:s30], [sflag:s29] =	stream.indirect.gather [hbm4b:s1+s18], $0x80, s24, s18, $0xb8;
	[tilespmem:$0x1FC00] =	vst v63  }
0x4c: {  	p0 =	sne.s32 s28, $0x3E;
	_ =	swait.ge [sflag:s26], $0x4000  }
.Ltmp1:
0x4d: {  	s25 =	sadd.s32 $0x4000, s25;
	[sflag:s26] =	ssyncset.done $0x0;
	(pc) =	sbr.rel @p0 .LBB2_4-.Ltmp1, $4  }
0x4e: {  	s28 =	smov.u32 s0;
	s24 =	sadd.s32 $0x80, s24;
	[sflag:s26] =	ssyncadd.s32 $0xFFFFC000  }
0x4f: {  	[spmem:s2] =	stream.indirect.scatter.add.f32 [tilespmem:s25], [sflag:$0x3], $0x80, s23, s18, $0xb8;
	[tilespmem:$0x1FC00] =	vst v63  }
0x50: {  	s26 =	sand.u32 $0x1, s31;
	s23 =	sadd.s32 $0x80, s23;
	_ =	swait.ge [sflag:s17], $0x4000  }
0x51: {  	s29 =	sxor.u32 $0x1, s26;
	s25 =	sshll.u32 s26, $0xE;
	[sflag:s17] =	ssyncset.done $0x0  }
0x52: {  	s0 =	sshll.u32 s29, $0xE;
	[sflag:s17] =	ssyncadd.s32 $0xFFFFC000  }
0x53: {  	s28 =	sadd.s32 $0x1, s29;
	s26 =	sadd.s32 $0x1, s26;
	s0 =	sadd.s32 $0x4000, s0  }
0x54: {  	[tilespmem:s0], [sflag:s28] =	stream.indirect.gather [hbm4b:s1+s18], $0x80, s24, s18, $0xb8;
	[tilespmem:$0x1FC00] =	vst v63  }
0x55: {  	_ =	swait.ge [sflag:s26], $0x4000  }
0x56: {  	[sflag:s26] =	ssyncset.done $0x0  }
0x57: {  	s25 =	sadd.s32 $0x4000, s25;
	[sflag:s26] =	ssyncadd.s32 $0xFFFFC000  }
0x58: {  	[spmem:s2] =	stream.indirect.scatter.add.f32 [tilespmem:s25], [sflag:$0x3], $0x80, s23, s18, $0xb8;
	[tilespmem:$0x1FC00] =	vst v63  }
0x59: {  	_ =	swait.ge [sflag:s17], $0x4000  }
0x5a: {  	[sflag:s17] =	ssyncset.done $0x0  }
0x5b: {  	[sflag:s17] =	ssyncadd.s32 $0xFFFFC000  }
0x5c: {  	_ =	swait.ge [sflag:s19], $0x4000  }
0x5d: {  	[sflag:s19] =	ssyncset.done $0x0  }
0x5e: {  	s0 =	simm.s32 $0x80;
	[sflag:s19] =	ssyncadd.s32 $0xFFFFC000  }
0x5f: {  	[spmem:s2] =	stream.indirect.scatter.add.f32 [tilespmem:s21], [sflag:$0x3], $0x80, s20, s0, $0xb8;
	[tilespmem:$0x1FC00] =	vst v63  }
0x60: {  	_ =	swait.ge [sflag:s17], $0x4000  }
0x61: {  	[sflag:s17] =	ssyncset.done $0x0  }
0x62: {  	s30 =	simm.s32 $0x0;
	[sflag:s17] =	ssyncadd.s32 $0xFFFFC000  }
0x63: {  	[tilespmem:s30], [sflag:$0x3] =	stream.linear.gather [hbm4b:s12+s30], $0x800, $0x38;
	[tilespmem:$0x1FC00] =	vst v63  }
0x64: {  	_ =	swait.ge [sflag:s17], $0x800  }
0x65: {  	[sflag:s17] =	ssyncset.done $0x0  }
0x66: {  	s25 =	simm.s32 $0x2000;
	[sflag:s17] =	ssyncadd.s32 $0xFFFFF800  }
0x67: {  	[tilespmem:s25], [sflag:$0x3] =	stream.linear.gather [hbm4b:s13+s30], $0x800, $0x38;
	[tilespmem:$0x1FC00] =	vst v63  }
0x68: {  	_ =	swait.ge [sflag:s17], $0x800  }
0x69: {  	s23 =	sand.u32 $0x1, s30;
	[sflag:s17] =	ssyncset.done $0x0  }
0x6a: {  	s31 =	sxor.u32 $0x1, s23;
	[sflag:s17] =	ssyncadd.s32 $0xFFFFF800  }
0x6b: {  	[tilespmem:s16], [sflag:$0x1] =	stream.indirect.gather [hbm4b:s1+s0], $0x80, s30, s0, $0xb8;
	[tilespmem:$0x1FC00] =	vst v63  }
0x6c: {  	s30 =	sshll.u32 s31, $0xE  }
0x6d: {  	s29 =	sadd.s32 $0x1, s23;
	s24 =	sadd.s32 $0x1, s31;
	s26 =	sadd.s32 $0x4000, s30  }
0x6e: {  	[tilespmem:s26], [sflag:s24] =	stream.indirect.gather [hbm4b:s1+s18], $0x80, s0, s18, $0xb8;
	[tilespmem:$0x1FC00] =	vst v63  }
0x6f: {  	s28 =	simm.s32 $0x2;
	_ =	swait.ge [sflag:s29], $0x4000  }
0x70: {  	s23 =	sshll.u32 s23, $0xE;
	s31 =	simm.s32 $0x1;
	[sflag:s29] =	ssyncset.done $0x0  }
0x71: {  	s23 =	sadd.s32 $0x4000, s23;
	s26 =	sand.u32 $0x1, s31;
	[sflag:s29] =	ssyncadd.s32 $0xFFFFC000  }
0x72: {  	[spmem:s2] =	stream.indirect.scatter.add.f32 [tilespmem:s23], [sflag:$0x3], $0x80, s25, s18, $0xb8;
	[tilespmem:$0x1FC00] =	vst v63  }
0x73: {  	s24 =	simm.s32 $0x100;
	s29 =	sxor.u32 $0x1, s26;
	_ =	swait.ge [sflag:s17], $0x4000  }
0x74: {  	s23 =	simm.s32 $0x2080;
	s25 =	sshll.u32 s26, $0xE;
	[sflag:s17] =	ssyncset.done $0x0  }
.LBB2_6:
0x75: {  	s0 =	sshll.u32 s29, $0xE  }
0x76: {  	[sflag:s17] =	ssyncadd.s32 $0xFFFFC000;
	s30 =	smov.u32 s28;
	s31 =	sadd.s32 $0x1, s28  }
0x77: {  	s29 =	sadd.s32 $0x1, s29;
	s26 =	sadd.s32 $0x1, s26;
	s0 =	sadd.s32 $0x4000, s0  }
0x78: {  	[tilespmem:s0], [sflag:s29] =	stream.indirect.gather [hbm4b:s1+s18], $0x80, s24, s18, $0xb8;
	[tilespmem:$0x1FC00] =	vst v63  }
0x79: {  	p0 =	sne.s32 s28, $0xE;
	_ =	swait.ge [sflag:s26], $0x4000  }
.Ltmp2:
0x7a: {  	s28 =	smov.u32 s31;
	[sflag:s26] =	ssyncset.done $0x0;
	(pc) =	sbr.rel @p0 .LBB2_6-.Ltmp2, $4  }
0x7b: {  	s0 =	sadd.s32 $0x4000, s25;
	s24 =	sadd.s32 $0x80, s24;
	[sflag:s26] =	ssyncadd.s32 $0xFFFFC000  }
0x7c: {  	[spmem:s2] =	stream.indirect.scatter.add.f32 [tilespmem:s0], [sflag:$0x3], $0x80, s23, s18, $0xb8;
	[tilespmem:$0x1FC00] =	vst v63  }
0x7d: {  	s26 =	sand.u32 $0x1, s30;
	s23 =	sadd.s32 $0x80, s23;
	_ =	swait.ge [sflag:s17], $0x4000  }
0x7e: {  	s29 =	sxor.u32 $0x1, s26;
	s25 =	sshll.u32 s26, $0xE;
	[sflag:s17] =	ssyncset.done $0x0  }
0x7f: {  	s0 =	sshll.u32 s29, $0xE;
	[sflag:s17] =	ssyncadd.s32 $0xFFFFC000  }
0x80: {  	s28 =	sadd.s32 $0x1, s29;
	s26 =	sadd.s32 $0x1, s26;
	s0 =	sadd.s32 $0x4000, s0  }
0x81: {  	[tilespmem:s0], [sflag:s28] =	stream.indirect.gather [hbm4b:s1+s18], $0x80, s24, s18, $0xb8;
	[tilespmem:$0x1FC00] =	vst v63  }
0x82: {  	_ =	swait.ge [sflag:s26], $0x4000  }
0x83: {  	[sflag:s26] =	ssyncset.done $0x0  }
0x84: {  	s29 =	sadd.s32 $0x4000, s25;
	[sflag:s26] =	ssyncadd.s32 $0xFFFFC000  }
0x85: {  	[spmem:s2] =	stream.indirect.scatter.add.f32 [tilespmem:s29], [sflag:$0x3], $0x80, s23, s18, $0xb8;
	[tilespmem:$0x1FC00] =	vst v63  }
0x86: {  	_ =	swait.ge [sflag:s17], $0x4000  }
0x87: {  	[sflag:s17] =	ssyncset.done $0x0  }
0x88: {  	[sflag:s17] =	ssyncadd.s32 $0xFFFFC000  }
0x89: {  	_ =	swait.ge [sflag:s19], $0x4000  }
0x8a: {  	[sflag:s19] =	ssyncset.done $0x0  }
0x8b: {  	[sflag:s19] =	ssyncadd.s32 $0xFFFFC000  }
0x8c: {  	[spmem:s2] =	stream.indirect.scatter.add.f32 [tilespmem:s21], [sflag:$0x3], $0x80, s22, s18, $0xb8;
	[tilespmem:$0x1FC00] =	vst v63  }
0x8d: {  	_ =	swait.ge [sflag:s17], $0x4000  }
0x8e: {  	s30 =	sshll.u32 s3, $0x6;
	s4 =	sadd.s32 $0x1, s4;
	[sflag:s17] =	ssyncset.done $0x0  }
0x8f: {  	s31 =	sshrl.u32 s5, $0x3;
	p0 =	sne.s32 s4, s15;
	[sflag:s17] =	ssyncadd.s32 $0xFFFFC000  }
.Ltmp3:
0x90: {  	s0 =	sor.u32 $0x1C03, s30;
	[bflag:$0x0] =	sbarrier.arrive $0xFFFF;
	(pc) =	sbr.rel @p0 .LBB2_1-.Ltmp3, $4  }
0x91: {  	[hbm:s14], [sflag:s0] =	dma.local [spmem:s31], $0x2780  }
0x92: {  	_ =	swait.ge [sflag:s17], $0x2780  }
0x93: {  	[sflag:s17] =	ssyncset.done $0x0  }
0x94: {  	[sflag:s17] =	ssyncadd.s32 $0xFFFFD880  }
0x95: {  	_ =	sfence.sel $0x180000  }
0x96: {  	[bflag:$0x0] =	sbarrier.arrive $0xFFFF  }
0x97: {  	_ =	strace $0x9000004A  }
0x98: {  	[bflag:$0x2] =	sbarrier.arrive $0xFFFF  }
0x99: {  	p0 =	sne.s32 s3, $0x0;
	s0 =	rddreg [dreg:$0x3]  }
0x9a: {  	s0 =	sadd.s32 @!p0 $0x100000, s0  }
0x9b: {  	[sflag:s0] =	ssyncadd.tile.s32 @!p0 $0x1;
	_ =	shalt  }
.Lfunc_end2:
_tile_overlayer_lowered:
.L_overlay_start_2:
0x9c: {  	(tag) =	ssettag $0x2  }
0x9d: {  	s0 =	rddreg [dreg:$0x0];
	s2 =	stileid.u32  }
0x9e: {  	s1 =	rddreg [dreg:$0x1];
	p0 =	sne.s32 s2, $0x0  }
0x9f: {  	s3 =	rddreg [dreg:$0x2];
	[bflag:$0x3] =	sbarrier.arrive $0xFFFF;
	s2 =	simm.s32 @!p0 $0x1C03  }
0xa0: {  	[timem:s3], [sflag:s2] =	dma.local @!p0 [hbm:s0], s1  }
0xa1: {  	s0 =	simm.s32 @!p0 $0x3  }
0xa2: {  	_ =	swait.ge @!p0 [sflag:s0], s1  }
0xa3: {  	s1 =	ssub.s32 @!p0 $0x0, s1;
	[sflag:s0] =	ssyncset.done @!p0 $0x0  }
0xa4: {  	[sflag:s0] =	ssyncadd.s32 @!p0 s1  }
0xa5: {  	[bflag:$0x3] =	sbarrier.arrive $0xFFFF  }
0xa6: {  	_ =	shalt  }

// kernel: kernel.15.cloned.1.call-start
scs
__scs_entry_jumppad:
0x0: {  	(pc) =	sbr.rel $0x88, $3  }
0x1: {  	(tag) =	ssettag $0x0;
	lr =	simm.s32 $0x1  }
0x2: {  	[smem:$0x3F9B] =	sst lr;
	_ =	strace $0xD0000000  }
0x3: {  	_ = 	snop  }
0x4: {  	_ = 	snop  }
0x5: {  	_ = 	snop  }
0x6: {  	_ = 	snop  }
0x7: {  	_ = 	snop  }
__scs_overlays_trampoline_lowered:
0x8: {  	[smem:$0x3FAA] =	sst s0  }
0x9: {  	[smem:$0x3FAB] =	sst s1  }
0xa: {  	[smem:$0x3FAC] =	sst s2  }
0xb: {  	[smem:$0x3FAD] =	sst s3  }
0xc: {  	[smem:$0x3FAE] =	sst s4  }
0xd: {  	[smem:$0x3FAF] =	sst s5  }
0xe: {  	[smem:$0x3FB0] =	sst s6  }
0xf: {  	[smem:$0x3FB1] =	sst s7  }
0x10: {  	[smem:$0x3FB2] =	sst s8  }
0x11: {  	[smem:$0x3FB3] =	sst s9;
	s0 =	simm.s32 @!p0 $0x0  }
0x12: {  	s1 =	sld [smem:$0x3F99];
	s0 =	simm.s32 @p0 $0x1  }
0x13: {  	[smem:$0x3FB4] =	sst s0;
	s0 =	simm.s32 @!p1 $0x0  }
0x14: {  	s2 =	sld [smem:$0x3F98];
	s0 =	simm.s32 @p1 $0x1  }
0x15: {  	[smem:$0x3FB5] =	sst s0;
	s0 =	simm.s32 @!p2 $0x0  }
0x16: {  	s3 =	sld [smem:$0x3FDB];
	s0 =	simm.s32 @p2 $0x1  }
0x17: {  	s4 =	simm.s32 $0x1BF5;
	[smem:$0x3FB7] =	sst s0  }
0x18: {  	s0 =	sld [smem:$0x3F9A];
	_ =	swait.ge [sflag:s4], $0x0  }
0x19: {  	s7 =	sld [smem:$0x3F9B]  }
0x1a: {  	s8 =	sadd.s32 $0xFFFFE003, lr  }
0x1b: {  	s9 =	sadd.s32 $0xFFFFFEF7, lr;
	s5 =	simm.s32 $0xFFFFFFFF;
	p2 =	slt.u32 s8, $0xFFFFF086  }
0x1c: {  	p1 =	slt.u32 s9, $0xF7A;
	s5 =	simm.s32 @!p2 $0x0  }
0x1d: {  	s5 =	simm.s32 @p1 $0x1;
	p0 =	seq.s32 s7, s2  }
0x1e: {  	s7 =	smul.u32 @!p0 $0xF7A, s2;
	p2 =	seq.s32 @!p0 s5, $0x0  }
0x1f: {  	s9 =	smul.u32 $0xF7A, s1;
	s8 =	simm.s32 @!p0 $0x1BF5;
	p2 =	por !p2, p0  }
0x20: {  	[sflag:s8] =	ssyncset.s32 @!p0 $0xFFFFF086;
	s6 =	sadd.s32 @!p0 s3, s7;
	s7 =	simm.s32 @!p0 $0x108  }
0x21: {  	s3 =	sadd.s32 s3, s9;
	s6 =	sadd.s32 @!p0 $0x88, s6;
	s7 =	simm.s32 @p2 $0x1082  }
0x22: {  	[simem:s7], [sflag:s8] =	dma.local @!p0 [hbm:s6], $0xF7A  }
0x23: {  	s9 =	sor.u32 $0xD0000000, s2;
	s6 =	simm.s32 $0x108;
	_ =	swait.ge @!p0 [sflag:s8], $0x0  }
0x24: {  	s3 =	sadd.s32 $0x88, s3;
	s6 =	simm.s32 @!p1 $0x1082;
	[sflag:s4] =	ssyncset.s32 $0xFFFFF086  }
0x25: {  	[simem:s6], [sflag:s4] =	dma.local [hbm:s3], $0xF7A  }
0x26: {  	[smem:$0x3F9B] =	sst s1;
	(tag) =	ssettag s2;
	_ =	strace s9  }
0x27: {  	s1 =	sld [smem:$0x3FAB]  }
0x28: {  	s2 =	sld [smem:$0x3FAC]  }
0x29: {  	s4 =	sld [smem:$0x3FAE]  }
0x2a: {  	p0 =	seq.s32 s5, $0x0;
	s5 =	sld [smem:$0x3FAF]  }
0x2b: {  	s6 =	sld [smem:$0x3FB0]  }
0x2c: {  	s7 =	sld [smem:$0x3FB1]  }
0x2d: {  	s3 =	simm.s32 $0x108;
	s8 =	sld [smem:$0x3FB2]  }
0x2e: {  	s3 =	simm.s32 @!p0 $0x1082;
	s9 =	sld [smem:$0x3FB3]  }
0x2f: {  	lr =	sadd.s32 s0, s3;
	s0 =	sld [smem:$0x3FAA]  }
0x30: {  	s3 =	sld [smem:$0x3FAD]  }
0x31: {  	[smem:$0x3FB6] =	sst s10  }
0x32: {  	s10 =	sld [smem:$0x3FB4];
	_ =	sdelay $0x3  }
0x33: {  	p0 =	seq.s32 s10, $0x1;
	s10 =	sld [smem:$0x3FB6];
	_ =	sdelay $0x3  }
0x34: {  	[smem:$0x3FB6] =	sst s10  }
0x35: {  	s10 =	sld [smem:$0x3FB5];
	_ =	sdelay $0x3  }
0x36: {  	p1 =	seq.s32 s10, $0x1;
	s10 =	sld [smem:$0x3FB6];
	_ =	sdelay $0x3  }
0x37: {  	[smem:$0x3FB6] =	sst s10  }
0x38: {  	s10 =	sld [smem:$0x3FB7]  }
0x39: {  	_ = 	snop;
	(pc) =	sbr.ind lr, $3  }
0x3a: {  	_ = 	snop  }
0x3b: {  	_ = 	snop  }
0x3c: {  	p2 =	seq.s32 s10, $0x1;
	s10 =	sld [smem:$0x3FB6]  }
0x3d: {  	_ =	shalt  }
0x3e: {  	_ =	shalt  }
0x3f: {  	_ =	shalt  }
0x40: {  	_ =	shalt  }
0x41: {  	_ =	shalt  }
0x42: {  	_ =	shalt  }
0x43: {  	_ =	shalt  }
0x44: {  	_ =	shalt  }
0x45: {  	_ =	shalt  }
0x46: {  	_ =	shalt  }
0x47: {  	_ =	shalt  }
0x48: {  	_ =	shalt  }
0x49: {  	_ =	shalt  }
0x4a: {  	_ =	shalt  }
0x4b: {  	_ =	shalt  }
0x4c: {  	_ =	shalt  }
0x4d: {  	_ =	shalt  }
0x4e: {  	_ =	shalt  }
0x4f: {  	_ =	shalt  }
0x50: {  	_ =	shalt  }
0x51: {  	_ =	shalt  }
0x52: {  	_ =	shalt  }
0x53: {  	_ =	shalt  }
0x54: {  	_ =	shalt  }
0x55: {  	_ =	shalt  }
0x56: {  	_ =	shalt  }
0x57: {  	_ =	shalt  }
0x58: {  	_ =	shalt  }
0x59: {  	_ =	shalt  }
0x5a: {  	_ =	shalt  }
0x5b: {  	_ =	shalt  }
0x5c: {  	_ =	shalt  }
0x5d: {  	_ =	shalt  }
0x5e: {  	_ =	shalt  }
0x5f: {  	_ =	shalt  }
0x60: {  	_ =	shalt  }
0x61: {  	_ =	shalt  }
0x62: {  	_ =	shalt  }
0x63: {  	_ =	shalt  }
0x64: {  	_ =	shalt  }
0x65: {  	_ =	shalt  }
0x66: {  	_ =	shalt  }
0x67: {  	_ =	shalt  }
0x68: {  	_ =	shalt  }
0x69: {  	_ =	shalt  }
0x6a: {  	_ =	shalt  }
0x6b: {  	_ =	shalt  }
0x6c: {  	_ =	shalt  }
0x6d: {  	_ =	shalt  }
0x6e: {  	_ =	shalt  }
0x6f: {  	_ =	shalt  }
0x70: {  	_ =	shalt  }
0x71: {  	_ =	shalt  }
0x72: {  	_ =	shalt  }
0x73: {  	_ =	shalt  }
0x74: {  	_ =	shalt  }
0x75: {  	_ =	shalt  }
0x76: {  	_ =	shalt  }
0x77: {  	_ =	shalt  }
0x78: {  	_ =	shalt  }
0x79: {  	_ =	shalt  }
0x7a: {  	_ =	shalt  }
0x7b: {  	_ =	shalt  }
0x7c: {  	_ =	shalt  }
0x7d: {  	_ =	shalt  }
0x7e: {  	_ =	shalt  }
0x7f: {  	_ =	shalt  }
0x80: {  	_ =	shalt  }
0x81: {  	_ =	shalt  }
0x82: {  	_ =	shalt  }
0x83: {  	_ =	shalt  }
0x84: {  	_ =	shalt  }
0x85: {  	_ =	shalt  }
0x86: {  	_ =	shalt  }
0x87: {  	_ =	shalt  }
.Lfunc_end0:
.L_simem_size_0:
called_computation.2_lowered:
.L_overlay_start_0:
0x88: {  	s2 =	sld [smem:$0x3FD9]  }
0x89: {  	s3 =	sld [smem:$0x3FFE];
	_ =	sdelay $0x1  }
0x8a: {  	s1 =	srdreg.scid  }
0x8b: {  	s0 =	sand.u32 $0x1, s1  }
0x8c: {  	s17 =	sshll.u32 s0, $0xA;
	s2 =	sadd.s32 s3, s2  }
0x8d: {  	s2 =	sadd.s32 s2, s17  }
0x8e: {  	[smem:$0x3FC2] =	sst s2  }
0x8f: {  	_ = 	snop  }
0x90: {  	s2 =	sld [smem:$0x3FD0];
	(tm) =	ssettm $0x1  }
0x91: {  	s18 =	sld [smem:$0x3FFB];
	_ =	sdelay $0x3  }
0x92: {  	_ =	strace s18  }
0x93: {  	s3 =	sld [smem:$0x3FFC];
	_ =	sdelay $0x3  }
0x94: {  	_ =	strace s3  }
0x95: {  	s3 =	sld [smem:$0x3FFD];
	_ =	sdelay $0x3  }
0x96: {  	_ =	strace s3  }
0x97: {  	_ =	strace $0x8FFFFFFF  }
0x98: {  	s19 =	sld [smem:$0x3FDB];
	_ =	sdelay $0x1  }
0x99: {  	s4 =	simm.s32 $_scs_section_size  }
0x9a: {  	s5 =	simm.s32 $_size__tile_overlayer_lowered;
	s6 =	simm.s32 $_tile_overlayer_lowered  }
0x9b: {  	s22 =	simm.s32 $0x1BFF;
	s21 =	sshll.u32 s6, $0x1;
	s3 =	sadd.s32 s4, s19  }
0x9c: {  	s7 =	simm.s32 $0x0;
	s20 =	sshll.u32 s5, $0x1;
	s5 =	sadd.s32 s21, s3  }
0x9d: {  	[timem:s7], [sflag:s22] =	dma.local [hbm:s5], s20  }
0x9e: {  	_ =	swait.ge [sflag:s22], s20  }
0x9f: {  	s4 =	ssub.s32 $0x0, s20;
	[sflag:s22] =	ssyncset.done $0x0  }
0xa0: {  	[sflag:s22] =	ssyncadd.s32 s4;
	_ =	sdelay $0x1  }
0xa1: {  	s23 =	simm.s32 $0x1B8B  }
0xa2: {  	_ =	swait.ge [sflag:s23], $0x1  }
0xa3: {  	[sflag:s23] =	ssyncset.done $0x0  }
0xa4: {  	s25 =	simm.s32 $0x1B8E;
	s24 =	sld [smem:$0x3FFE];
	[sflag:s23] =	ssyncadd.s32 $0xFFFFFFFF  }
0xa5: {  	s26 =	simm.s32 $execute0_lowered;
	[smem:$0x3FD2] =	sst s25  }
0xa6: {  	s5 =	sshll.u32 s26, $0x1;
	_ =	strace $0x8000004C;
	[dreg:$0x1] =	wrdreg $0xFFFFFFFF  }
0xa7: {  	s28 =	simm.s32 $_size_execute0_lowered;
	s3 =	sadd.s32 s3, s5;
	[dreg:$0x0] =	wrdreg $0x0  }
0xa8: {  	s5 =	sshll.u32 s28, $0x1;
	[dreg:$0x2] =	wrdreg s3  }
0xa9: {  	[dreg:$0x3] =	wrdreg s5  }
0xaa: {  	[dreg:$0x4] =	wrdreg $0xC0  }
0xab: {  	_ =	task [dreg:s7], $0x5FFFF  }
0xac: {  	[dreg:$0x1] =	wrdreg $0xFFFFFFFF  }
0xad: {  	[dreg:$0x0] =	wrdreg $0x60  }
0xae: {  	[dreg:$0x2] =	wrdreg s2  }
0xaf: {  	[dreg:$0x3] =	wrdreg s24  }
0xb0: {  	[dreg:$0x4] =	wrdreg $0xC0000  }
0xb1: {  	[dreg:$0x5] =	wrdreg $0x9  }
0xb2: {  	_ =	task.clear_ibuf [dreg:s7], $0x6FFFF;
	_ =	strace $0x9000004C  }
0xb3: {  	s29 =	simm.s32 $0x9;
	_ =	strace $0x8000004E  }
0xb4: {  	_ =	swait.ge [sflag:s29], $0x1  }
0xb5: {  	[sflag:s29] =	ssyncadd.s32 $0xFFFFFFFF  }
0xb6: {  	_ =	strace $0x9000004E  }
0xb7: {  	_ =	sfence  }
0xb8: {  	s30 =	sld [smem:$0x0];
	_ =	sdelay $0x2  }
0xb9: {  	s31 =	sshll.u32 s1, $0xD;
	s1 =	sshrl.u32 s1, $0x2  }
0xba: {  	s3 =	sand.u32 $0x4000, s31;
	s1 =	sadd.s32 s1, s30  }
0xbb: {  	s0 =	sor.u32 s3, s0;
	s1 =	sshll.u32 s1, $0x11  }
0xbc: {  	s0 =	sor.u32 s1, s0  }
0xbd: {  	s0 =	sadd.s32 $0x8F2B, s0  }
0xbe: {  	[sflag:s0] =	ssyncadd.remote.s32 $0x1  }
0xbf: {  	_ =	sfence.sel $0xFFFF  }
0xc0: {  	[dreg:$0x0] =	wrdreg $0xFFFFFFFF;
	(pc) =	sbr.abs _section_cstart, $3  }
0xc1: {  	[dreg:$0x1] =	wrdreg $0xFFFFFFFF  }
0xc2: {  	_ =	task.clear_ibuf [dreg:s7], $0x2FFFF;
	_ =	strace $0x9FFFFFFF  }
0xc3: {  	(tm) =	ssettm $0x7FFFFFFF  }
tec
execute0_lowered:
.L_overlay_start_1:
0x0: {  	(tag) =	ssettag $0x1  }
0x1: {  	s1 =	rddreg [dreg:$0x0]  }
0x2: {  	s5 =	rddreg [dreg:$0x1]  }
0x3: {  	s2 =	rddreg [dreg:$0x2];
	s3 =	srdreg.scid;
	s4 =	simm.s32 $0x0  }
0x4: {  	s17 =	simm.s32 $0x3;
	s18 =	simm.s32 $0x80;
	s6 =	sand.u32 $0x1, s3  }
0x5: {  	s19 =	simm.s32 $0x2;
	s3 =	stileid.u32;
	s7 =	smul.u32 $0x13C000, s6  }
0x6: {  	s20 =	simm.s32 $0x3F80;
	s21 =	simm.s32 $0x8000;
	s8 =	smul.u32 $0x13C00, s3  }
0x7: {  	s22 =	simm.s32 $0x2780;
	[smem:$0x7FF] =	sst s4;
	s30 =	smul.u32 $0x4F000, s3  }
0x8: {  	s12 =	sadd.s32 $0xCA00, s5;
	s13 =	sadd.s32 $0x2A00, s5;
	s9 =	smul.u32 $0x5000, s3  }
0x9: {  	_ =	strace $0x8000004D;
	s10 =	ssub.s32 $0x2, s6;
	s11 =	smul.u32 $0x2800, s6  }
0xa: {  	s31 =	sshrl.u32 s10, $0x1;
	s7 =	sadd.s32 s8, s7;
	s8 =	sshrl.u32 s30, $0x2  }
0xb: {  	s15 =	ssub.s32 s10, s31;
	s9 =	sadd.s32 s11, s9;
	s7 =	sshrl.u32 s7, $0x3  }
0xc: {  	s11 =	sshrl.u32 s9, $0x3;
	s15 =	smax.u32 s15, $0x1;
	s14 =	sadd.s32 s7, s5  }
0xd: {  	s5 =	sadd.s32 s8, s2;
	s10 =	sadd.s32 s12, s11;
	s16 =	sadd.s32 $0x400, s11  }
0xe: {  	s11 =	sadd.s32 s13, s11;
	s6 =	sadd.s32 $0x4000, s5;
	s7 =	sadd.s32 $0x8000, s5  }
0xf: {  	s8 =	sadd.s32 $0xC000, s5;
	s9 =	sadd.s32 $0x10000, s5;
	s12 =	sadd.s32 s12, s16  }
0x10: {  	v0 =	vimm.f32 $0.0e+00;
	s13 =	sadd.s32 s13, s16;
	s14 =	sadd.s32 $0x16A00, s14;
	s16 =	simm.s32 $0x4000  }
.LBB2_1:
0x11: {  	s23 =	simm.s32 $0x0;
	s24 =	simm.s32 $0x200  }
.LBB2_2:
0x12: {  	p0 =	sne.s32 s24, $0xFE00;
	[tilespmem:s23+$0x4070] =	vst v0  }
0x13: {  	[tilespmem:s23+$0x4000] =	vst v0  }
0x14: {  	[tilespmem:s23+$0x4010] =	vst v0  }
.Ltmp0:
0x15: {  	[tilespmem:s23+$0x4020] =	vst v0;
	(pc) =	sbr.rel @p0 .LBB2_2-.Ltmp0, $4  }
0x16: {  	[tilespmem:s23+$0x4030] =	vst v0  }
0x17: {  	[tilespmem:s23+$0x4040] =	vst v0  }
0x18: {  	[tilespmem:s23+$0x4050] =	vst v0  }
0x19: {  	[tilespmem:s23+$0x4060] =	vst v0;
	s23 =	sshra.s32 s24, $0x2;
	s24 =	sadd.s32 $0x200, s24  }
0x1a: {  	[tilespmem:s23+$0x4070] =	vst v0  }
0x1b: {  	[tilespmem:s23+$0x4000] =	vst v0  }
0x1c: {  	[tilespmem:s23+$0x4010] =	vst v0  }
0x1d: {  	[tilespmem:s23+$0x4020] =	vst v0  }
0x1e: {  	[tilespmem:s23+$0x4030] =	vst v0  }
0x1f: {  	[tilespmem:s23+$0x4040] =	vst v0  }
0x20: {  	[tilespmem:s23+$0x4050] =	vst v0  }
0x21: {  	[tilespmem:s23+$0x4060] =	vst v0  }
0x22: {  	[spmem:s5] =	stream.linear.scatter [tilespmem:s16], [sflag:$0x3], $0x4000, $0x38;
	[tilespmem:$0x1FC00] =	vst v63  }
0x23: {  	_ =	swait.ge [sflag:s17], $0x4000  }
0x24: {  	[sflag:s17] =	ssyncset.done $0x0  }
0x25: {  	[sflag:s17] =	ssyncadd.s32 $0xFFFFC000  }
0x26: {  	[spmem:s6] =	stream.linear.scatter [tilespmem:s16], [sflag:$0x3], $0x4000, $0x38;
	[tilespmem:$0x1FC00] =	vst v63  }
0x27: {  	_ =	swait.ge [sflag:s17], $0x4000  }
0x28: {  	[sflag:s17] =	ssyncset.done $0x0  }
0x29: {  	[sflag:s17] =	ssyncadd.s32 $0xFFFFC000  }
0x2a: {  	[spmem:s7] =	stream.linear.scatter [tilespmem:s16], [sflag:$0x3], $0x4000, $0x38;
	[tilespmem:$0x1FC00] =	vst v63  }
0x2b: {  	_ =	swait.ge [sflag:s17], $0x4000  }
0x2c: {  	[sflag:s17] =	ssyncset.done $0x0  }
0x2d: {  	[sflag:s17] =	ssyncadd.s32 $0xFFFFC000  }
0x2e: {  	[spmem:s8] =	stream.linear.scatter [tilespmem:s16], [sflag:$0x3], $0x4000, $0x38;
	[tilespmem:$0x1FC00] =	vst v63  }
0x2f: {  	_ =	swait.ge [sflag:s17], $0x4000  }
0x30: {  	[sflag:s17] =	ssyncset.done $0x0  }
0x31: {  	[sflag:s17] =	ssyncadd.s32 $0xFFFFC000  }
0x32: {  	[spmem:s9] =	stream.linear.scatter [tilespmem:s16], [sflag:$0x3], $0x3C00, $0x38;
	[tilespmem:$0x1FC00] =	vst v63  }
0x33: {  	_ =	swait.ge [sflag:s17], $0x3C00  }
0x34: {  	[sflag:s17] =	ssyncset.done $0x0  }
0x35: {  	[sflag:s17] =	ssyncadd.s32 $0xFFFFC400  }
0x36: {  	s30 =	simm.s32 $0x0;
	[bflag:$0x0] =	sbarrier.arrive $0xFFFF  }
0x37: {  	[tilespmem:s30], [sflag:$0x3] =	stream.linear.gather [hbm4b:s10+s30], $0x2000, $0x38;
	[tilespmem:$0x1FC00] =	vst v63  }
0x38: {  	_ =	swait.ge [sflag:s17], $0x2000  }
0x39: {  	[sflag:s17] =	ssyncset.done $0x0  }
0x3a: {  	s25 =	simm.s32 $0x2000;
	[sflag:s17] =	ssyncadd.s32 $0xFFFFE000  }
0x3b: {  	[tilespmem:s25], [sflag:$0x3] =	stream.linear.gather [hbm4b:s11+s30], $0x2000, $0x38;
	[tilespmem:$0x1FC00] =	vst v63  }
0x3c: {  	s23 =	sand.u32 $0x1, s30;
	_ =	swait.ge [sflag:s17], $0x2000  }
0x3d: {  	s26 =	sxor.u32 $0x1, s23;
	[sflag:s17] =	ssyncset.done $0x0  }
0x3e: {  	s24 =	simm.s32 $0x80;
	s28 =	sshll.u32 s26, $0xE;
	[sflag:s17] =	ssyncadd.s32 $0xFFFFE000  }
0x3f: {  	[tilespmem:s16], [sflag:$0x1] =	stream.indirect.gather [hbm4b:s1+s24], $0x80, s30, s24, $0xb8;
	[tilespmem:$0x1FC00] =	vst v63  }
0x40: {  	s29 =	sadd.s32 $0x1, s23;
	s26 =	sadd.s32 $0x1, s26;
	s28 =	sadd.s32 $0x4000, s28  }
0x41: {  	[tilespmem:s28], [sflag:s26] =	stream.indirect.gather [hbm4b:s1+s18], $0x80, s24, s18, $0xb8;
	[tilespmem:$0x1FC00] =	vst v63  }
0x42: {  	s23 =	sshll.u32 s23, $0xE;
	_ =	swait.ge [sflag:s29], $0x4000  }
0x43: {  	s31 =	simm.s32 $0x1;
	s23 =	sadd.s32 $0x4000, s23;
	[sflag:s29] =	ssyncset.done $0x0  }
0x44: {  	s28 =	simm.s32 $0x2;
	s26 =	sand.u32 $0x1, s31;
	[sflag:s29] =	ssyncadd.s32 $0xFFFFC000  }
0x45: {  	[spmem:s2] =	stream.indirect.scatter.add.f32 [tilespmem:s23], [sflag:$0x3], $0x80, s25, s18, $0xb8;
	[tilespmem:$0x1FC00] =	vst v63  }
0x46: {  	s24 =	simm.s32 $0x100;
	s29 =	sxor.u32 $0x1, s26;
	_ =	swait.ge [sflag:s17], $0x4000  }
0x47: {  	s23 =	simm.s32 $0x2080;
	s25 =	sshll.u32 s26, $0xE;
	[sflag:s17] =	ssyncset.done $0x0  }
.LBB2_4:
0x48: {  	s30 =	sshll.u32 s29, $0xE  }
0x49: {  	[sflag:s17] =	ssyncadd.s32 $0xFFFFC000;
	s31 =	smov.u32 s28;
	s0 =	sadd.s32 $0x1, s28  }
0x4a: {  	s29 =	sadd.s32 $0x1, s29;
	s26 =	sadd.s32 $0x1, s26;
	s30 =	sadd.s32 $0x4000, s30  }
0x4b: {  	[tilespmem:s30], [sflag:s29] =	stream.indirect.gather [hbm4b:s1+s18], $0x80, s24, s18, $0xb8;
	[tilespmem:$0x1FC00] =	vst v63  }
0x4c: {  	p0 =	sne.s32 s28, $0x3E;
	_ =	swait.ge [sflag:s26], $0x4000  }
.Ltmp1:
0x4d: {  	s25 =	sadd.s32 $0x4000, s25;
	[sflag:s26] =	ssyncset.done $0x0;
	(pc) =	sbr.rel @p0 .LBB2_4-.Ltmp1, $4  }
0x4e: {  	s28 =	smov.u32 s0;
	s24 =	sadd.s32 $0x80, s24;
	[sflag:s26] =	ssyncadd.s32 $0xFFFFC000  }
0x4f: {  	[spmem:s2] =	stream.indirect.scatter.add.f32 [tilespmem:s25], [sflag:$0x3], $0x80, s23, s18, $0xb8;
	[tilespmem:$0x1FC00] =	vst v63  }
0x50: {  	s26 =	sand.u32 $0x1, s31;
	s23 =	sadd.s32 $0x80, s23;
	_ =	swait.ge [sflag:s17], $0x4000  }
0x51: {  	s29 =	sxor.u32 $0x1, s26;
	s25 =	sshll.u32 s26, $0xE;
	[sflag:s17] =	ssyncset.done $0x0  }
0x52: {  	s0 =	sshll.u32 s29, $0xE;
	[sflag:s17] =	ssyncadd.s32 $0xFFFFC000  }
0x53: {  	s28 =	sadd.s32 $0x1, s29;
	s26 =	sadd.s32 $0x1, s26;
	s0 =	sadd.s32 $0x4000, s0  }
0x54: {  	[tilespmem:s0], [sflag:s28] =	stream.indirect.gather [hbm4b:s1+s18], $0x80, s24, s18, $0xb8;
	[tilespmem:$0x1FC00] =	vst v63  }
0x55: {  	_ =	swait.ge [sflag:s26], $0x4000  }
0x56: {  	[sflag:s26] =	ssyncset.done $0x0  }
0x57: {  	s25 =	sadd.s32 $0x4000, s25;
	[sflag:s26] =	ssyncadd.s32 $0xFFFFC000  }
0x58: {  	[spmem:s2] =	stream.indirect.scatter.add.f32 [tilespmem:s25], [sflag:$0x3], $0x80, s23, s18, $0xb8;
	[tilespmem:$0x1FC00] =	vst v63  }
0x59: {  	_ =	swait.ge [sflag:s17], $0x4000  }
0x5a: {  	[sflag:s17] =	ssyncset.done $0x0  }
0x5b: {  	[sflag:s17] =	ssyncadd.s32 $0xFFFFC000  }
0x5c: {  	_ =	swait.ge [sflag:s19], $0x4000  }
0x5d: {  	[sflag:s19] =	ssyncset.done $0x0  }
0x5e: {  	s0 =	simm.s32 $0x80;
	[sflag:s19] =	ssyncadd.s32 $0xFFFFC000  }
0x5f: {  	[spmem:s2] =	stream.indirect.scatter.add.f32 [tilespmem:s21], [sflag:$0x3], $0x80, s20, s0, $0xb8;
	[tilespmem:$0x1FC00] =	vst v63  }
0x60: {  	_ =	swait.ge [sflag:s17], $0x4000  }
0x61: {  	[sflag:s17] =	ssyncset.done $0x0  }
0x62: {  	s30 =	simm.s32 $0x0;
	[sflag:s17] =	ssyncadd.s32 $0xFFFFC000  }
0x63: {  	[tilespmem:s30], [sflag:$0x3] =	stream.linear.gather [hbm4b:s12+s30], $0x800, $0x38;
	[tilespmem:$0x1FC00] =	vst v63  }
0x64: {  	_ =	swait.ge [sflag:s17], $0x800  }
0x65: {  	[sflag:s17] =	ssyncset.done $0x0  }
0x66: {  	s25 =	simm.s32 $0x2000;
	[sflag:s17] =	ssyncadd.s32 $0xFFFFF800  }
0x67: {  	[tilespmem:s25], [sflag:$0x3] =	stream.linear.gather [hbm4b:s13+s30], $0x800, $0x38;
	[tilespmem:$0x1FC00] =	vst v63  }
0x68: {  	_ =	swait.ge [sflag:s17], $0x800  }
0x69: {  	s23 =	sand.u32 $0x1, s30;
	[sflag:s17] =	ssyncset.done $0x0  }
0x6a: {  	s31 =	sxor.u32 $0x1, s23;
	[sflag:s17] =	ssyncadd.s32 $0xFFFFF800  }
0x6b: {  	[tilespmem:s16], [sflag:$0x1] =	stream.indirect.gather [hbm4b:s1+s0], $0x80, s30, s0, $0xb8;
	[tilespmem:$0x1FC00] =	vst v63  }
0x6c: {  	s30 =	sshll.u32 s31, $0xE  }
0x6d: {  	s29 =	sadd.s32 $0x1, s23;
	s24 =	sadd.s32 $0x1, s31;
	s26 =	sadd.s32 $0x4000, s30  }
0x6e: {  	[tilespmem:s26], [sflag:s24] =	stream.indirect.gather [hbm4b:s1+s18], $0x80, s0, s18, $0xb8;
	[tilespmem:$0x1FC00] =	vst v63  }
0x6f: {  	s28 =	simm.s32 $0x2;
	_ =	swait.ge [sflag:s29], $0x4000  }
0x70: {  	s23 =	sshll.u32 s23, $0xE;
	s31 =	simm.s32 $0x1;
	[sflag:s29] =	ssyncset.done $0x0  }
0x71: {  	s23 =	sadd.s32 $0x4000, s23;
	s26 =	sand.u32 $0x1, s31;
	[sflag:s29] =	ssyncadd.s32 $0xFFFFC000  }
0x72: {  	[spmem:s2] =	stream.indirect.scatter.add.f32 [tilespmem:s23], [sflag:$0x3], $0x80, s25, s18, $0xb8;
	[tilespmem:$0x1FC00] =	vst v63  }
0x73: {  	s24 =	simm.s32 $0x100;
	s29 =	sxor.u32 $0x1, s26;
	_ =	swait.ge [sflag:s17], $0x4000  }
0x74: {  	s23 =	simm.s32 $0x2080;
	s25 =	sshll.u32 s26, $0xE;
	[sflag:s17] =	ssyncset.done $0x0  }
.LBB2_6:
0x75: {  	s0 =	sshll.u32 s29, $0xE  }
0x76: {  	[sflag:s17] =	ssyncadd.s32 $0xFFFFC000;
	s30 =	smov.u32 s28;
	s31 =	sadd.s32 $0x1, s28  }
0x77: {  	s29 =	sadd.s32 $0x1, s29;
	s26 =	sadd.s32 $0x1, s26;
	s0 =	sadd.s32 $0x4000, s0  }
0x78: {  	[tilespmem:s0], [sflag:s29] =	stream.indirect.gather [hbm4b:s1+s18], $0x80, s24, s18, $0xb8;
	[tilespmem:$0x1FC00] =	vst v63  }
0x79: {  	p0 =	sne.s32 s28, $0xE;
	_ =	swait.ge [sflag:s26], $0x4000  }
.Ltmp2:
0x7a: {  	s28 =	smov.u32 s31;
	[sflag:s26] =	ssyncset.done $0x0;
	(pc) =	sbr.rel @p0 .LBB2_6-.Ltmp2, $4  }
0x7b: {  	s0 =	sadd.s32 $0x4000, s25;
	s24 =	sadd.s32 $0x80, s24;
	[sflag:s26] =	ssyncadd.s32 $0xFFFFC000  }
0x7c: {  	[spmem:s2] =	stream.indirect.scatter.add.f32 [tilespmem:s0], [sflag:$0x3], $0x80, s23, s18, $0xb8;
	[tilespmem:$0x1FC00] =	vst v63  }
0x7d: {  	s26 =	sand.u32 $0x1, s30;
	s23 =	sadd.s32 $0x80, s23;
	_ =	swait.ge [sflag:s17], $0x4000  }
0x7e: {  	s29 =	sxor.u32 $0x1, s26;
	s25 =	sshll.u32 s26, $0xE;
	[sflag:s17] =	ssyncset.done $0x0  }
0x7f: {  	s0 =	sshll.u32 s29, $0xE;
	[sflag:s17] =	ssyncadd.s32 $0xFFFFC000  }
0x80: {  	s28 =	sadd.s32 $0x1, s29;
	s26 =	sadd.s32 $0x1, s26;
	s0 =	sadd.s32 $0x4000, s0  }
0x81: {  	[tilespmem:s0], [sflag:s28] =	stream.indirect.gather [hbm4b:s1+s18], $0x80, s24, s18, $0xb8;
	[tilespmem:$0x1FC00] =	vst v63  }
0x82: {  	_ =	swait.ge [sflag:s26], $0x4000  }
0x83: {  	[sflag:s26] =	ssyncset.done $0x0  }
0x84: {  	s29 =	sadd.s32 $0x4000, s25;
	[sflag:s26] =	ssyncadd.s32 $0xFFFFC000  }
0x85: {  	[spmem:s2] =	stream.indirect.scatter.add.f32 [tilespmem:s29], [sflag:$0x3], $0x80, s23, s18, $0xb8;
	[tilespmem:$0x1FC00] =	vst v63  }
0x86: {  	_ =	swait.ge [sflag:s17], $0x4000  }
0x87: {  	[sflag:s17] =	ssyncset.done $0x0  }
0x88: {  	[sflag:s17] =	ssyncadd.s32 $0xFFFFC000  }
0x89: {  	_ =	swait.ge [sflag:s19], $0x4000  }
0x8a: {  	[sflag:s19] =	ssyncset.done $0x0  }
0x8b: {  	[sflag:s19] =	ssyncadd.s32 $0xFFFFC000  }
0x8c: {  	[spmem:s2] =	stream.indirect.scatter.add.f32 [tilespmem:s21], [sflag:$0x3], $0x80, s22, s18, $0xb8;
	[tilespmem:$0x1FC00] =	vst v63  }
0x8d: {  	_ =	swait.ge [sflag:s17], $0x4000  }
0x8e: {  	s30 =	sshll.u32 s3, $0x6;
	s4 =	sadd.s32 $0x1, s4;
	[sflag:s17] =	ssyncset.done $0x0  }
0x8f: {  	s31 =	sshrl.u32 s5, $0x3;
	p0 =	sne.s32 s4, s15;
	[sflag:s17] =	ssyncadd.s32 $0xFFFFC000  }
.Ltmp3:
0x90: {  	s0 =	sor.u32 $0x1C03, s30;
	[bflag:$0x0] =	sbarrier.arrive $0xFFFF;
	(pc) =	sbr.rel @p0 .LBB2_1-.Ltmp3, $4  }
0x91: {  	[hbm:s14], [sflag:s0] =	dma.local [spmem:s31], $0x2780  }
0x92: {  	_ =	swait.ge [sflag:s17], $0x2780  }
0x93: {  	[sflag:s17] =	ssyncset.done $0x0  }
0x94: {  	[sflag:s17] =	ssyncadd.s32 $0xFFFFD880  }
0x95: {  	_ =	sfence.sel $0x180000  }
0x96: {  	[bflag:$0x0] =	sbarrier.arrive $0xFFFF  }
0x97: {  	_ =	strace $0x9000004D  }
0x98: {  	[bflag:$0x2] =	sbarrier.arrive $0xFFFF  }
0x99: {  	p0 =	sne.s32 s3, $0x0;
	s0 =	rddreg [dreg:$0x3]  }
0x9a: {  	s0 =	sadd.s32 @!p0 $0x100000, s0  }
0x9b: {  	[sflag:s0] =	ssyncadd.tile.s32 @!p0 $0x1;
	_ =	shalt  }
.Lfunc_end2:
_tile_overlayer_lowered:
.L_overlay_start_2:
0x9c: {  	(tag) =	ssettag $0x2  }
0x9d: {  	s0 =	rddreg [dreg:$0x0];
	s2 =	stileid.u32  }
0x9e: {  	s1 =	rddreg [dreg:$0x1];
	p0 =	sne.s32 s2, $0x0  }
0x9f: {  	s3 =	rddreg [dreg:$0x2];
	[bflag:$0x3] =	sbarrier.arrive $0xFFFF;
	s2 =	simm.s32 @!p0 $0x1C03  }
0xa0: {  	[timem:s3], [sflag:s2] =	dma.local @!p0 [hbm:s0], s1  }
0xa1: {  	s0 =	simm.s32 @!p0 $0x3  }
0xa2: {  	_ =	swait.ge @!p0 [sflag:s0], s1  }
0xa3: {  	s1 =	ssub.s32 @!p0 $0x0, s1;
	[sflag:s0] =	ssyncset.done @!p0 $0x0  }
0xa4: {  	[sflag:s0] =	ssyncadd.s32 @!p0 s1  }
0xa5: {  	[bflag:$0x3] =	sbarrier.arrive $0xFFFF  }
0xa6: {  	_ =	shalt  }

// kernel: kernel.9.cloned.1.call-start
scs
__scs_entry_jumppad:
0x0: {  	(pc) =	sbr.rel $0x88, $3  }
0x1: {  	(tag) =	ssettag $0x0;
	lr =	simm.s32 $0x1  }
0x2: {  	[smem:$0x3F9B] =	sst lr;
	_ =	strace $0xD0000000  }
0x3: {  	_ = 	snop  }
0x4: {  	_ = 	snop  }
0x5: {  	_ = 	snop  }
0x6: {  	_ = 	snop  }
0x7: {  	_ = 	snop  }
__scs_overlays_trampoline_lowered:
0x8: {  	[smem:$0x3FAA] =	sst s0  }
0x9: {  	[smem:$0x3FAB] =	sst s1  }
0xa: {  	[smem:$0x3FAC] =	sst s2  }
0xb: {  	[smem:$0x3FAD] =	sst s3  }
0xc: {  	[smem:$0x3FAE] =	sst s4  }
0xd: {  	[smem:$0x3FAF] =	sst s5  }
0xe: {  	[smem:$0x3FB0] =	sst s6  }
0xf: {  	[smem:$0x3FB1] =	sst s7  }
0x10: {  	[smem:$0x3FB2] =	sst s8  }
0x11: {  	[smem:$0x3FB3] =	sst s9;
	s0 =	simm.s32 @!p0 $0x0  }
0x12: {  	s1 =	sld [smem:$0x3F99];
	s0 =	simm.s32 @p0 $0x1  }
0x13: {  	[smem:$0x3FB4] =	sst s0;
	s0 =	simm.s32 @!p1 $0x0  }
0x14: {  	s2 =	sld [smem:$0x3F98];
	s0 =	simm.s32 @p1 $0x1  }
0x15: {  	[smem:$0x3FB5] =	sst s0;
	s0 =	simm.s32 @!p2 $0x0  }
0x16: {  	s3 =	sld [smem:$0x3FDB];
	s0 =	simm.s32 @p2 $0x1  }
0x17: {  	s4 =	simm.s32 $0x1BF5;
	[smem:$0x3FB7] =	sst s0  }
0x18: {  	s0 =	sld [smem:$0x3F9A];
	_ =	swait.ge [sflag:s4], $0x0  }
0x19: {  	s7 =	sld [smem:$0x3F9B]  }
0x1a: {  	s8 =	sadd.s32 $0xFFFFE003, lr  }
0x1b: {  	s9 =	sadd.s32 $0xFFFFFEF7, lr;
	s5 =	simm.s32 $0xFFFFFFFF;
	p2 =	slt.u32 s8, $0xFFFFF086  }
0x1c: {  	p1 =	slt.u32 s9, $0xF7A;
	s5 =	simm.s32 @!p2 $0x0  }
0x1d: {  	s5 =	simm.s32 @p1 $0x1;
	p0 =	seq.s32 s7, s2  }
0x1e: {  	s7 =	smul.u32 @!p0 $0xF7A, s2;
	p2 =	seq.s32 @!p0 s5, $0x0  }
0x1f: {  	s9 =	smul.u32 $0xF7A, s1;
	s8 =	simm.s32 @!p0 $0x1BF5;
	p2 =	por !p2, p0  }
0x20: {  	[sflag:s8] =	ssyncset.s32 @!p0 $0xFFFFF086;
	s6 =	sadd.s32 @!p0 s3, s7;
	s7 =	simm.s32 @!p0 $0x108  }
0x21: {  	s3 =	sadd.s32 s3, s9;
	s6 =	sadd.s32 @!p0 $0x88, s6;
	s7 =	simm.s32 @p2 $0x1082  }
0x22: {  	[simem:s7], [sflag:s8] =	dma.local @!p0 [hbm:s6], $0xF7A  }
0x23: {  	s9 =	sor.u32 $0xD0000000, s2;
	s6 =	simm.s32 $0x108;
	_ =	swait.ge @!p0 [sflag:s8], $0x0  }
0x24: {  	s3 =	sadd.s32 $0x88, s3;
	s6 =	simm.s32 @!p1 $0x1082;
	[sflag:s4] =	ssyncset.s32 $0xFFFFF086  }
0x25: {  	[simem:s6], [sflag:s4] =	dma.local [hbm:s3], $0xF7A  }
0x26: {  	[smem:$0x3F9B] =	sst s1;
	(tag) =	ssettag s2;
	_ =	strace s9  }
0x27: {  	s1 =	sld [smem:$0x3FAB]  }
0x28: {  	s2 =	sld [smem:$0x3FAC]  }
0x29: {  	s4 =	sld [smem:$0x3FAE]  }
0x2a: {  	p0 =	seq.s32 s5, $0x0;
	s5 =	sld [smem:$0x3FAF]  }
0x2b: {  	s6 =	sld [smem:$0x3FB0]  }
0x2c: {  	s7 =	sld [smem:$0x3FB1]  }
0x2d: {  	s3 =	simm.s32 $0x108;
	s8 =	sld [smem:$0x3FB2]  }
0x2e: {  	s3 =	simm.s32 @!p0 $0x1082;
	s9 =	sld [smem:$0x3FB3]  }
0x2f: {  	lr =	sadd.s32 s0, s3;
	s0 =	sld [smem:$0x3FAA]  }
0x30: {  	s3 =	sld [smem:$0x3FAD]  }
0x31: {  	[smem:$0x3FB6] =	sst s10  }
0x32: {  	s10 =	sld [smem:$0x3FB4];
	_ =	sdelay $0x3  }
0x33: {  	p0 =	seq.s32 s10, $0x1;
	s10 =	sld [smem:$0x3FB6];
	_ =	sdelay $0x3  }
0x34: {  	[smem:$0x3FB6] =	sst s10  }
0x35: {  	s10 =	sld [smem:$0x3FB5];
	_ =	sdelay $0x3  }
0x36: {  	p1 =	seq.s32 s10, $0x1;
	s10 =	sld [smem:$0x3FB6];
	_ =	sdelay $0x3  }
0x37: {  	[smem:$0x3FB6] =	sst s10  }
0x38: {  	s10 =	sld [smem:$0x3FB7]  }
0x39: {  	_ = 	snop;
	(pc) =	sbr.ind lr, $3  }
0x3a: {  	_ = 	snop  }
0x3b: {  	_ = 	snop  }
0x3c: {  	p2 =	seq.s32 s10, $0x1;
	s10 =	sld [smem:$0x3FB6]  }
0x3d: {  	_ =	shalt  }
0x3e: {  	_ =	shalt  }
0x3f: {  	_ =	shalt  }
0x40: {  	_ =	shalt  }
0x41: {  	_ =	shalt  }
0x42: {  	_ =	shalt  }
0x43: {  	_ =	shalt  }
0x44: {  	_ =	shalt  }
0x45: {  	_ =	shalt  }
0x46: {  	_ =	shalt  }
0x47: {  	_ =	shalt  }
0x48: {  	_ =	shalt  }
0x49: {  	_ =	shalt  }
0x4a: {  	_ =	shalt  }
0x4b: {  	_ =	shalt  }
0x4c: {  	_ =	shalt  }
0x4d: {  	_ =	shalt  }
0x4e: {  	_ =	shalt  }
0x4f: {  	_ =	shalt  }
0x50: {  	_ =	shalt  }
0x51: {  	_ =	shalt  }
0x52: {  	_ =	shalt  }
0x53: {  	_ =	shalt  }
0x54: {  	_ =	shalt  }
0x55: {  	_ =	shalt  }
0x56: {  	_ =	shalt  }
0x57: {  	_ =	shalt  }
0x58: {  	_ =	shalt  }
0x59: {  	_ =	shalt  }
0x5a: {  	_ =	shalt  }
0x5b: {  	_ =	shalt  }
0x5c: {  	_ =	shalt  }
0x5d: {  	_ =	shalt  }
0x5e: {  	_ =	shalt  }
0x5f: {  	_ =	shalt  }
0x60: {  	_ =	shalt  }
0x61: {  	_ =	shalt  }
0x62: {  	_ =	shalt  }
0x63: {  	_ =	shalt  }
0x64: {  	_ =	shalt  }
0x65: {  	_ =	shalt  }
0x66: {  	_ =	shalt  }
0x67: {  	_ =	shalt  }
0x68: {  	_ =	shalt  }
0x69: {  	_ =	shalt  }
0x6a: {  	_ =	shalt  }
0x6b: {  	_ =	shalt  }
0x6c: {  	_ =	shalt  }
0x6d: {  	_ =	shalt  }
0x6e: {  	_ =	shalt  }
0x6f: {  	_ =	shalt  }
0x70: {  	_ =	shalt  }
0x71: {  	_ =	shalt  }
0x72: {  	_ =	shalt  }
0x73: {  	_ =	shalt  }
0x74: {  	_ =	shalt  }
0x75: {  	_ =	shalt  }
0x76: {  	_ =	shalt  }
0x77: {  	_ =	shalt  }
0x78: {  	_ =	shalt  }
0x79: {  	_ =	shalt  }
0x7a: {  	_ =	shalt  }
0x7b: {  	_ =	shalt  }
0x7c: {  	_ =	shalt  }
0x7d: {  	_ =	shalt  }
0x7e: {  	_ =	shalt  }
0x7f: {  	_ =	shalt  }
0x80: {  	_ =	shalt  }
0x81: {  	_ =	shalt  }
0x82: {  	_ =	shalt  }
0x83: {  	_ =	shalt  }
0x84: {  	_ =	shalt  }
0x85: {  	_ =	shalt  }
0x86: {  	_ =	shalt  }
0x87: {  	_ =	shalt  }
.Lfunc_end0:
.L_simem_size_0:
called_computation_lowered:
.L_overlay_start_0:
0x88: {  	s2 =	sld [smem:$0x3FD9]  }
0x89: {  	s3 =	sld [smem:$0x3FFE];
	_ =	sdelay $0x1  }
0x8a: {  	s1 =	srdreg.scid  }
0x8b: {  	s0 =	sand.u32 $0x1, s1  }
0x8c: {  	s17 =	sshll.u32 s0, $0xA;
	s2 =	sadd.s32 s3, s2  }
0x8d: {  	s2 =	sadd.s32 s2, s17  }
0x8e: {  	[smem:$0x3FC2] =	sst s2  }
0x8f: {  	_ = 	snop  }
0x90: {  	s2 =	sld [smem:$0x3FD0];
	(tm) =	ssettm $0x1  }
0x91: {  	s18 =	sld [smem:$0x3FFB];
	_ =	sdelay $0x3  }
0x92: {  	_ =	strace s18  }
0x93: {  	s3 =	sld [smem:$0x3FFC];
	_ =	sdelay $0x3  }
0x94: {  	_ =	strace s3  }
0x95: {  	s3 =	sld [smem:$0x3FFD];
	_ =	sdelay $0x3  }
0x96: {  	_ =	strace s3  }
0x97: {  	_ =	strace $0x8FFFFFFF  }
0x98: {  	s19 =	sld [smem:$0x3FDB];
	_ =	sdelay $0x1  }
0x99: {  	s4 =	simm.s32 $_scs_section_size  }
0x9a: {  	s5 =	simm.s32 $_size__tile_overlayer_lowered;
	s6 =	simm.s32 $_tile_overlayer_lowered  }
0x9b: {  	s22 =	simm.s32 $0x1BFF;
	s21 =	sshll.u32 s6, $0x1;
	s3 =	sadd.s32 s4, s19  }
0x9c: {  	s7 =	simm.s32 $0x0;
	s20 =	sshll.u32 s5, $0x1;
	s5 =	sadd.s32 s21, s3  }
0x9d: {  	[timem:s7], [sflag:s22] =	dma.local [hbm:s5], s20  }
0x9e: {  	_ =	swait.ge [sflag:s22], s20  }
0x9f: {  	s4 =	ssub.s32 $0x0, s20;
	[sflag:s22] =	ssyncset.done $0x0  }
0xa0: {  	[sflag:s22] =	ssyncadd.s32 s4;
	_ =	sdelay $0x1  }
0xa1: {  	s23 =	simm.s32 $0x1B8B  }
0xa2: {  	_ =	swait.ge [sflag:s23], $0x1  }
0xa3: {  	[sflag:s23] =	ssyncset.done $0x0  }
0xa4: {  	s25 =	simm.s32 $0x1B8E;
	s24 =	sld [smem:$0x3FFE];
	[sflag:s23] =	ssyncadd.s32 $0xFFFFFFFF  }
0xa5: {  	s26 =	simm.s32 $execute0_lowered;
	[smem:$0x3FD2] =	sst s25  }
0xa6: {  	s5 =	sshll.u32 s26, $0x1;
	_ =	strace $0x80000046;
	[dreg:$0x1] =	wrdreg $0xFFFFFFFF  }
0xa7: {  	s28 =	simm.s32 $_size_execute0_lowered;
	s3 =	sadd.s32 s3, s5;
	[dreg:$0x0] =	wrdreg $0x0  }
0xa8: {  	s5 =	sshll.u32 s28, $0x1;
	[dreg:$0x2] =	wrdreg s3  }
0xa9: {  	[dreg:$0x3] =	wrdreg s5  }
0xaa: {  	[dreg:$0x4] =	wrdreg $0xC0  }
0xab: {  	_ =	task [dreg:s7], $0x5FFFF  }
0xac: {  	[dreg:$0x1] =	wrdreg $0xFFFFFFFF  }
0xad: {  	[dreg:$0x0] =	wrdreg $0x60  }
0xae: {  	[dreg:$0x2] =	wrdreg s24  }
0xaf: {  	[dreg:$0x3] =	wrdreg s2  }
0xb0: {  	[dreg:$0x4] =	wrdreg $0x7A800  }
0xb1: {  	[dreg:$0x5] =	wrdreg $0x9  }
0xb2: {  	_ =	task.clear_ibuf [dreg:s7], $0x6FFFF;
	_ =	strace $0x90000046  }
0xb3: {  	s29 =	simm.s32 $0x9;
	_ =	strace $0x80000048  }
0xb4: {  	_ =	swait.ge [sflag:s29], $0x1  }
0xb5: {  	[sflag:s29] =	ssyncadd.s32 $0xFFFFFFFF  }
0xb6: {  	_ =	strace $0x90000048  }
0xb7: {  	_ =	sfence  }
0xb8: {  	s30 =	sld [smem:$0x0];
	_ =	sdelay $0x2  }
0xb9: {  	s31 =	sshll.u32 s1, $0xD;
	s1 =	sshrl.u32 s1, $0x2  }
0xba: {  	s3 =	sand.u32 $0x4000, s31;
	s1 =	sadd.s32 s1, s30  }
0xbb: {  	s0 =	sor.u32 s3, s0;
	s1 =	sshll.u32 s1, $0x11  }
0xbc: {  	s0 =	sor.u32 s1, s0  }
0xbd: {  	s0 =	sadd.s32 $0x8F2B, s0  }
0xbe: {  	[sflag:s0] =	ssyncadd.remote.s32 $0x1  }
0xbf: {  	_ =	sfence.sel $0xFFFF  }
0xc0: {  	[dreg:$0x0] =	wrdreg $0xFFFFFFFF;
	(pc) =	sbr.abs _section_cstart, $3  }
0xc1: {  	[dreg:$0x1] =	wrdreg $0xFFFFFFFF  }
0xc2: {  	_ =	task.clear_ibuf [dreg:s7], $0x2FFFF;
	_ =	strace $0x9FFFFFFF  }
0xc3: {  	(tm) =	ssettm $0x7FFFFFFF  }
tec
execute0_lowered:
.L_overlay_start_1:
0x0: {  	(tag) =	ssettag $0x1  }
0x1: {  	s3 =	rddreg [dreg:$0x0]  }
0x2: {  	s6 =	rddreg [dreg:$0x1];
	s0 =	srdreg.scid  }
0x3: {  	s5 =	rddreg [dreg:$0x2];
	s1 =	stileid.u32  }
0x4: {  	s2 =	simm.s32 $0x0;
	s12 =	simm.s32 $0x1400;
	s13 =	simm.s32 $0x14000  }
0x5: {  	s14 =	simm.s32 $0x5000;
	s15 =	simm.s32 $0x100;
	s8 =	smul.u32 $0x2800, s1  }
0x6: {  	s4 =	sand.u32 $0x1, s0;
	s0 =	rddreg [dreg:$0x3];
	s29 =	smul.u32 $0x500, s1  }
0x7: {  	s16 =	simm.s32 $0x7800;
	[smem:$0x7FF] =	sst s2;
	s11 =	smul.u32 $0x5000, s1  }
0x8: {  	s10 =	sshrl.u32 s1, $0x3;
	s28 =	sshll.u32 s1, $0x7;
	s7 =	smul.u32 $0x28000, s4  }
0x9: {  	_ =	strace $0x80000047;
	s24 =	ssub.s32 $0x2, s4;
	s4 =	sshll.u32 s4, $0x7  }
0xa: {  	s26 =	smul.u32 $0x50000, s10;
	s9 =	sshrl.u32 s24, $0x1;
	s10 =	sor.u32 s4, s29  }
0xb: {  	s30 =	sshrl.u32 s11, $0x2;
	s11 =	simm.s32 $0x400;
	s7 =	sadd.s32 s8, s7  }
0xc: {  	s25 =	ssub.s32 s24, s9;
	s8 =	sshrl.u32 s26, $0x2;
	s9 =	sand.u32 $0x380, s28  }
0xd: {  	s31 =	sshrl.u32 s10, $0x3;
	s10 =	simm.s32 $0x80;
	s7 =	sshrl.u32 s7, $0x3  }
0xe: {  	s8 =	sadd.s32 s8, s5;
	s5 =	sadd.s32 s30, s5;
	s6 =	sadd.s32 s6, s31  }
0xf: {  	s3 =	sadd.s32 s7, s3;
	s4 =	sadd.s32 s9, s8;
	s7 =	smax.u32 s25, $0x1  }
0x10: {  	v0 =	vimm.f32 $0.0e+00;
	s8 =	simm.s32 $0x1;
	s9 =	simm.s32 $0x2800;
	s3 =	sadd.s32 $0x2A00, s3  }
.LBB2_1:
0x11: {  	s17 =	simm.s32 $0x40;
	s18 =	simm.s32 $0x0  }
.LBB2_2:
0x12: {  	p0 =	sne.s32 s17, $0x9FC0;
	[tilespmem:s18+$0x2800] =	vst v0;
	s18 =	smov.u32 s17;
	s17 =	sadd.s32 $0x40, s17  }
.Ltmp0:
0x13: {  	(pc) =	sbr.rel @p0 .LBB2_2-.Ltmp0, $2  }
0x14: {  	_ =	sdelay $0x2  }
0x15: {  	s18 =	sshra.s32 s18, $0x2  }
0x16: {  	[tilespmem:s18+$0x2800] =	vst v0;
	s17 =	simm.s32 $0x0  }
0x17: {  	[tilespmem:s17], [sflag:$0x1] =	stream.linear.gather [hbm4b:s3+s17], $0x2800, $0x38;
	[tilespmem:$0xA280] =	vst v63  }
0x18: {  	s30 =	sand.u32 $0xFE00, s17;
	_ =	swait.ge [sflag:s8], $0x2800  }
0x19: {  	s17 =	sand.u32 $0x70, s17;
	s18 =	sshrl.u32 s30, $0x2;
	[sflag:s8] =	ssyncset.done $0x0  }
0x1a: {  	s17 =	sor.u32 s17, s18;
	[sflag:s8] =	ssyncadd.s32 $0xFFFFD800  }
0x1b: {  	v1 =	vld [tilespmem:s17+$0x0];
	_ =	sdelay $0x4  }
0x1c: {  	(xrf1) =	vunique.msk.u32 $0xffff, v1;
	_ =	sdelay $0xd  }
0x1d: {  	_, v2, vm0 =	vpop (xrf1);
	_ =	sdelay $0x2  }
0x1e: {  	s31 =	simm.s32 $0x40  }
0x1f: {  	s19 =	sand.u32 $0xFE00, s31;
	s18 =	simm.s32 $0x10;
	s17 =	simm.s32 $0x80;
	v2 =	vcvt.s32.f32 v2  }
.LBB2_4:
0x20: {  	p0 =	sne.s32 s17, $0x9FC0;
	s20 =	sand.u32 $0x70, s18;
	s19 =	sshrl.u32 s19, $0x2  }
0x21: {  	s19 =	sor.u32 s20, s19;
	[tilespmem:v1+s9+$0x0] =	vst.idx.add.f32.msk vm0, v2  }
0x22: {  	v1 =	vld [tilespmem:s19+$0x0];
	_ =	sdelay $0x4  }
0x23: {  	(xrf1) =	vunique.msk.u32 $0xffff, v1;
	_ =	sdelay $0xd  }
.Ltmp1:
0x24: {  	_, v2, vm0 =	vpop (xrf1);
	(pc) =	sbr.rel @p0 .LBB2_4-.Ltmp1, $2  }
0x25: {  	_ =	sdelay $0x2  }
0x26: {  	s18 =	sadd.s32 $0x10, s18;
	s19 =	sand.u32 $0xFE00, s17;
	s17 =	sadd.s32 $0x40, s17;
	v2 =	vcvt.s32.f32 v2  }
0x27: {  	_ =	sdelay $0x3  }
0x28: {  	s17 =	sand.u32 $0x70, s18;
	s28 =	sshrl.u32 s19, $0x2  }
0x29: {  	s17 =	sor.u32 s17, s28;
	[tilespmem:v1+s9+$0x0] =	vst.idx.add.f32.msk vm0, v2  }
0x2a: {  	v1 =	vld [tilespmem:s17+$0x0];
	_ =	sdelay $0x4  }
0x2b: {  	(xrf1) =	vunique.msk.u32 $0xffff, v1;
	_ =	sdelay $0xd  }
0x2c: {  	_, v2, vm0 =	vpop (xrf1);
	_ =	sdelay $0x3  }
0x2d: {  	v2 =	vcvt.s32.f32 v2;
	_ =	sdelay $0x1  }
0x2e: {  	[tilespmem:v1+s9+$0x0] =	vst.idx.add.f32.msk vm0, v2  }
0x2f: {  	[spmem:s4] =	stream.strided.scatter [tilespmem:s9], [sflag:$0x1], $0x2800, s11, s10, $0x38;
	[tilespmem:$0xA280] =	vst v63  }
0x30: {  	_ =	swait.ge [sflag:s8], $0x2800  }
0x31: {  	[sflag:s8] =	ssyncset.done $0x0  }
0x32: {  	[sflag:s8] =	ssyncadd.s32 $0xFFFFD800  }
0x33: {  	[bflag:$0x0] =	sbarrier.arrive $0xFFFF  }
0x34: {  	[tilespmem:s14], [sflag:$0x1] =	stream.strided.gather [spmem:s5], $0x2800, s13, s12, $0x38;
	[tilespmem:$0xA280] =	vst v63  }
0x35: {  	s29 =	simm.s32 $0x0;
	_ =	swait.ge [sflag:s8], $0x2800  }
0x36: {  	s30 =	sand.u32 $0x70, s29;
	s17 =	sand.u32 $0x1C00, s29;
	[sflag:s8] =	ssyncset.done $0x0  }
0x37: {  	s17 =	sor.u32 s30, s17;
	[sflag:s8] =	ssyncadd.s32 $0xFFFFD800  }
0x38: {  	v1 =	vld [tilespmem:s17+$0x5000];
	_ =	sdelay $0x1  }
0x39: {  	v2 =	vld [tilespmem:s17+$0x5080];
	_ =	sdelay $0x1  }
0x3a: {  	v3 =	vld [tilespmem:s17+$0x5100]  }
0x3b: {  	v1 =	vadd.f32 $0.0e+00, v1  }
0x3c: {  	v4 =	vld [tilespmem:s17+$0x5180]  }
0x3d: {  	v1 =	vadd.f32 v2, v1  }
0x3e: {  	v2 =	vld [tilespmem:s17+$0x5200]  }
0x3f: {  	v1 =	vadd.f32 v3, v1  }
0x40: {  	v3 =	vld [tilespmem:s17+$0x5280]  }
0x41: {  	v1 =	vadd.f32 v4, v1  }
0x42: {  	v60 =	vld [tilespmem:s17+$0x5300]  }
0x43: {  	v1 =	vadd.f32 v2, v1  }
0x44: {  	v2 =	vld [tilespmem:s17+$0x5380]  }
0x45: {  	v1 =	vadd.f32 v3, v1  }
0x46: {  	v3 =	vld [tilespmem:s17+$0x6400]  }
0x47: {  	v1 =	vadd.f32 v60, v1  }
0x48: {  	v61 =	vld [tilespmem:s17+$0x6480]  }
0x49: {  	v1 =	vadd.f32 v2, v1  }
0x4a: {  	v2 =	vld [tilespmem:s17+$0x6500]  }
0x4b: {  	v1 =	vadd.f32 v3, v1  }
0x4c: {  	v3 =	vld [tilespmem:s17+$0x6580]  }
0x4d: {  	v1 =	vadd.f32 v61, v1  }
0x4e: {  	v62 =	vld [tilespmem:s17+$0x6600]  }
0x4f: {  	v1 =	vadd.f32 v2, v1  }
0x50: {  	v2 =	vld [tilespmem:s17+$0x6680]  }
0x51: {  	v1 =	vadd.f32 v3, v1  }
0x52: {  	v3 =	vld [tilespmem:s17+$0x6700]  }
0x53: {  	v1 =	vadd.f32 v62, v1  }
0x54: {  	v63 =	vld [tilespmem:s17+$0x6780]  }
0x55: {  	v1 =	vadd.f32 v2, v1;
	_ =	sdelay $0x1  }
0x56: {  	v1 =	vadd.f32 v3, v1;
	_ =	sdelay $0x1  }
0x57: {  	s31 =	simm.s32 $0x10;
	s18 =	simm.s32 $0x80;
	s19 =	simm.s32 $0x20;
	v1 =	vadd.f32 v63, v1  }
0x58: {  	s20 =	sand.u32 $0x70, s31;
	s21 =	sand.u32 $0x1C00, s18;
	s17 =	simm.s32 $0x7800  }
.LBB2_6:
0x59: {  	p0 =	sne.s32 s19, $0x270;
	s20 =	sor.u32 s20, s21;
	[tilespmem:s17+$0x0] =	vst v1  }
0x5a: {  	v1 =	vld [tilespmem:s20+$0x5000];
	_ =	sdelay $0x1  }
0x5b: {  	v2 =	vld [tilespmem:s20+$0x5080];
	_ =	sdelay $0x1  }
0x5c: {  	v3 =	vld [tilespmem:s20+$0x5100]  }
0x5d: {  	v1 =	vadd.f32 $0.0e+00, v1  }
0x5e: {  	v4 =	vld [tilespmem:s20+$0x5180]  }
0x5f: {  	v1 =	vadd.f32 v2, v1  }
0x60: {  	v2 =	vld [tilespmem:s20+$0x5200]  }
0x61: {  	v1 =	vadd.f32 v3, v1  }
0x62: {  	v3 =	vld [tilespmem:s20+$0x5280]  }
0x63: {  	v1 =	vadd.f32 v4, v1  }
0x64: {  	v4 =	vld [tilespmem:s20+$0x5300]  }
0x65: {  	v1 =	vadd.f32 v2, v1  }
0x66: {  	v2 =	vld [tilespmem:s20+$0x5380]  }
0x67: {  	v1 =	vadd.f32 v3, v1  }
0x68: {  	v3 =	vld [tilespmem:s20+$0x6400]  }
0x69: {  	v1 =	vadd.f32 v4, v1  }
0x6a: {  	v4 =	vld [tilespmem:s20+$0x6480]  }
0x6b: {  	v1 =	vadd.f32 v2, v1  }
0x6c: {  	v2 =	vld [tilespmem:s20+$0x6500]  }
0x6d: {  	v1 =	vadd.f32 v3, v1  }
0x6e: {  	v3 =	vld [tilespmem:s20+$0x6580]  }
0x6f: {  	v1 =	vadd.f32 v4, v1  }
0x70: {  	v4 =	vld [tilespmem:s20+$0x6600]  }
0x71: {  	v1 =	vadd.f32 v2, v1  }
0x72: {  	v2 =	vld [tilespmem:s20+$0x6680]  }
0x73: {  	v1 =	vadd.f32 v3, v1  }
0x74: {  	v3 =	vld [tilespmem:s20+$0x6700]  }
0x75: {  	v1 =	vadd.f32 v4, v1  }
0x76: {  	v4 =	vld [tilespmem:s20+$0x6780]  }
0x77: {  	v1 =	vadd.f32 v2, v1  }
.Ltmp2:
0x78: {  	(pc) =	sbr.rel @p0 .LBB2_6-.Ltmp2, $3  }
0x79: {  	v1 =	vadd.f32 v3, v1;
	_ =	sdelay $0x1  }
0x7a: {  	s18 =	sadd.s32 $0x80, s18;
	s17 =	sadd.s32 $0x10, s17;
	v1 =	vadd.f32 v4, v1  }
0x7b: {  	s21 =	sand.u32 $0x1C00, s18;
	s20 =	sand.u32 $0x70, s19;
	s19 =	sadd.s32 $0x10, s19  }
0x7c: {  	s18 =	sor.u32 s20, s21;
	[tilespmem:s17+$0x0] =	vst v1  }
0x7d: {  	v1 =	vld [tilespmem:s18+$0x5000];
	_ =	sdelay $0x1  }
0x7e: {  	v2 =	vld [tilespmem:s18+$0x5080];
	_ =	sdelay $0x1  }
0x7f: {  	v3 =	vld [tilespmem:s18+$0x5100]  }
0x80: {  	v1 =	vadd.f32 $0.0e+00, v1  }
0x81: {  	v4 =	vld [tilespmem:s18+$0x5180]  }
0x82: {  	v1 =	vadd.f32 v2, v1  }
0x83: {  	v2 =	vld [tilespmem:s18+$0x5200]  }
0x84: {  	v1 =	vadd.f32 v3, v1  }
0x85: {  	v3 =	vld [tilespmem:s18+$0x5280]  }
0x86: {  	v1 =	vadd.f32 v4, v1  }
0x87: {  	v60 =	vld [tilespmem:s18+$0x5300]  }
0x88: {  	v1 =	vadd.f32 v2, v1  }
0x89: {  	v2 =	vld [tilespmem:s18+$0x5380]  }
0x8a: {  	v1 =	vadd.f32 v3, v1  }
0x8b: {  	v3 =	vld [tilespmem:s18+$0x6400]  }
0x8c: {  	v1 =	vadd.f32 v60, v1  }
0x8d: {  	v61 =	vld [tilespmem:s18+$0x6480]  }
0x8e: {  	v1 =	vadd.f32 v2, v1  }
0x8f: {  	v2 =	vld [tilespmem:s18+$0x6500]  }
0x90: {  	v1 =	vadd.f32 v3, v1  }
0x91: {  	v3 =	vld [tilespmem:s18+$0x6580]  }
0x92: {  	v1 =	vadd.f32 v61, v1  }
0x93: {  	v62 =	vld [tilespmem:s18+$0x6600]  }
0x94: {  	v1 =	vadd.f32 v2, v1  }
0x95: {  	v2 =	vld [tilespmem:s18+$0x6680]  }
0x96: {  	v1 =	vadd.f32 v3, v1  }
0x97: {  	v3 =	vld [tilespmem:s18+$0x6700]  }
0x98: {  	v1 =	vadd.f32 v62, v1  }
0x99: {  	v63 =	vld [tilespmem:s18+$0x6780]  }
0x9a: {  	v1 =	vadd.f32 v2, v1;
	_ =	sdelay $0x1  }
0x9b: {  	v1 =	vadd.f32 v3, v1;
	_ =	sdelay $0x1  }
0x9c: {  	s2 =	sadd.s32 $0x1, s2;
	v1 =	vadd.f32 v63, v1  }
0x9d: {  	s31 =	sadd.s32 $0x10, s17;
	p0 =	sne.s32 s2, s7  }
.Ltmp3:
0x9e: {  	[tilespmem:s31+$0x0] =	vst v1;
	(pc) =	sbr.rel @p0 .LBB2_1-.Ltmp3, $4  }
0x9f: {  	[hbm4b:s6+s10] =	stream.strided.scatter [tilespmem:s16], [sflag:$0x1], $0x280, s15, s10, $0x38;
	[tilespmem:$0xA280] =	vst v63  }
0xa0: {  	_ =	swait.ge [sflag:s8], $0x280  }
0xa1: {  	[sflag:s8] =	ssyncset.done $0x0  }
0xa2: {  	[sflag:s8] =	ssyncadd.s32 $0xFFFFFD80  }
0xa3: {  	_ =	sfence.sel $0x180000  }
0xa4: {  	[bflag:$0x0] =	sbarrier.arrive $0xFFFF  }
0xa5: {  	p0 =	sne.s32 s1, $0x0;
	_ =	strace $0x90000047  }
0xa6: {  	s0 =	sadd.s32 @!p0 $0x100000, s0;
	[bflag:$0x2] =	sbarrier.arrive $0xFFFF  }
0xa7: {  	[sflag:s0] =	ssyncadd.tile.s32 @!p0 $0x1;
	_ =	shalt  }
.Lfunc_end2:
_tile_overlayer_lowered:
.L_overlay_start_2:
0xa8: {  	(tag) =	ssettag $0x2  }
0xa9: {  	s0 =	rddreg [dreg:$0x0];
	s2 =	stileid.u32  }
0xaa: {  	s1 =	rddreg [dreg:$0x1];
	p0 =	sne.s32 s2, $0x0  }
0xab: {  	s3 =	rddreg [dreg:$0x2];
	[bflag:$0x3] =	sbarrier.arrive $0xFFFF;
	s2 =	simm.s32 @!p0 $0x1C01  }
0xac: {  	[timem:s3], [sflag:s2] =	dma.local @!p0 [hbm:s0], s1  }
0xad: {  	s0 =	simm.s32 @!p0 $0x1  }
0xae: {  	_ =	swait.ge @!p0 [sflag:s0], s1  }
0xaf: {  	s1 =	ssub.s32 @!p0 $0x0, s1;
	[sflag:s0] =	ssyncset.done @!p0 $0x0  }
0xb0: {  	[sflag:s0] =	ssyncadd.s32 @!p0 s1  }
0xb1: {  	[bflag:$0x3] =	sbarrier.arrive $0xFFFF  }
0xb2: {  	_ =	shalt  }

</sc_bundles>
